<compile_context>
chip_gen: v7x
topology: tpu7x:2x2x1
jax: 0.10.2.dev20260603
libtpu: 0.0.44.dev20260713+nightly
codegen_flags: <defaults>
</compile_context>

<pallas_src>
import functools

import jax
import jax.numpy as jnp
from jax import lax
from jax.experimental import pallas as pl
from jax.experimental.pallas import tpu as pltpu
from jax.experimental.pallas import tpu_sc as plsc

N_NODES = 10000
N_PAD = 10240
N_EDGES = 320000
NC = 2
NS = 16
NW = NC * NS
CH = 128
NIT = 80
EPW = NIT * CH
E_PAD = NW * EPW
NBUF = 4
STRIPE = N_PAD // NS

_MESH = plsc.VectorSubcoreMesh(core_axis_name="c", subcore_axis_name="s")


def _zero_rows(buf, n_rows, width):
  z16 = jnp.zeros((16,), jnp.float32)

  def body(i, _):
    for j in range(width // 16):
      buf[i, pl.ds(j * 16, 16)] = z16
    return 0

  lax.fori_loop(0, n_rows, body, 0)


DW = 16


DCHK = 128
DNCH = E_PAD // (NW * DCHK)


def _sc_degrees_body(src_hbm, dst_hbm, out_hbm, sidx_v, didx_v, ones_v, zer_v,
                     deg_sh, sem0, sem1):
  cid = lax.axis_index("c")
  sid = lax.axis_index("s")
  wid = sid * NC + cid

  lane = lax.iota(jnp.int32, 16)
  onehot = jnp.where(lane == 0, 1.0, 0.0).astype(jnp.float32)

  def fill(i, _):
    ones_v[i, pl.ds(0, 16)] = onehot
    return 0

  lax.fori_loop(0, DCHK, fill, 0)
  _zero_rows(zer_v, STRIPE, DW)
  base_r = sid * STRIPE
  pltpu.sync_copy(zer_v, deg_sh.at[0, pl.ds(base_r, STRIPE)])
  pltpu.sync_copy(zer_v, deg_sh.at[1, pl.ds(base_r, STRIPE)])
  pltpu.sync_copy(src_hbm.at[pl.ds(wid * DNCH, DNCH)], sidx_v)
  pltpu.sync_copy(dst_hbm.at[pl.ds(wid * DNCH, DNCH)], didx_v)
  plsc.subcore_barrier()

  def body(i, _):
    pltpu.async_copy(ones_v, deg_sh.at[0].at[sidx_v.at[i]], sem0, add=True)
    pltpu.async_copy(ones_v, deg_sh.at[1].at[didx_v.at[i]], sem1, add=True)

    @pl.when(i > 0)
    def _drain():
      pltpu.make_async_copy(ones_v, deg_sh.at[0].at[sidx_v.at[i]], sem0).wait()
      pltpu.make_async_copy(ones_v, deg_sh.at[1].at[didx_v.at[i]], sem1).wait()

    return 0

  lax.fori_loop(0, DNCH, body, 0)
  pltpu.make_async_copy(ones_v, deg_sh.at[0].at[sidx_v.at[0]], sem0).wait()
  pltpu.make_async_copy(ones_v, deg_sh.at[1].at[didx_v.at[0]], sem1).wait()
  plsc.subcore_barrier()

  pltpu.sync_copy(deg_sh.at[0, pl.ds(base_r, STRIPE)],
                  out_hbm.at[cid, 0, pl.ds(base_r, STRIPE)])
  pltpu.sync_copy(deg_sh.at[1, pl.ds(base_r, STRIPE)],
                  out_hbm.at[cid, 1, pl.ds(base_r, STRIPE)])


_sc_degrees = pl.kernel(
    out_type=jax.ShapeDtypeStruct((NC, 2, N_PAD, DW), jnp.float32),
    mesh=_MESH,
    scratch_types=[
        pltpu.VMEM((DNCH, DCHK), jnp.int32),
        pltpu.VMEM((DNCH, DCHK), jnp.int32),
        pltpu.VMEM((DCHK, DW), jnp.float32),
        pltpu.VMEM((STRIPE, DW), jnp.float32),
        pltpu.VMEM_SHARED((2, N_PAD, DW), jnp.float32),
        pltpu.SemaphoreType.DMA,
        pltpu.SemaphoreType.DMA,
    ],
    compiler_params=pltpu.CompilerParams(use_tc_tiling_on_sc=False),
)(_sc_degrees_body)


def _make_edge_agg(FH, feat_split, K, nbuf):
  chk = K * CH
  epw = E_PAD // NS if feat_split else E_PAD // NW
  n_ch = epw // chk
  assert n_ch % nbuf == 0

  @functools.partial(
      pl.kernel,
      out_type=jax.ShapeDtypeStruct((NC, N_PAD, FH), jnp.float32),
      mesh=_MESH,
      scratch_types=[
          pltpu.VMEM((n_ch, chk), jnp.int32),
          pltpu.VMEM((n_ch, chk), jnp.int32),
          [pltpu.VMEM((chk, FH), jnp.float32) for _ in range(nbuf)],
          pltpu.VMEM_SHARED((N_PAD, FH), jnp.float32),
          [pltpu.SemaphoreType.DMA for _ in range(nbuf)],
          [pltpu.SemaphoreType.DMA for _ in range(nbuf)],
      ],
      compiler_params=pltpu.CompilerParams(use_tc_tiling_on_sc=False),
  )
  def k(h_hbm, src_hbm, dst_hbm, out_hbm, sidx_v, didx_v, rows, agg_sh,
        gsem, ssem):
    cid = lax.axis_index("c")
    sid = lax.axis_index("s")
    wid = sid if feat_split else sid * NC + cid
    tbl = h_hbm.at[cid] if feat_split else h_hbm

    _zero_rows(rows[0], CH, FH)
    base_r = sid * STRIPE
    for kk in range(STRIPE // CH):
      pltpu.sync_copy(rows[0].at[pl.ds(0, CH)],
                      agg_sh.at[pl.ds(base_r + kk * CH, CH)])
    pltpu.sync_copy(src_hbm.at[pl.ds(wid * n_ch, n_ch)], sidx_v)
    pltpu.sync_copy(dst_hbm.at[pl.ds(wid * n_ch, n_ch)], didx_v)
    plsc.subcore_barrier()

    for b in range(nbuf):
      pltpu.async_copy(tbl.at[sidx_v.at[b]], rows[b], gsem[b])

    def outer(g, _):
      for b in range(nbuf):
        i = g * nbuf + b
        pltpu.make_async_copy(tbl.at[sidx_v.at[i]], rows[b], gsem[b]).wait()
        pltpu.async_copy(rows[b], agg_sh.at[didx_v.at[i]], ssem[b], add=True)
        b2 = (b - 1) % nbuf
        m = i - 1

        @pl.when((m >= 0) & (m + nbuf < n_ch))
        def _recycle():
          pltpu.make_async_copy(rows[b2], agg_sh.at[didx_v.at[m]],
                                ssem[b2]).wait()
          pltpu.async_copy(tbl.at[sidx_v.at[m + nbuf]], rows[b2], gsem[b2])

      return 0

    lax.fori_loop(0, n_ch // nbuf, outer, 0)
    for b in range(nbuf):
      pltpu.make_async_copy(rows[b], agg_sh.at[didx_v.at[0]], ssem[b]).wait()
    plsc.subcore_barrier()

    pltpu.sync_copy(agg_sh.at[pl.ds(base_r, STRIPE)],
                    out_hbm.at[cid, pl.ds(base_r, STRIPE)])

  return k


_edge_agg_128 = _make_edge_agg(64, True, 1, 5)
_edge_agg_32 = _make_edge_agg(32, False, 1, 4)


_BLK = 1024
_GRID = N_PAD // _BLK


def _norm(deg):
  return jnp.where(deg > 0.0, lax.rsqrt(jnp.maximum(deg, 1.0)), 0.0)


def _tc_prep_kernel(deg_ref, x_ref, w1_ref, h1_ref):
  ns = _norm(deg_ref[0, 0, :, 0:1] + deg_ref[1, 0, :, 0:1])
  xs = x_ref[...] * ns
  h = jnp.dot(xs, w1_ref[...], preferred_element_type=jnp.float32)
  h1_ref[0] = h[:, 0:64]
  h1_ref[1] = h[:, 64:128]


def _tc_mid_kernel(deg_ref, a0_ref, a1_ref, b1_ref, w2_ref, h2_ref):
  nd = _norm(deg_ref[0, 1, :, 0:1] + deg_ref[1, 1, :, 0:1])
  ns = _norm(deg_ref[0, 0, :, 0:1] + deg_ref[1, 0, :, 0:1])
  a = jnp.concatenate([a0_ref[0], a1_ref[0]], axis=1)
  z = jnp.maximum(a * nd + b1_ref[...], 0.0)
  h2_ref[...] = jnp.dot(z * ns, w2_ref[...], preferred_element_type=jnp.float32)


def _tc_out_kernel(deg_ref, a0_ref, a1_ref, b2_ref, out_ref):
  nd = _norm(deg_ref[0, 1, :, 0:1] + deg_ref[1, 1, :, 0:1])
  a = a0_ref[0] + a1_ref[0]
  z = a * nd + b2_ref[...]
  m = jnp.max(z, axis=1, keepdims=True)
  e = jnp.exp(z - m)
  out_ref[...] = e / jnp.sum(e, axis=1, keepdims=True)


def _deg_spec():
  return pl.BlockSpec((NC, 2, _BLK, DW), lambda i: (0, 0, i, 0))


def _row_spec(F):
  return pl.BlockSpec((_BLK, F), lambda i: (i, 0))


def _full(shape):
  return pl.BlockSpec(shape, lambda i: tuple(0 for _ in shape))


def _tc_prep(deg, x_pad, w1):
  return pl.pallas_call(
      _tc_prep_kernel,
      grid=(_GRID,),
      in_specs=[_deg_spec(), _row_spec(128), _full((128, 128))],
      out_specs=pl.BlockSpec((NC, _BLK, 64), lambda i: (0, i, 0)),
      out_shape=jax.ShapeDtypeStruct((NC, N_PAD, 64), jnp.float32),
  )(deg, x_pad, w1)


def _tc_mid(deg, agg1, b1, w2):
  return pl.pallas_call(
      _tc_mid_kernel,
      grid=(_GRID,),
      in_specs=[
          _deg_spec(),
          pl.BlockSpec((1, _BLK, 64), lambda i: (0, i, 0)),
          pl.BlockSpec((1, _BLK, 64), lambda i: (1, i, 0)),
          _full((1, 128)),
          _full((128, 32)),
      ],
      out_specs=_row_spec(32),
      out_shape=jax.ShapeDtypeStruct((N_PAD, 32), jnp.float32),
  )(deg, agg1, agg1, b1, w2)


def _tc_out(deg, agg2, b2):
  return pl.pallas_call(
      _tc_out_kernel,
      grid=(_GRID,),
      in_specs=[
          _deg_spec(),
          pl.BlockSpec((1, _BLK, 32), lambda i: (0, i, 0)),
          pl.BlockSpec((1, _BLK, 32), lambda i: (1, i, 0)),
          _full((1, 32)),
      ],
      out_specs=_row_spec(32),
      out_shape=jax.ShapeDtypeStruct((N_PAD, 32), jnp.float32),
  )(deg, agg2, agg2, b2)


@jax.jit
def kernel(x, edge_index, W1, b1, W2, b2):
  pad = jnp.full((2, E_PAD - N_EDGES), N_NODES, jnp.int32)
  ei = jnp.concatenate([edge_index.astype(jnp.int32), pad], axis=1)
  src = ei[0].reshape(E_PAD // DCHK, DCHK)
  dst = ei[1].reshape(E_PAD // DCHK, DCHK)
  src1 = ei[0].reshape(E_PAD // CH, CH)
  dst1 = ei[1].reshape(E_PAD // CH, CH)
  src2 = ei[0].reshape(E_PAD // CH, CH)
  dst2 = ei[1].reshape(E_PAD // CH, CH)

  deg = _sc_degrees(src, dst)

  x_pad = jnp.zeros((N_PAD, 128), jnp.float32).at[:N_NODES].set(x)
  h1 = _tc_prep(deg, x_pad, W1)
  agg1 = _edge_agg_128(h1, src1, dst1)
  h2 = _tc_mid(deg, agg1, b1.reshape(1, 128), W2)
  agg2 = _edge_agg_32(h2, src2, dst2)
  out = _tc_out(deg, agg2, b2.reshape(1, 32))
  return out[:N_NODES]

# --- scband reference (transcript-rebuilt; emitter-appended) ---
"""Pipeline reference for scband-graph-convolution-network-49881750175959 (READ-ONLY COPY).

The authoritative reference and input builder live on the scoring server;
editing this copy changes nothing except your own understanding.
"""

import jax, jax.numpy as jnp
import numpy as np

N_NODES = 10000
N_EDGES = 320000
IN_FEATS = 128
HIDDEN = 128
NUM_CLASSES = 32


def setup_inputs(seed: int = 0) -> dict:
    key = jax.random.key(seed)
    k1, k2, k3, k4, k5, k6 = jax.random.split(key, 6)
    x = jax.random.normal(k1, (N_NODES, IN_FEATS), dtype=jnp.float32)
    edge_index = jax.random.randint(k2, (2, N_EDGES), 0, N_NODES, dtype=jnp.int64)
    # Glorot-style init for GraphConv weights
    W1 = jax.random.normal(k3, (IN_FEATS, HIDDEN), dtype=jnp.float32) * (1.0 / np.sqrt(IN_FEATS))
    b1 = jnp.zeros((HIDDEN,), dtype=jnp.float32)
    W2 = jax.random.normal(k4, (HIDDEN, NUM_CLASSES), dtype=jnp.float32) * (1.0 / np.sqrt(HIDDEN))
    b2 = jnp.zeros((NUM_CLASSES,), dtype=jnp.float32)
    return {"x": x, "edge_index": edge_index, "W1": W1, "b1": b1, "W2": W2, "b2": b2}


def _gcn_layer(x, W, b, src, dst, num_nodes):
    # DGL GraphConv with norm='both': h = D_in^{-1/2} A D_out^{-1/2} X W + b
    ones = jnp.ones((src.shape[0],), dtype=jnp.float32)
    deg_out = jnp.zeros((num_nodes,), dtype=jnp.float32).at[src].add(ones)
    deg_in = jnp.zeros((num_nodes,), dtype=jnp.float32).at[dst].add(ones)
    norm_src = jnp.where(deg_out > 0, jax.lax.rsqrt(jnp.maximum(deg_out, 1.0)), 0.0)
    norm_dst = jnp.where(deg_in > 0, jax.lax.rsqrt(jnp.maximum(deg_in, 1.0)), 0.0)
    h = x * norm_src[:, None]
    h = h @ W  # project first (in_feats >= out_feats path)
    msg = jnp.take(h, src, axis=0)  # gather per-edge messages
    agg = jnp.zeros((num_nodes, W.shape[1]), dtype=h.dtype).at[dst].add(msg)  # scatter-add
    return agg * norm_dst[:, None] + b


def reference(x, edge_index, W1, b1, W2, b2):
    src = edge_index[0]
    dst = edge_index[1]
    n = x.shape[0]
    h = _gcn_layer(x, W1, b1, src, dst, n)
    h = jax.nn.relu(h)
    h = _gcn_layer(h, W2, b2, src, dst, n)
    return jax.nn.softmax(h, axis=-1)

if __name__ == "__main__":
    import jax
    _d = setup_inputs()
    print(jax.jit(kernel)(*tuple(_d.values())))

</pallas_src>

<mosaic_0001>
#map = affine_map<(d0, d1) -> (0, 0)>
#map1 = affine_map<(d0, d1) -> (0, 0, 0)>
module attributes {stable_mosaic.version = 14 : i64} {
  func.func @k(%arg0: i32, %arg1: i32, %arg2: memref<10240x32xf32, #tpu.memory_space<hbm>>, %arg3: memref<2560x128xi32, #tpu.memory_space<hbm>>, %arg4: memref<2560x128xi32, #tpu.memory_space<hbm>>, %arg5: memref<2x10240x32xf32, #tpu.memory_space<hbm>>, %arg6: memref<80x128xi32, #tpu.memory_space<vmem>>, %arg7: memref<80x128xi32, #tpu.memory_space<vmem>>, %arg8: memref<128x32xf32, #tpu.memory_space<vmem>>, %arg9: memref<128x32xf32, #tpu.memory_space<vmem>>, %arg10: memref<128x32xf32, #tpu.memory_space<vmem>>, %arg11: memref<128x32xf32, #tpu.memory_space<vmem>>, %arg12: memref<10240x32xf32, #tpu.memory_space<vmem_shared>>, %arg13: memref<!tpu.dma_semaphore, #tpu.memory_space<semaphore_mem>>, %arg14: memref<!tpu.dma_semaphore, #tpu.memory_space<semaphore_mem>>, %arg15: memref<!tpu.dma_semaphore, #tpu.memory_space<semaphore_mem>>, %arg16: memref<!tpu.dma_semaphore, #tpu.memory_space<semaphore_mem>>, %arg17: memref<!tpu.dma_semaphore, #tpu.memory_space<semaphore_mem>>, %arg18: memref<!tpu.dma_semaphore, #tpu.memory_space<semaphore_mem>>, %arg19: memref<!tpu.dma_semaphore, #tpu.memory_space<semaphore_mem>>, %arg20: memref<!tpu.dma_semaphore, #tpu.memory_space<semaphore_mem>>) attributes {dimension_semantics = [#tpu.dimension_semantics<core_parallel>, #tpu.dimension_semantics<subcore_parallel>], iteration_bounds = array<i64: 2, 16>, scalar_prefetch = 0 : i64, scratch_operands = 15 : i64, tpu.core_type = #tpu.core_type<sc_vector_subcore>, window_params = [{transform_indices = #map}, {transform_indices = #map}, {transform_indices = #map}, {transform_indices = #map1}]} {
    %mul3A = arith.constant 2 : i32
    %mul3A_0 = arith.muli %arg1, %mul3A : i32
    %add3A = arith.addi %mul3A_0, %arg0 : i32
    %broadcast_in_dim3A = arith.constant 0.000000e+00 : f32
    %broadcast_in_dim3A_1 = vector.broadcast %broadcast_in_dim3A : f32 to vector<16xf32>
    %scan3A = arith.constant 0 : i32
    %scan3A_2 = arith.constant 0 : i32
    %scan3A_3 = arith.constant 128 : i32
    %scan3A_4 = arith.addi %scan3A_2, %scan3A_3 : i32
    %scan3A_5 = arith.constant 1 : i32
    %scan3A_6 = scf.for %scan3A_86 = %scan3A_2 to %scan3A_4 step %scan3A_5 iter_args(%scan3A_87 = %scan3A) -> (i32)  : i32 {
      %swap3A = arith.index_cast %scan3A_86 : i32 to index
      %swap3A_88 = arith.constant 0 : index
      %swap3A_89 = tpu.vector_load %arg8[%swap3A, %swap3A_88] {strides = array<i32>} : memref<128x32xf32, #tpu.memory_space<vmem>>, vector<1x16xf32>,
      %swap3A_90 = vector.shape_cast %swap3A_89 : vector<1x16xf32> to vector<16xf32>
      %swap3A_91 = vector.shape_cast %broadcast_in_dim3A_1 : vector<16xf32> to vector<1x16xf32>
      tpu.vector_store %arg8[%swap3A, %swap3A_88], %swap3A_91 {strides = array<i32>} : memref<128x32xf32, #tpu.memory_space<vmem>>, vector<1x16xf32>,
      %swap3A_92 = arith.index_cast %scan3A_86 : i32 to index
      %swap3A_93 = arith.constant 16 : index
      %swap3A_94 = tpu.vector_load %arg8[%swap3A_92, %swap3A_93] {strides = array<i32>} : memref<128x32xf32, #tpu.memory_space<vmem>>, vector<1x16xf32>,
      %swap3A_95 = vector.shape_cast %swap3A_94 : vector<1x16xf32> to vector<16xf32>
      %swap3A_96 = vector.shape_cast %broadcast_in_dim3A_1 : vector<16xf32> to vector<1x16xf32>
      tpu.vector_store %arg8[%swap3A_92, %swap3A_93], %swap3A_96 {strides = array<i32>} : memref<128x32xf32, #tpu.memory_space<vmem>>, vector<1x16xf32>,
      %scan3A_97 = arith.constant 0 : i32
      scf.yield %scan3A_97 : i32
    }
    %scan3A_7 = arith.constant 128 : i32
    %mul3A_8 = arith.constant 640 : i32
    %mul3A_9 = arith.muli %arg1, %mul3A_8 : i32
    %add3A_10 = arith.constant 0 : i32
    %add3A_11 = arith.addi %mul3A_9, %add3A_10 : i32
    "tpu.region"() ({
      %run_scoped3A = tpu.sem_alloc : memref<!tpu.dma_semaphore, #tpu.memory_space<semaphore_mem>>
      %dma_start3A_86 = arith.constant 0 : i32
      %dma_start3A_87 = arith.constant 0 : i32
      %dma_start3A_88 = tpu.memref_slice %arg8[%dma_start3A_86, %dma_start3A_87] : memref<128x32xf32, #tpu.memory_space<vmem>> -> memref<128x32xf32, #tpu.memory_space<vmem>>
      %dma_start3A_89 = arith.constant 0 : i32
      %dma_start3A_90 = tpu.memref_slice %arg12[%add3A_11, %dma_start3A_89] : memref<10240x32xf32, #tpu.memory_space<vmem_shared>> -> memref<128x32xf32, #tpu.memory_space<vmem_shared>>
      %dma_start3A_91 = arith.constant 0 : i32
      %dma_start3A_92 = tpu.memref_slice %arg12[%add3A_11, %dma_start3A_91] : memref<10240x32xf32, #tpu.memory_space<vmem_shared>> -> memref<128x32xf32, #tpu.memory_space<vmem_shared>>
      %dma_start3A_93 = arith.constant 0 : i32
      %dma_start3A_94 = arith.constant 0 : i32
      %dma_start3A_95 = tpu.memref_slice %arg8[%dma_start3A_93, %dma_start3A_94] : memref<128x32xf32, #tpu.memory_space<vmem>> -> memref<128x32xf32, #tpu.memory_space<vmem>>
      tpu.enqueue_dma source(%dma_start3A_95 : memref<128x32xf32, #tpu.memory_space<vmem>>) target(%dma_start3A_92 : memref<128x32xf32, #tpu.memory_space<vmem_shared>>) target_semaphore(%run_scoped3A : memref<!tpu.dma_semaphore, #tpu.memory_space<semaphore_mem>>)
      %dma_wait3A_96 = arith.constant 0 : i32
      %dma_wait3A_97 = arith.constant 0 : i32
      %dma_wait3A_98 = tpu.memref_slice %arg8[%dma_wait3A_96, %dma_wait3A_97] : memref<128x32xf32, #tpu.memory_space<vmem>> -> memref<128x32xf32, #tpu.memory_space<vmem>>
      %dma_wait3A_99 = arith.constant 0 : i32
      %dma_wait3A_100 = tpu.memref_slice %arg12[%add3A_11, %dma_wait3A_99] : memref<10240x32xf32, #tpu.memory_space<vmem_shared>> -> memref<128x32xf32, #tpu.memory_space<vmem_shared>>
      %dma_wait3A_101 = arith.constant 0 : i32
      %dma_wait3A_102 = tpu.memref_slice %arg12[%add3A_11, %dma_wait3A_101] : memref<10240x32xf32, #tpu.memory_space<vmem_shared>> -> memref<128x32xf32, #tpu.memory_space<vmem_shared>>
      %dma_wait3A_103 = arith.constant 0 : i32
      %dma_wait3A_104 = arith.constant 0 : i32
      %dma_wait3A_105 = tpu.memref_slice %arg8[%dma_wait3A_103, %dma_wait3A_104] : memref<128x32xf32, #tpu.memory_space<vmem>> -> memref<128x32xf32, #tpu.memory_space<vmem>>
      tpu.wait_dma2 semaphore(%run_scoped3A : memref<!tpu.dma_semaphore, #tpu.memory_space<semaphore_mem>>) src(%dma_wait3A_105 : memref<128x32xf32, #tpu.memory_space<vmem>>) dst(%dma_wait3A_102 : memref<128x32xf32, #tpu.memory_space<vmem_shared>>)
      tpu.yield
    }) : () -> ()
    %add3A_12 = arith.constant 128 : i32
    %add3A_13 = arith.addi %mul3A_9, %add3A_12 : i32
    "tpu.region"() ({
      %run_scoped3A = tpu.sem_alloc : memref<!tpu.dma_semaphore, #tpu.memory_space<semaphore_mem>>
      %dma_start3A_86 = arith.constant 0 : i32
      %dma_start3A_87 = arith.constant 0 : i32
      %dma_start3A_88 = tpu.memref_slice %arg8[%dma_start3A_86, %dma_start3A_87] : memref<128x32xf32, #tpu.memory_space<vmem>> -> memref<128x32xf32, #tpu.memory_space<vmem>>
      %dma_start3A_89 = arith.constant 0 : i32
      %dma_start3A_90 = tpu.memref_slice %arg12[%add3A_13, %dma_start3A_89] : memref<10240x32xf32, #tpu.memory_space<vmem_shared>> -> memref<128x32xf32, #tpu.memory_space<vmem_shared>>
      %dma_start3A_91 = arith.constant 0 : i32
      %dma_start3A_92 = tpu.memref_slice %arg12[%add3A_13, %dma_start3A_91] : memref<10240x32xf32, #tpu.memory_space<vmem_shared>> -> memref<128x32xf32, #tpu.memory_space<vmem_shared>>
      %dma_start3A_93 = arith.constant 0 : i32
      %dma_start3A_94 = arith.constant 0 : i32
      %dma_start3A_95 = tpu.memref_slice %arg8[%dma_start3A_93, %dma_start3A_94] : memref<128x32xf32, #tpu.memory_space<vmem>> -> memref<128x32xf32, #tpu.memory_space<vmem>>
      tpu.enqueue_dma source(%dma_start3A_95 : memref<128x32xf32, #tpu.memory_space<vmem>>) target(%dma_start3A_92 : memref<128x32xf32, #tpu.memory_space<vmem_shared>>) target_semaphore(%run_scoped3A : memref<!tpu.dma_semaphore, #tpu.memory_space<semaphore_mem>>)
      %dma_wait3A_96 = arith.constant 0 : i32
      %dma_wait3A_97 = arith.constant 0 : i32
      %dma_wait3A_98 = tpu.memref_slice %arg8[%dma_wait3A_96, %dma_wait3A_97] : memref<128x32xf32, #tpu.memory_space<vmem>> -> memref<128x32xf32, #tpu.memory_space<vmem>>
      %dma_wait3A_99 = arith.constant 0 : i32
      %dma_wait3A_100 = tpu.memref_slice %arg12[%add3A_13, %dma_wait3A_99] : memref<10240x32xf32, #tpu.memory_space<vmem_shared>> -> memref<128x32xf32, #tpu.memory_space<vmem_shared>>
      %dma_wait3A_101 = arith.constant 0 : i32
      %dma_wait3A_102 = tpu.memref_slice %arg12[%add3A_13, %dma_wait3A_101] : memref<10240x32xf32, #tpu.memory_space<vmem_shared>> -> memref<128x32xf32, #tpu.memory_space<vmem_shared>>
      %dma_wait3A_103 = arith.constant 0 : i32
      %dma_wait3A_104 = arith.constant 0 : i32
      %dma_wait3A_105 = tpu.memref_slice %arg8[%dma_wait3A_103, %dma_wait3A_104] : memref<128x32xf32, #tpu.memory_space<vmem>> -> memref<128x32xf32, #tpu.memory_space<vmem>>
      tpu.wait_dma2 semaphore(%run_scoped3A : memref<!tpu.dma_semaphore, #tpu.memory_space<semaphore_mem>>) src(%dma_wait3A_105 : memref<128x32xf32, #tpu.memory_space<vmem>>) dst(%dma_wait3A_102 : memref<128x32xf32, #tpu.memory_space<vmem_shared>>)
      tpu.yield
    }) : () -> ()
    %add3A_14 = arith.constant 256 : i32
    %add3A_15 = arith.addi %mul3A_9, %add3A_14 : i32
    "tpu.region"() ({
      %run_scoped3A = tpu.sem_alloc : memref<!tpu.dma_semaphore, #tpu.memory_space<semaphore_mem>>
      %dma_start3A_86 = arith.constant 0 : i32
      %dma_start3A_87 = arith.constant 0 : i32
      %dma_start3A_88 = tpu.memref_slice %arg8[%dma_start3A_86, %dma_start3A_87] : memref<128x32xf32, #tpu.memory_space<vmem>> -> memref<128x32xf32, #tpu.memory_space<vmem>>
      %dma_start3A_89 = arith.constant 0 : i32
      %dma_start3A_90 = tpu.memref_slice %arg12[%add3A_15, %dma_start3A_89] : memref<10240x32xf32, #tpu.memory_space<vmem_shared>> -> memref<128x32xf32, #tpu.memory_space<vmem_shared>>
      %dma_start3A_91 = arith.constant 0 : i32
      %dma_start3A_92 = tpu.memref_slice %arg12[%add3A_15, %dma_start3A_91] : memref<10240x32xf32, #tpu.memory_space<vmem_shared>> -> memref<128x32xf32, #tpu.memory_space<vmem_shared>>
      %dma_start3A_93 = arith.constant 0 : i32
      %dma_start3A_94 = arith.constant 0 : i32
      %dma_start3A_95 = tpu.memref_slice %arg8[%dma_start3A_93, %dma_start3A_94] : memref<128x32xf32, #tpu.memory_space<vmem>> -> memref<128x32xf32, #tpu.memory_space<vmem>>
      tpu.enqueue_dma source(%dma_start3A_95 : memref<128x32xf32, #tpu.memory_space<vmem>>) target(%dma_start3A_92 : memref<128x32xf32, #tpu.memory_space<vmem_shared>>) target_semaphore(%run_scoped3A : memref<!tpu.dma_semaphore, #tpu.memory_space<semaphore_mem>>)
      %dma_wait3A_96 = arith.constant 0 : i32
      %dma_wait3A_97 = arith.constant 0 : i32
      %dma_wait3A_98 = tpu.memref_slice %arg8[%dma_wait3A_96, %dma_wait3A_97] : memref<128x32xf32, #tpu.memory_space<vmem>> -> memref<128x32xf32, #tpu.memory_space<vmem>>
      %dma_wait3A_99 = arith.constant 0 : i32
      %dma_wait3A_100 = tpu.memref_slice %arg12[%add3A_15, %dma_wait3A_99] : memref<10240x32xf32, #tpu.memory_space<vmem_shared>> -> memref<128x32xf32, #tpu.memory_space<vmem_shared>>
      %dma_wait3A_101 = arith.constant 0 : i32
      %dma_wait3A_102 = tpu.memref_slice %arg12[%add3A_15, %dma_wait3A_101] : memref<10240x32xf32, #tpu.memory_space<vmem_shared>> -> memref<128x32xf32, #tpu.memory_space<vmem_shared>>
      %dma_wait3A_103 = arith.constant 0 : i32
      %dma_wait3A_104 = arith.constant 0 : i32
      %dma_wait3A_105 = tpu.memref_slice %arg8[%dma_wait3A_103, %dma_wait3A_104] : memref<128x32xf32, #tpu.memory_space<vmem>> -> memref<128x32xf32, #tpu.memory_space<vmem>>
      tpu.wait_dma2 semaphore(%run_scoped3A : memref<!tpu.dma_semaphore, #tpu.memory_space<semaphore_mem>>) src(%dma_wait3A_105 : memref<128x32xf32, #tpu.memory_space<vmem>>) dst(%dma_wait3A_102 : memref<128x32xf32, #tpu.memory_space<vmem_shared>>)
      tpu.yield
    }) : () -> ()
    %add3A_16 = arith.constant 384 : i32
    %add3A_17 = arith.addi %mul3A_9, %add3A_16 : i32
    "tpu.region"() ({
      %run_scoped3A = tpu.sem_alloc : memref<!tpu.dma_semaphore, #tpu.memory_space<semaphore_mem>>
      %dma_start3A_86 = arith.constant 0 : i32
      %dma_start3A_87 = arith.constant 0 : i32
      %dma_start3A_88 = tpu.memref_slice %arg8[%dma_start3A_86, %dma_start3A_87] : memref<128x32xf32, #tpu.memory_space<vmem>> -> memref<128x32xf32, #tpu.memory_space<vmem>>
      %dma_start3A_89 = arith.constant 0 : i32
      %dma_start3A_90 = tpu.memref_slice %arg12[%add3A_17, %dma_start3A_89] : memref<10240x32xf32, #tpu.memory_space<vmem_shared>> -> memref<128x32xf32, #tpu.memory_space<vmem_shared>>
      %dma_start3A_91 = arith.constant 0 : i32
      %dma_start3A_92 = tpu.memref_slice %arg12[%add3A_17, %dma_start3A_91] : memref<10240x32xf32, #tpu.memory_space<vmem_shared>> -> memref<128x32xf32, #tpu.memory_space<vmem_shared>>
      %dma_start3A_93 = arith.constant 0 : i32
      %dma_start3A_94 = arith.constant 0 : i32
      %dma_start3A_95 = tpu.memref_slice %arg8[%dma_start3A_93, %dma_start3A_94] : memref<128x32xf32, #tpu.memory_space<vmem>> -> memref<128x32xf32, #tpu.memory_space<vmem>>
      tpu.enqueue_dma source(%dma_start3A_95 : memref<128x32xf32, #tpu.memory_space<vmem>>) target(%dma_start3A_92 : memref<128x32xf32, #tpu.memory_space<vmem_shared>>) target_semaphore(%run_scoped3A : memref<!tpu.dma_semaphore, #tpu.memory_space<semaphore_mem>>)
      %dma_wait3A_96 = arith.constant 0 : i32
      %dma_wait3A_97 = arith.constant 0 : i32
      %dma_wait3A_98 = tpu.memref_slice %arg8[%dma_wait3A_96, %dma_wait3A_97] : memref<128x32xf32, #tpu.memory_space<vmem>> -> memref<128x32xf32, #tpu.memory_space<vmem>>
      %dma_wait3A_99 = arith.constant 0 : i32
      %dma_wait3A_100 = tpu.memref_slice %arg12[%add3A_17, %dma_wait3A_99] : memref<10240x32xf32, #tpu.memory_space<vmem_shared>> -> memref<128x32xf32, #tpu.memory_space<vmem_shared>>
      %dma_wait3A_101 = arith.constant 0 : i32
      %dma_wait3A_102 = tpu.memref_slice %arg12[%add3A_17, %dma_wait3A_101] : memref<10240x32xf32, #tpu.memory_space<vmem_shared>> -> memref<128x32xf32, #tpu.memory_space<vmem_shared>>
      %dma_wait3A_103 = arith.constant 0 : i32
      %dma_wait3A_104 = arith.constant 0 : i32
      %dma_wait3A_105 = tpu.memref_slice %arg8[%dma_wait3A_103, %dma_wait3A_104] : memref<128x32xf32, #tpu.memory_space<vmem>> -> memref<128x32xf32, #tpu.memory_space<vmem>>
      tpu.wait_dma2 semaphore(%run_scoped3A : memref<!tpu.dma_semaphore, #tpu.memory_space<semaphore_mem>>) src(%dma_wait3A_105 : memref<128x32xf32, #tpu.memory_space<vmem>>) dst(%dma_wait3A_102 : memref<128x32xf32, #tpu.memory_space<vmem_shared>>)
      tpu.yield
    }) : () -> ()
    %add3A_18 = arith.constant 512 : i32
    %add3A_19 = arith.addi %mul3A_9, %add3A_18 : i32
    "tpu.region"() ({
      %run_scoped3A = tpu.sem_alloc : memref<!tpu.dma_semaphore, #tpu.memory_space<semaphore_mem>>
      %dma_start3A_86 = arith.constant 0 : i32
      %dma_start3A_87 = arith.constant 0 : i32
      %dma_start3A_88 = tpu.memref_slice %arg8[%dma_start3A_86, %dma_start3A_87] : memref<128x32xf32, #tpu.memory_space<vmem>> -> memref<128x32xf32, #tpu.memory_space<vmem>>
      %dma_start3A_89 = arith.constant 0 : i32
      %dma_start3A_90 = tpu.memref_slice %arg12[%add3A_19, %dma_start3A_89] : memref<10240x32xf32, #tpu.memory_space<vmem_shared>> -> memref<128x32xf32, #tpu.memory_space<vmem_shared>>
      %dma_start3A_91 = arith.constant 0 : i32
      %dma_start3A_92 = tpu.memref_slice %arg12[%add3A_19, %dma_start3A_91] : memref<10240x32xf32, #tpu.memory_space<vmem_shared>> -> memref<128x32xf32, #tpu.memory_space<vmem_shared>>
      %dma_start3A_93 = arith.constant 0 : i32
      %dma_start3A_94 = arith.constant 0 : i32
      %dma_start3A_95 = tpu.memref_slice %arg8[%dma_start3A_93, %dma_start3A_94] : memref<128x32xf32, #tpu.memory_space<vmem>> -> memref<128x32xf32, #tpu.memory_space<vmem>>
      tpu.enqueue_dma source(%dma_start3A_95 : memref<128x32xf32, #tpu.memory_space<vmem>>) target(%dma_start3A_92 : memref<128x32xf32, #tpu.memory_space<vmem_shared>>) target_semaphore(%run_scoped3A : memref<!tpu.dma_semaphore, #tpu.memory_space<semaphore_mem>>)
      %dma_wait3A_96 = arith.constant 0 : i32
      %dma_wait3A_97 = arith.constant 0 : i32
      %dma_wait3A_98 = tpu.memref_slice %arg8[%dma_wait3A_96, %dma_wait3A_97] : memref<128x32xf32, #tpu.memory_space<vmem>> -> memref<128x32xf32, #tpu.memory_space<vmem>>
      %dma_wait3A_99 = arith.constant 0 : i32
      %dma_wait3A_100 = tpu.memref_slice %arg12[%add3A_19, %dma_wait3A_99] : memref<10240x32xf32, #tpu.memory_space<vmem_shared>> -> memref<128x32xf32, #tpu.memory_space<vmem_shared>>
      %dma_wait3A_101 = arith.constant 0 : i32
      %dma_wait3A_102 = tpu.memref_slice %arg12[%add3A_19, %dma_wait3A_101] : memref<10240x32xf32, #tpu.memory_space<vmem_shared>> -> memref<128x32xf32, #tpu.memory_space<vmem_shared>>
      %dma_wait3A_103 = arith.constant 0 : i32
      %dma_wait3A_104 = arith.constant 0 : i32
      %dma_wait3A_105 = tpu.memref_slice %arg8[%dma_wait3A_103, %dma_wait3A_104] : memref<128x32xf32, #tpu.memory_space<vmem>> -> memref<128x32xf32, #tpu.memory_space<vmem>>
      tpu.wait_dma2 semaphore(%run_scoped3A : memref<!tpu.dma_semaphore, #tpu.memory_space<semaphore_mem>>) src(%dma_wait3A_105 : memref<128x32xf32, #tpu.memory_space<vmem>>) dst(%dma_wait3A_102 : memref<128x32xf32, #tpu.memory_space<vmem_shared>>)
      tpu.yield
    }) : () -> ()
    %mul3A_20 = arith.constant 80 : i32
    %mul3A_21 = arith.muli %add3A, %mul3A_20 : i32
    "tpu.region"() ({
      %run_scoped3A = tpu.sem_alloc : memref<!tpu.dma_semaphore, #tpu.memory_space<semaphore_mem>>
      %dma_start3A_86 = arith.constant 0 : i32
      %dma_start3A_87 = tpu.memref_slice %arg3[%mul3A_21, %dma_start3A_86] : memref<2560x128xi32, #tpu.memory_space<hbm>> -> memref<80x128xi32, #tpu.memory_space<hbm>>
      %dma_start3A_88 = arith.constant 0 : i32
      %dma_start3A_89 = tpu.memref_slice %arg3[%mul3A_21, %dma_start3A_88] : memref<2560x128xi32, #tpu.memory_space<hbm>> -> memref<80x128xi32, #tpu.memory_space<hbm>>
      tpu.enqueue_dma source(%dma_start3A_89 : memref<80x128xi32, #tpu.memory_space<hbm>>) target(%arg6 : memref<80x128xi32, #tpu.memory_space<vmem>>) target_semaphore(%run_scoped3A : memref<!tpu.dma_semaphore, #tpu.memory_space<semaphore_mem>>)
      %dma_wait3A_90 = arith.constant 0 : i32
      %dma_wait3A_91 = tpu.memref_slice %arg3[%mul3A_21, %dma_wait3A_90] : memref<2560x128xi32, #tpu.memory_space<hbm>> -> memref<80x128xi32, #tpu.memory_space<hbm>>
      %dma_wait3A_92 = arith.constant 0 : i32
      %dma_wait3A_93 = tpu.memref_slice %arg3[%mul3A_21, %dma_wait3A_92] : memref<2560x128xi32, #tpu.memory_space<hbm>> -> memref<80x128xi32, #tpu.memory_space<hbm>>
      tpu.wait_dma2 semaphore(%run_scoped3A : memref<!tpu.dma_semaphore, #tpu.memory_space<semaphore_mem>>) src(%dma_wait3A_93 : memref<80x128xi32, #tpu.memory_space<hbm>>) dst(%arg6 : memref<80x128xi32, #tpu.memory_space<vmem>>)
      tpu.yield
    }) : () -> ()
    %mul3A_22 = arith.constant 80 : i32
    %mul3A_23 = arith.muli %add3A, %mul3A_22 : i32
    "tpu.region"() ({
      %run_scoped3A = tpu.sem_alloc : memref<!tpu.dma_semaphore, #tpu.memory_space<semaphore_mem>>
      %dma_start3A_86 = arith.constant 0 : i32
      %dma_start3A_87 = tpu.memref_slice %arg4[%mul3A_23, %dma_start3A_86] : memref<2560x128xi32, #tpu.memory_space<hbm>> -> memref<80x128xi32, #tpu.memory_space<hbm>>
      %dma_start3A_88 = arith.constant 0 : i32
      %dma_start3A_89 = tpu.memref_slice %arg4[%mul3A_23, %dma_start3A_88] : memref<2560x128xi32, #tpu.memory_space<hbm>> -> memref<80x128xi32, #tpu.memory_space<hbm>>
      tpu.enqueue_dma source(%dma_start3A_89 : memref<80x128xi32, #tpu.memory_space<hbm>>) target(%arg7 : memref<80x128xi32, #tpu.memory_space<vmem>>) target_semaphore(%run_scoped3A : memref<!tpu.dma_semaphore, #tpu.memory_space<semaphore_mem>>)
      %dma_wait3A_90 = arith.constant 0 : i32
      %dma_wait3A_91 = tpu.memref_slice %arg4[%mul3A_23, %dma_wait3A_90] : memref<2560x128xi32, #tpu.memory_space<hbm>> -> memref<80x128xi32, #tpu.memory_space<hbm>>
      %dma_wait3A_92 = arith.constant 0 : i32
      %dma_wait3A_93 = tpu.memref_slice %arg4[%mul3A_23, %dma_wait3A_92] : memref<2560x128xi32, #tpu.memory_space<hbm>> -> memref<80x128xi32, #tpu.memory_space<hbm>>
      tpu.wait_dma2 semaphore(%run_scoped3A : memref<!tpu.dma_semaphore, #tpu.memory_space<semaphore_mem>>) src(%dma_wait3A_93 : memref<80x128xi32, #tpu.memory_space<hbm>>) dst(%arg7 : memref<80x128xi32, #tpu.memory_space<vmem>>)
      tpu.yield
    }) : () -> ()
    %barrier3A = arith.constant 0 : index
    tpu.barrier barrier_id(%barrier3A)
    %dma_start3A = arith.constant 0 : i32
    %dma_start3A_24 = arith.constant 0 : i32
    %dma_start3A_25 = tpu.memref_slice %arg6[%dma_start3A, %dma_start3A_24] : memref<80x128xi32, #tpu.memory_space<vmem>> -> memref<1x128xi32, #tpu.memory_space<vmem>>
    %dma_start3A_26 = tpu.memref_squeeze %dma_start3A_25 : memref<1x128xi32, #tpu.memory_space<vmem>> -> memref<128xi32, #tpu.memory_space<vmem>>
    %dma_start3A_27 = arith.constant 0 : i32
    %dma_start3A_28 = arith.constant 0 : i32
    %dma_start3A_29 = tpu.memref_slice %arg2[%dma_start3A_27, %dma_start3A_28] : memref<10240x32xf32, #tpu.memory_space<hbm>> -> memref<10240x32xf32, #tpu.memory_space<hbm>>
    tpu.enqueue_indirect_dma source(%dma_start3A_29 : memref<10240x32xf32, #tpu.memory_space<hbm>>) target(%arg8 : memref<128x32xf32, #tpu.memory_space<vmem>>) offsets(%dma_start3A_26 : memref<128xi32, #tpu.memory_space<vmem>>) semaphore(%arg13 : memref<!tpu.dma_semaphore, #tpu.memory_space<semaphore_mem>>)
    %dma_start3A_30 = arith.constant 1 : i32
    %dma_start3A_31 = arith.constant 0 : i32
    %dma_start3A_32 = tpu.memref_slice %arg6[%dma_start3A_30, %dma_start3A_31] : memref<80x128xi32, #tpu.memory_space<vmem>> -> memref<1x128xi32, #tpu.memory_space<vmem>>
    %dma_start3A_33 = tpu.memref_squeeze %dma_start3A_32 : memref<1x128xi32, #tpu.memory_space<vmem>> -> memref<128xi32, #tpu.memory_space<vmem>>
    %dma_start3A_34 = arith.constant 0 : i32
    %dma_start3A_35 = arith.constant 0 : i32
    %dma_start3A_36 = tpu.memref_slice %arg2[%dma_start3A_34, %dma_start3A_35] : memref<10240x32xf32, #tpu.memory_space<hbm>> -> memref<10240x32xf32, #tpu.memory_space<hbm>>
    tpu.enqueue_indirect_dma source(%dma_start3A_36 : memref<10240x32xf32, #tpu.memory_space<hbm>>) target(%arg9 : memref<128x32xf32, #tpu.memory_space<vmem>>) offsets(%dma_start3A_33 : memref<128xi32, #tpu.memory_space<vmem>>) semaphore(%arg14 : memref<!tpu.dma_semaphore, #tpu.memory_space<semaphore_mem>>)
    %dma_start3A_37 = arith.constant 2 : i32
    %dma_start3A_38 = arith.constant 0 : i32
    %dma_start3A_39 = tpu.memref_slice %arg6[%dma_start3A_37, %dma_start3A_38] : memref<80x128xi32, #tpu.memory_space<vmem>> -> memref<1x128xi32, #tpu.memory_space<vmem>>
    %dma_start3A_40 = tpu.memref_squeeze %dma_start3A_39 : memref<1x128xi32, #tpu.memory_space<vmem>> -> memref<128xi32, #tpu.memory_space<vmem>>
    %dma_start3A_41 = arith.constant 0 : i32
    %dma_start3A_42 = arith.constant 0 : i32
    %dma_start3A_43 = tpu.memref_slice %arg2[%dma_start3A_41, %dma_start3A_42] : memref<10240x32xf32, #tpu.memory_space<hbm>> -> memref<10240x32xf32, #tpu.memory_space<hbm>>
    tpu.enqueue_indirect_dma source(%dma_start3A_43 : memref<10240x32xf32, #tpu.memory_space<hbm>>) target(%arg10 : memref<128x32xf32, #tpu.memory_space<vmem>>) offsets(%dma_start3A_40 : memref<128xi32, #tpu.memory_space<vmem>>) semaphore(%arg15 : memref<!tpu.dma_semaphore, #tpu.memory_space<semaphore_mem>>)
    %dma_start3A_44 = arith.constant 3 : i32
    %dma_start3A_45 = arith.constant 0 : i32
    %dma_start3A_46 = tpu.memref_slice %arg6[%dma_start3A_44, %dma_start3A_45] : memref<80x128xi32, #tpu.memory_space<vmem>> -> memref<1x128xi32, #tpu.memory_space<vmem>>
    %dma_start3A_47 = tpu.memref_squeeze %dma_start3A_46 : memref<1x128xi32, #tpu.memory_space<vmem>> -> memref<128xi32, #tpu.memory_space<vmem>>
    %dma_start3A_48 = arith.constant 0 : i32
    %dma_start3A_49 = arith.constant 0 : i32
    %dma_start3A_50 = tpu.memref_slice %arg2[%dma_start3A_48, %dma_start3A_49] : memref<10240x32xf32, #tpu.memory_space<hbm>> -> memref<10240x32xf32, #tpu.memory_space<hbm>>
    tpu.enqueue_indirect_dma source(%dma_start3A_50 : memref<10240x32xf32, #tpu.memory_space<hbm>>) target(%arg11 : memref<128x32xf32, #tpu.memory_space<vmem>>) offsets(%dma_start3A_47 : memref<128xi32, #tpu.memory_space<vmem>>) semaphore(%arg16 : memref<!tpu.dma_semaphore, #tpu.memory_space<semaphore_mem>>)
    %scan3A_51 = arith.constant 0 : i32
    %scan3A_52 = arith.constant 0 : i32
    %scan3A_53 = arith.constant 20 : i32
    %scan3A_54 = arith.addi %scan3A_52, %scan3A_53 : i32
    %scan3A_55 = arith.constant 1 : i32
    %scan3A_56 = scf.for %scan3A_86 = %scan3A_52 to %scan3A_54 step %scan3A_55 iter_args(%scan3A_87 = %scan3A_51) -> (i32)  : i32 {
      %mul3A_88 = arith.constant 4 : i32
      %mul3A_89 = arith.muli %scan3A_86, %mul3A_88 : i32
      %add3A_90 = arith.constant 0 : i32
      %add3A_91 = arith.addi %mul3A_89, %add3A_90 : i32
      %dma_wait3A_92 = arith.constant 0 : i32
      %dma_wait3A_93 = tpu.memref_slice %arg6[%add3A_91, %dma_wait3A_92] : memref<80x128xi32, #tpu.memory_space<vmem>> -> memref<1x128xi32, #tpu.memory_space<vmem>>
      %dma_wait3A_94 = tpu.memref_squeeze %dma_wait3A_93 : memref<1x128xi32, #tpu.memory_space<vmem>> -> memref<128xi32, #tpu.memory_space<vmem>>
      %dma_wait3A_95 = arith.constant 0 : i32
      %dma_wait3A_96 = arith.constant 0 : i32
      %dma_wait3A_97 = tpu.memref_slice %arg2[%dma_wait3A_95, %dma_wait3A_96] : memref<10240x32xf32, #tpu.memory_space<hbm>> -> memref<10240x32xf32, #tpu.memory_space<hbm>>
      tpu.wait_indirect_dma semaphore(%arg13 : memref<!tpu.dma_semaphore, #tpu.memory_space<semaphore_mem>>) src(%dma_wait3A_97 : memref<10240x32xf32, #tpu.memory_space<hbm>>) dst(%arg8 : memref<128x32xf32, #tpu.memory_space<vmem>>)
      %dma_start3A_98 = arith.constant 0 : i32
      %dma_start3A_99 = tpu.memref_slice %arg7[%add3A_91, %dma_start3A_98] : memref<80x128xi32, #tpu.memory_space<vmem>> -> memref<1x128xi32, #tpu.memory_space<vmem>>
      %dma_start3A_100 = tpu.memref_squeeze %dma_start3A_99 : memref<1x128xi32, #tpu.memory_space<vmem>> -> memref<128xi32, #tpu.memory_space<vmem>>
      %dma_start3A_101 = arith.constant 0 : i32
      %dma_start3A_102 = arith.constant 0 : i32
      %dma_start3A_103 = tpu.memref_slice %arg12[%dma_start3A_101, %dma_start3A_102] : memref<10240x32xf32, #tpu.memory_space<vmem_shared>> -> memref<10240x32xf32, #tpu.memory_space<vmem_shared>>
      tpu.enqueue_indirect_dma source(%arg8 : memref<128x32xf32, #tpu.memory_space<vmem>>) target(%dma_start3A_103 : memref<10240x32xf32, #tpu.memory_space<vmem_shared>>) offsets(%dma_start3A_100 : memref<128xi32, #tpu.memory_space<vmem>>) semaphore(%arg17 : memref<!tpu.dma_semaphore, #tpu.memory_space<semaphore_mem>>) {add = true}
      %sub3A = arith.constant 1 : i32
      %sub3A_104 = arith.subi %add3A_91, %sub3A : i32
      %ge3A = arith.constant 0 : i32
      %ge3A_105 = arith.cmpi sge, %sub3A_104, %ge3A : i32
      %add3A_106 = arith.constant 4 : i32
      %add3A_107 = arith.addi %sub3A_104, %add3A_106 : i32
      %lt3A = arith.constant 80 : i32
      %lt3A_108 = arith.cmpi slt, %add3A_107, %lt3A : i32
      %and3A = arith.andi %ge3A_105, %lt3A_108 : i1
      %convert_element_type3A = arith.extui %and3A : i1 to i32
      %cond3A = arith.constant 0 : i32
      %cond3A_109 = arith.cmpi ne, %convert_element_type3A, %cond3A : i32
      scf.if %cond3A_109 {
        %dma_wait3A_195 = arith.constant 0 : i32
        %dma_wait3A_196 = tpu.memref_slice %arg7[%sub3A_104, %dma_wait3A_195] : memref<80x128xi32, #tpu.memory_space<vmem>> -> memref<1x128xi32, #tpu.memory_space<vmem>>
        %dma_wait3A_197 = tpu.memref_squeeze %dma_wait3A_196 : memref<1x128xi32, #tpu.memory_space<vmem>> -> memref<128xi32, #tpu.memory_space<vmem>>
        %dma_wait3A_198 = arith.constant 0 : i32
        %dma_wait3A_199 = arith.constant 0 : i32
        %dma_wait3A_200 = tpu.memref_slice %arg12[%dma_wait3A_198, %dma_wait3A_199] : memref<10240x32xf32, #tpu.memory_space<vmem_shared>> -> memref<10240x32xf32, #tpu.memory_space<vmem_shared>>
        tpu.wait_indirect_dma semaphore(%arg20 : memref<!tpu.dma_semaphore, #tpu.memory_space<semaphore_mem>>) src(%arg11 : memref<128x32xf32, #tpu.memory_space<vmem>>) dst(%dma_wait3A_200 : memref<10240x32xf32, #tpu.memory_space<vmem_shared>>)
        %add3A_201 = arith.constant 4 : i32
        %add3A_202 = arith.addi %sub3A_104, %add3A_201 : i32
        %dma_start3A_203 = arith.constant 0 : i32
        %dma_start3A_204 = tpu.memref_slice %arg6[%add3A_202, %dma_start3A_203] : memref<80x128xi32, #tpu.memory_space<vmem>> -> memref<1x128xi32, #tpu.memory_space<vmem>>
        %dma_start3A_205 = tpu.memref_squeeze %dma_start3A_204 : memref<1x128xi32, #tpu.memory_space<vmem>> -> memref<128xi32, #tpu.memory_space<vmem>>
        %dma_start3A_206 = arith.constant 0 : i32
        %dma_start3A_207 = arith.constant 0 : i32
        %dma_start3A_208 = tpu.memref_slice %arg2[%dma_start3A_206, %dma_start3A_207] : memref<10240x32xf32, #tpu.memory_space<hbm>> -> memref<10240x32xf32, #tpu.memory_space<hbm>>
        tpu.enqueue_indirect_dma source(%dma_start3A_208 : memref<10240x32xf32, #tpu.memory_space<hbm>>) target(%arg11 : memref<128x32xf32, #tpu.memory_space<vmem>>) offsets(%dma_start3A_205 : memref<128xi32, #tpu.memory_space<vmem>>) semaphore(%arg16 : memref<!tpu.dma_semaphore, #tpu.memory_space<semaphore_mem>>)
      } else {
      }
      %mul3A_110 = arith.constant 4 : i32
      %mul3A_111 = arith.muli %scan3A_86, %mul3A_110 : i32
      %add3A_112 = arith.constant 1 : i32
      %add3A_113 = arith.addi %mul3A_111, %add3A_112 : i32
      %dma_wait3A_114 = arith.constant 0 : i32
      %dma_wait3A_115 = tpu.memref_slice %arg6[%add3A_113, %dma_wait3A_114] : memref<80x128xi32, #tpu.memory_space<vmem>> -> memref<1x128xi32, #tpu.memory_space<vmem>>
      %dma_wait3A_116 = tpu.memref_squeeze %dma_wait3A_115 : memref<1x128xi32, #tpu.memory_space<vmem>> -> memref<128xi32, #tpu.memory_space<vmem>>
      %dma_wait3A_117 = arith.constant 0 : i32
      %dma_wait3A_118 = arith.constant 0 : i32
      %dma_wait3A_119 = tpu.memref_slice %arg2[%dma_wait3A_117, %dma_wait3A_118] : memref<10240x32xf32, #tpu.memory_space<hbm>> -> memref<10240x32xf32, #tpu.memory_space<hbm>>
      tpu.wait_indirect_dma semaphore(%arg14 : memref<!tpu.dma_semaphore, #tpu.memory_space<semaphore_mem>>) src(%dma_wait3A_119 : memref<10240x32xf32, #tpu.memory_space<hbm>>) dst(%arg9 : memref<128x32xf32, #tpu.memory_space<vmem>>)
      %dma_start3A_120 = arith.constant 0 : i32
      %dma_start3A_121 = tpu.memref_slice %arg7[%add3A_113, %dma_start3A_120] : memref<80x128xi32, #tpu.memory_space<vmem>> -> memref<1x128xi32, #tpu.memory_space<vmem>>
      %dma_start3A_122 = tpu.memref_squeeze %dma_start3A_121 : memref<1x128xi32, #tpu.memory_space<vmem>> -> memref<128xi32, #tpu.memory_space<vmem>>
      %dma_start3A_123 = arith.constant 0 : i32
      %dma_start3A_124 = arith.constant 0 : i32
      %dma_start3A_125 = tpu.memref_slice %arg12[%dma_start3A_123, %dma_start3A_124] : memref<10240x32xf32, #tpu.memory_space<vmem_shared>> -> memref<10240x32xf32, #tpu.memory_space<vmem_shared>>
      tpu.enqueue_indirect_dma source(%arg9 : memref<128x32xf32, #tpu.memory_space<vmem>>) target(%dma_start3A_125 : memref<10240x32xf32, #tpu.memory_space<vmem_shared>>) offsets(%dma_start3A_122 : memref<128xi32, #tpu.memory_space<vmem>>) semaphore(%arg18 : memref<!tpu.dma_semaphore, #tpu.memory_space<semaphore_mem>>) {add = true}
      %sub3A_126 = arith.constant 1 : i32
      %sub3A_127 = arith.subi %add3A_113, %sub3A_126 : i32
      %ge3A_128 = arith.constant 0 : i32
      %ge3A_129 = arith.cmpi sge, %sub3A_127, %ge3A_128 : i32
      %add3A_130 = arith.constant 4 : i32
      %add3A_131 = arith.addi %sub3A_127, %add3A_130 : i32
      %lt3A_132 = arith.constant 80 : i32
      %lt3A_133 = arith.cmpi slt, %add3A_131, %lt3A_132 : i32
      %and3A_134 = arith.andi %ge3A_129, %lt3A_133 : i1
      %convert_element_type3A_135 = arith.extui %and3A_134 : i1 to i32
      %cond3A_136 = arith.constant 0 : i32
      %cond3A_137 = arith.cmpi ne, %convert_element_type3A_135, %cond3A_136 : i32
      scf.if %cond3A_137 {
        %dma_wait3A_195 = arith.constant 0 : i32
        %dma_wait3A_196 = tpu.memref_slice %arg7[%sub3A_127, %dma_wait3A_195] : memref<80x128xi32, #tpu.memory_space<vmem>> -> memref<1x128xi32, #tpu.memory_space<vmem>>
        %dma_wait3A_197 = tpu.memref_squeeze %dma_wait3A_196 : memref<1x128xi32, #tpu.memory_space<vmem>> -> memref<128xi32, #tpu.memory_space<vmem>>
        %dma_wait3A_198 = arith.constant 0 : i32
        %dma_wait3A_199 = arith.constant 0 : i32
        %dma_wait3A_200 = tpu.memref_slice %arg12[%dma_wait3A_198, %dma_wait3A_199] : memref<10240x32xf32, #tpu.memory_space<vmem_shared>> -> memref<10240x32xf32, #tpu.memory_space<vmem_shared>>
        tpu.wait_indirect_dma semaphore(%arg17 : memref<!tpu.dma_semaphore, #tpu.memory_space<semaphore_mem>>) src(%arg8 : memref<128x32xf32, #tpu.memory_space<vmem>>) dst(%dma_wait3A_200 : memref<10240x32xf32, #tpu.memory_space<vmem_shared>>)
        %add3A_201 = arith.constant 4 : i32
        %add3A_202 = arith.addi %sub3A_127, %add3A_201 : i32
        %dma_start3A_203 = arith.constant 0 : i32
        %dma_start3A_204 = tpu.memref_slice %arg6[%add3A_202, %dma_start3A_203] : memref<80x128xi32, #tpu.memory_space<vmem>> -> memref<1x128xi32, #tpu.memory_space<vmem>>
        %dma_start3A_205 = tpu.memref_squeeze %dma_start3A_204 : memref<1x128xi32, #tpu.memory_space<vmem>> -> memref<128xi32, #tpu.memory_space<vmem>>
        %dma_start3A_206 = arith.constant 0 : i32
        %dma_start3A_207 = arith.constant 0 : i32
        %dma_start3A_208 = tpu.memref_slice %arg2[%dma_start3A_206, %dma_start3A_207] : memref<10240x32xf32, #tpu.memory_space<hbm>> -> memref<10240x32xf32, #tpu.memory_space<hbm>>
        tpu.enqueue_indirect_dma source(%dma_start3A_208 : memref<10240x32xf32, #tpu.memory_space<hbm>>) target(%arg8 : memref<128x32xf32, #tpu.memory_space<vmem>>) offsets(%dma_start3A_205 : memref<128xi32, #tpu.memory_space<vmem>>) semaphore(%arg13 : memref<!tpu.dma_semaphore, #tpu.memory_space<semaphore_mem>>)
      } else {
      }
      %mul3A_138 = arith.constant 4 : i32
      %mul3A_139 = arith.muli %scan3A_86, %mul3A_138 : i32
      %add3A_140 = arith.constant 2 : i32
      %add3A_141 = arith.addi %mul3A_139, %add3A_140 : i32
      %dma_wait3A_142 = arith.constant 0 : i32
      %dma_wait3A_143 = tpu.memref_slice %arg6[%add3A_141, %dma_wait3A_142] : memref<80x128xi32, #tpu.memory_space<vmem>> -> memref<1x128xi32, #tpu.memory_space<vmem>>
      %dma_wait3A_144 = tpu.memref_squeeze %dma_wait3A_143 : memref<1x128xi32, #tpu.memory_space<vmem>> -> memref<128xi32, #tpu.memory_space<vmem>>
      %dma_wait3A_145 = arith.constant 0 : i32
      %dma_wait3A_146 = arith.constant 0 : i32
      %dma_wait3A_147 = tpu.memref_slice %arg2[%dma_wait3A_145, %dma_wait3A_146] : memref<10240x32xf32, #tpu.memory_space<hbm>> -> memref<10240x32xf32, #tpu.memory_space<hbm>>
      tpu.wait_indirect_dma semaphore(%arg15 : memref<!tpu.dma_semaphore, #tpu.memory_space<semaphore_mem>>) src(%dma_wait3A_147 : memref<10240x32xf32, #tpu.memory_space<hbm>>) dst(%arg10 : memref<128x32xf32, #tpu.memory_space<vmem>>)
      %dma_start3A_148 = arith.constant 0 : i32
      %dma_start3A_149 = tpu.memref_slice %arg7[%add3A_141, %dma_start3A_148] : memref<80x128xi32, #tpu.memory_space<vmem>> -> memref<1x128xi32, #tpu.memory_space<vmem>>
      %dma_start3A_150 = tpu.memref_squeeze %dma_start3A_149 : memref<1x128xi32, #tpu.memory_space<vmem>> -> memref<128xi32, #tpu.memory_space<vmem>>
      %dma_start3A_151 = arith.constant 0 : i32
      %dma_start3A_152 = arith.constant 0 : i32
      %dma_start3A_153 = tpu.memref_slice %arg12[%dma_start3A_151, %dma_start3A_152] : memref<10240x32xf32, #tpu.memory_space<vmem_shared>> -> memref<10240x32xf32, #tpu.memory_space<vmem_shared>>
      tpu.enqueue_indirect_dma source(%arg10 : memref<128x32xf32, #tpu.memory_space<vmem>>) target(%dma_start3A_153 : memref<10240x32xf32, #tpu.memory_space<vmem_shared>>) offsets(%dma_start3A_150 : memref<128xi32, #tpu.memory_space<vmem>>) semaphore(%arg19 : memref<!tpu.dma_semaphore, #tpu.memory_space<semaphore_mem>>) {add = true}
      %sub3A_154 = arith.constant 1 : i32
      %sub3A_155 = arith.subi %add3A_141, %sub3A_154 : i32
      %ge3A_156 = arith.constant 0 : i32
      %ge3A_157 = arith.cmpi sge, %sub3A_155, %ge3A_156 : i32
      %add3A_158 = arith.constant 4 : i32
      %add3A_159 = arith.addi %sub3A_155, %add3A_158 : i32
      %lt3A_160 = arith.constant 80 : i32
      %lt3A_161 = arith.cmpi slt, %add3A_159, %lt3A_160 : i32
      %and3A_162 = arith.andi %ge3A_157, %lt3A_161 : i1
      %convert_element_type3A_163 = arith.extui %and3A_162 : i1 to i32
      %cond3A_164 = arith.constant 0 : i32
      %cond3A_165 = arith.cmpi ne, %convert_element_type3A_163, %cond3A_164 : i32
      scf.if %cond3A_165 {
        %dma_wait3A_195 = arith.constant 0 : i32
        %dma_wait3A_196 = tpu.memref_slice %arg7[%sub3A_155, %dma_wait3A_195] : memref<80x128xi32, #tpu.memory_space<vmem>> -> memref<1x128xi32, #tpu.memory_space<vmem>>
        %dma_wait3A_197 = tpu.memref_squeeze %dma_wait3A_196 : memref<1x128xi32, #tpu.memory_space<vmem>> -> memref<128xi32, #tpu.memory_space<vmem>>
        %dma_wait3A_198 = arith.constant 0 : i32
        %dma_wait3A_199 = arith.constant 0 : i32
        %dma_wait3A_200 = tpu.memref_slice %arg12[%dma_wait3A_198, %dma_wait3A_199] : memref<10240x32xf32, #tpu.memory_space<vmem_shared>> -> memref<10240x32xf32, #tpu.memory_space<vmem_shared>>
        tpu.wait_indirect_dma semaphore(%arg18 : memref<!tpu.dma_semaphore, #tpu.memory_space<semaphore_mem>>) src(%arg9 : memref<128x32xf32, #tpu.memory_space<vmem>>) dst(%dma_wait3A_200 : memref<10240x32xf32, #tpu.memory_space<vmem_shared>>)
        %add3A_201 = arith.constant 4 : i32
        %add3A_202 = arith.addi %sub3A_155, %add3A_201 : i32
        %dma_start3A_203 = arith.constant 0 : i32
        %dma_start3A_204 = tpu.memref_slice %arg6[%add3A_202, %dma_start3A_203] : memref<80x128xi32, #tpu.memory_space<vmem>> -> memref<1x128xi32, #tpu.memory_space<vmem>>
        %dma_start3A_205 = tpu.memref_squeeze %dma_start3A_204 : memref<1x128xi32, #tpu.memory_space<vmem>> -> memref<128xi32, #tpu.memory_space<vmem>>
        %dma_start3A_206 = arith.constant 0 : i32
        %dma_start3A_207 = arith.constant 0 : i32
        %dma_start3A_208 = tpu.memref_slice %arg2[%dma_start3A_206, %dma_start3A_207] : memref<10240x32xf32, #tpu.memory_space<hbm>> -> memref<10240x32xf32, #tpu.memory_space<hbm>>
        tpu.enqueue_indirect_dma source(%dma_start3A_208 : memref<10240x32xf32, #tpu.memory_space<hbm>>) target(%arg9 : memref<128x32xf32, #tpu.memory_space<vmem>>) offsets(%dma_start3A_205 : memref<128xi32, #tpu.memory_space<vmem>>) semaphore(%arg14 : memref<!tpu.dma_semaphore, #tpu.memory_space<semaphore_mem>>)
      } else {
      }
      %mul3A_166 = arith.constant 4 : i32
      %mul3A_167 = arith.muli %scan3A_86, %mul3A_166 : i32
      %add3A_168 = arith.constant 3 : i32
      %add3A_169 = arith.addi %mul3A_167, %add3A_168 : i32
      %dma_wait3A_170 = arith.constant 0 : i32
      %dma_wait3A_171 = tpu.memref_slice %arg6[%add3A_169, %dma_wait3A_170] : memref<80x128xi32, #tpu.memory_space<vmem>> -> memref<1x128xi32, #tpu.memory_space<vmem>>
      %dma_wait3A_172 = tpu.memref_squeeze %dma_wait3A_171 : memref<1x128xi32, #tpu.memory_space<vmem>> -> memref<128xi32, #tpu.memory_space<vmem>>
      %dma_wait3A_173 = arith.constant 0 : i32
      %dma_wait3A_174 = arith.constant 0 : i32
      %dma_wait3A_175 = tpu.memref_slice %arg2[%dma_wait3A_173, %dma_wait3A_174] : memref<10240x32xf32, #tpu.memory_space<hbm>> -> memref<10240x32xf32, #tpu.memory_space<hbm>>
      tpu.wait_indirect_dma semaphore(%arg16 : memref<!tpu.dma_semaphore, #tpu.memory_space<semaphore_mem>>) src(%dma_wait3A_175 : memref<10240x32xf32, #tpu.memory_space<hbm>>) dst(%arg11 : memref<128x32xf32, #tpu.memory_space<vmem>>)
      %dma_start3A_176 = arith.constant 0 : i32
      %dma_start3A_177 = tpu.memref_slice %arg7[%add3A_169, %dma_start3A_176] : memref<80x128xi32, #tpu.memory_space<vmem>> -> memref<1x128xi32, #tpu.memory_space<vmem>>
      %dma_start3A_178 = tpu.memref_squeeze %dma_start3A_177 : memref<1x128xi32, #tpu.memory_space<vmem>> -> memref<128xi32, #tpu.memory_space<vmem>>
      %dma_start3A_179 = arith.constant 0 : i32
      %dma_start3A_180 = arith.constant 0 : i32
      %dma_start3A_181 = tpu.memref_slice %arg12[%dma_start3A_179, %dma_start3A_180] : memref<10240x32xf32, #tpu.memory_space<vmem_shared>> -> memref<10240x32xf32, #tpu.memory_space<vmem_shared>>
      tpu.enqueue_indirect_dma source(%arg11 : memref<128x32xf32, #tpu.memory_space<vmem>>) target(%dma_start3A_181 : memref<10240x32xf32, #tpu.memory_space<vmem_shared>>) offsets(%dma_start3A_178 : memref<128xi32, #tpu.memory_space<vmem>>) semaphore(%arg20 : memref<!tpu.dma_semaphore, #tpu.memory_space<semaphore_mem>>) {add = true}
      %sub3A_182 = arith.constant 1 : i32
      %sub3A_183 = arith.subi %add3A_169, %sub3A_182 : i32
      %ge3A_184 = arith.constant 0 : i32
      %ge3A_185 = arith.cmpi sge, %sub3A_183, %ge3A_184 : i32
      %add3A_186 = arith.constant 4 : i32
      %add3A_187 = arith.addi %sub3A_183, %add3A_186 : i32
      %lt3A_188 = arith.constant 80 : i32
      %lt3A_189 = arith.cmpi slt, %add3A_187, %lt3A_188 : i32
      %and3A_190 = arith.andi %ge3A_185, %lt3A_189 : i1
      %convert_element_type3A_191 = arith.extui %and3A_190 : i1 to i32
      %cond3A_192 = arith.constant 0 : i32
      %cond3A_193 = arith.cmpi ne, %convert_element_type3A_191, %cond3A_192 : i32
      scf.if %cond3A_193 {
        %dma_wait3A_195 = arith.constant 0 : i32
        %dma_wait3A_196 = tpu.memref_slice %arg7[%sub3A_183, %dma_wait3A_195] : memref<80x128xi32, #tpu.memory_space<vmem>> -> memref<1x128xi32, #tpu.memory_space<vmem>>
        %dma_wait3A_197 = tpu.memref_squeeze %dma_wait3A_196 : memref<1x128xi32, #tpu.memory_space<vmem>> -> memref<128xi32, #tpu.memory_space<vmem>>
        %dma_wait3A_198 = arith.constant 0 : i32
        %dma_wait3A_199 = arith.constant 0 : i32
        %dma_wait3A_200 = tpu.memref_slice %arg12[%dma_wait3A_198, %dma_wait3A_199] : memref<10240x32xf32, #tpu.memory_space<vmem_shared>> -> memref<10240x32xf32, #tpu.memory_space<vmem_shared>>
        tpu.wait_indirect_dma semaphore(%arg19 : memref<!tpu.dma_semaphore, #tpu.memory_space<semaphore_mem>>) src(%arg10 : memref<128x32xf32, #tpu.memory_space<vmem>>) dst(%dma_wait3A_200 : memref<10240x32xf32, #tpu.memory_space<vmem_shared>>)
        %add3A_201 = arith.constant 4 : i32
        %add3A_202 = arith.addi %sub3A_183, %add3A_201 : i32
        %dma_start3A_203 = arith.constant 0 : i32
        %dma_start3A_204 = tpu.memref_slice %arg6[%add3A_202, %dma_start3A_203] : memref<80x128xi32, #tpu.memory_space<vmem>> -> memref<1x128xi32, #tpu.memory_space<vmem>>
        %dma_start3A_205 = tpu.memref_squeeze %dma_start3A_204 : memref<1x128xi32, #tpu.memory_space<vmem>> -> memref<128xi32, #tpu.memory_space<vmem>>
        %dma_start3A_206 = arith.constant 0 : i32
        %dma_start3A_207 = arith.constant 0 : i32
        %dma_start3A_208 = tpu.memref_slice %arg2[%dma_start3A_206, %dma_start3A_207] : memref<10240x32xf32, #tpu.memory_space<hbm>> -> memref<10240x32xf32, #tpu.memory_space<hbm>>
        tpu.enqueue_indirect_dma source(%dma_start3A_208 : memref<10240x32xf32, #tpu.memory_space<hbm>>) target(%arg10 : memref<128x32xf32, #tpu.memory_space<vmem>>) offsets(%dma_start3A_205 : memref<128xi32, #tpu.memory_space<vmem>>) semaphore(%arg15 : memref<!tpu.dma_semaphore, #tpu.memory_space<semaphore_mem>>)
      } else {
      }
      %scan3A_194 = arith.constant 0 : i32
      scf.yield %scan3A_194 : i32
    }
    %scan3A_57 = arith.constant 20 : i32
    %dma_wait3A = arith.constant 0 : i32
    %dma_wait3A_58 = arith.constant 0 : i32
    %dma_wait3A_59 = tpu.memref_slice %arg7[%dma_wait3A, %dma_wait3A_58] : memref<80x128xi32, #tpu.memory_space<vmem>> -> memref<1x128xi32, #tpu.memory_space<vmem>>
    %dma_wait3A_60 = tpu.memref_squeeze %dma_wait3A_59 : memref<1x128xi32, #tpu.memory_space<vmem>> -> memref<128xi32, #tpu.memory_space<vmem>>
    %dma_wait3A_61 = arith.constant 0 : i32
    %dma_wait3A_62 = arith.constant 0 : i32
    %dma_wait3A_63 = tpu.memref_slice %arg12[%dma_wait3A_61, %dma_wait3A_62] : memref<10240x32xf32, #tpu.memory_space<vmem_shared>> -> memref<10240x32xf32, #tpu.memory_space<vmem_shared>>
    tpu.wait_indirect_dma semaphore(%arg17 : memref<!tpu.dma_semaphore, #tpu.memory_space<semaphore_mem>>) src(%arg8 : memref<128x32xf32, #tpu.memory_space<vmem>>) dst(%dma_wait3A_63 : memref<10240x32xf32, #tpu.memory_space<vmem_shared>>)
    %dma_wait3A_64 = arith.constant 0 : i32
    %dma_wait3A_65 = arith.constant 0 : i32
    %dma_wait3A_66 = tpu.memref_slice %arg7[%dma_wait3A_64, %dma_wait3A_65] : memref<80x128xi32, #tpu.memory_space<vmem>> -> memref<1x128xi32, #tpu.memory_space<vmem>>
    %dma_wait3A_67 = tpu.memref_squeeze %dma_wait3A_66 : memref<1x128xi32, #tpu.memory_space<vmem>> -> memref<128xi32, #tpu.memory_space<vmem>>
    %dma_wait3A_68 = arith.constant 0 : i32
    %dma_wait3A_69 = arith.constant 0 : i32
    %dma_wait3A_70 = tpu.memref_slice %arg12[%dma_wait3A_68, %dma_wait3A_69] : memref<10240x32xf32, #tpu.memory_space<vmem_shared>> -> memref<10240x32xf32, #tpu.memory_space<vmem_shared>>
    tpu.wait_indirect_dma semaphore(%arg18 : memref<!tpu.dma_semaphore, #tpu.memory_space<semaphore_mem>>) src(%arg9 : memref<128x32xf32, #tpu.memory_space<vmem>>) dst(%dma_wait3A_70 : memref<10240x32xf32, #tpu.memory_space<vmem_shared>>)
    %dma_wait3A_71 = arith.constant 0 : i32
    %dma_wait3A_72 = arith.constant 0 : i32
    %dma_wait3A_73 = tpu.memref_slice %arg7[%dma_wait3A_71, %dma_wait3A_72] : memref<80x128xi32, #tpu.memory_space<vmem>> -> memref<1x128xi32, #tpu.memory_space<vmem>>
    %dma_wait3A_74 = tpu.memref_squeeze %dma_wait3A_73 : memref<1x128xi32, #tpu.memory_space<vmem>> -> memref<128xi32, #tpu.memory_space<vmem>>
    %dma_wait3A_75 = arith.constant 0 : i32
    %dma_wait3A_76 = arith.constant 0 : i32
    %dma_wait3A_77 = tpu.memref_slice %arg12[%dma_wait3A_75, %dma_wait3A_76] : memref<10240x32xf32, #tpu.memory_space<vmem_shared>> -> memref<10240x32xf32, #tpu.memory_space<vmem_shared>>
    tpu.wait_indirect_dma semaphore(%arg19 : memref<!tpu.dma_semaphore, #tpu.memory_space<semaphore_mem>>) src(%arg10 : memref<128x32xf32, #tpu.memory_space<vmem>>) dst(%dma_wait3A_77 : memref<10240x32xf32, #tpu.memory_space<vmem_shared>>)
    %dma_wait3A_78 = arith.constant 0 : i32
    %dma_wait3A_79 = arith.constant 0 : i32
    %dma_wait3A_80 = tpu.memref_slice %arg7[%dma_wait3A_78, %dma_wait3A_79] : memref<80x128xi32, #tpu.memory_space<vmem>> -> memref<1x128xi32, #tpu.memory_space<vmem>>
    %dma_wait3A_81 = tpu.memref_squeeze %dma_wait3A_80 : memref<1x128xi32, #tpu.memory_space<vmem>> -> memref<128xi32, #tpu.memory_space<vmem>>
    %dma_wait3A_82 = arith.constant 0 : i32
    %dma_wait3A_83 = arith.constant 0 : i32
    %dma_wait3A_84 = tpu.memref_slice %arg12[%dma_wait3A_82, %dma_wait3A_83] : memref<10240x32xf32, #tpu.memory_space<vmem_shared>> -> memref<10240x32xf32, #tpu.memory_space<vmem_shared>>
    tpu.wait_indirect_dma semaphore(%arg20 : memref<!tpu.dma_semaphore, #tpu.memory_space<semaphore_mem>>) src(%arg11 : memref<128x32xf32, #tpu.memory_space<vmem>>) dst(%dma_wait3A_84 : memref<10240x32xf32, #tpu.memory_space<vmem_shared>>)
    %barrier3A_85 = arith.constant 0 : index
    tpu.barrier barrier_id(%barrier3A_85)
    "tpu.region"() ({
      %run_scoped3A = tpu.sem_alloc : memref<!tpu.dma_semaphore, #tpu.memory_space<semaphore_mem>>
      %dma_start3A_86 = arith.constant 0 : i32
      %dma_start3A_87 = tpu.memref_slice %arg5[%arg0, %mul3A_9, %dma_start3A_86] : memref<2x10240x32xf32, #tpu.memory_space<hbm>> -> memref<1x640x32xf32, #tpu.memory_space<hbm>>
      %dma_start3A_88 = tpu.memref_squeeze %dma_start3A_87 : memref<1x640x32xf32, #tpu.memory_space<hbm>> -> memref<640x32xf32, #tpu.memory_space<hbm>>
      %dma_start3A_89 = arith.constant 0 : i32
      %dma_start3A_90 = tpu.memref_slice %arg12[%mul3A_9, %dma_start3A_89] : memref<10240x32xf32, #tpu.memory_space<vmem_shared>> -> memref<640x32xf32, #tpu.memory_space<vmem_shared>>
      tpu.enqueue_dma source(%dma_start3A_90 : memref<640x32xf32, #tpu.memory_space<vmem_shared>>) target(%dma_start3A_88 : memref<640x32xf32, #tpu.memory_space<hbm>>) target_semaphore(%run_scoped3A : memref<!tpu.dma_semaphore, #tpu.memory_space<semaphore_mem>>)
      %dma_wait3A_91 = arith.constant 0 : i32
      %dma_wait3A_92 = tpu.memref_slice %arg5[%arg0, %mul3A_9, %dma_wait3A_91] : memref<2x10240x32xf32, #tpu.memory_space<hbm>> -> memref<1x640x32xf32, #tpu.memory_space<hbm>>
      %dma_wait3A_93 = tpu.memref_squeeze %dma_wait3A_92 : memref<1x640x32xf32, #tpu.memory_space<hbm>> -> memref<640x32xf32, #tpu.memory_space<hbm>>
      %dma_wait3A_94 = arith.constant 0 : i32
      %dma_wait3A_95 = tpu.memref_slice %arg12[%mul3A_9, %dma_wait3A_94] : memref<10240x32xf32, #tpu.memory_space<vmem_shared>> -> memref<640x32xf32, #tpu.memory_space<vmem_shared>>
      tpu.wait_dma2 semaphore(%run_scoped3A : memref<!tpu.dma_semaphore, #tpu.memory_space<semaphore_mem>>) src(%dma_wait3A_95 : memref<640x32xf32, #tpu.memory_space<vmem_shared>>) dst(%dma_wait3A_93 : memref<640x32xf32, #tpu.memory_space<hbm>>)
      tpu.yield
    }) : () -> ()
    return
  }
}

#map = affine_map<(d0, d1) -> (0, 0)>
#map1 = affine_map<(d0, d1) -> (0, 0, 0, 0)>
module attributes {stable_mosaic.version = 14 : i64} {
  func.func @_sc_degrees_body(%arg0: i32, %arg1: i32, %arg2: memref<2560x128xi32, #tpu.memory_space<hbm>>, %arg3: memref<2560x128xi32, #tpu.memory_space<hbm>>, %arg4: memref<2x2x10240x16xf32, #tpu.memory_space<hbm>>, %arg5: memref<80x128xi32, #tpu.memory_space<vmem>>, %arg6: memref<80x128xi32, #tpu.memory_space<vmem>>, %arg7: memref<128x16xf32, #tpu.memory_space<vmem>>, %arg8: memref<640x16xf32, #tpu.memory_space<vmem>>, %arg9: memref<2x10240x16xf32, #tpu.memory_space<vmem_shared>>, %arg10: memref<!tpu.dma_semaphore, #tpu.memory_space<semaphore_mem>>, %arg11: memref<!tpu.dma_semaphore, #tpu.memory_space<semaphore_mem>>) attributes {dimension_semantics = [#tpu.dimension_semantics<core_parallel>, #tpu.dimension_semantics<subcore_parallel>], iteration_bounds = array<i64: 2, 16>, scalar_prefetch = 0 : i64, scratch_operands = 7 : i64, tpu.core_type = #tpu.core_type<sc_vector_subcore>, window_params = [{transform_indices = #map}, {transform_indices = #map}, {transform_indices = #map1}]} {
    %mul3A = arith.constant 2 : i32
    %mul3A_0 = arith.muli %arg1, %mul3A : i32
    %add3A = arith.addi %mul3A_0, %arg0 : i32
    %iota3A = tpu.iota {dimensions = array<i32: 0>} : vector<16xi32>
    %eq3A = arith.constant 0 : i32
    %eq3A_1 = vector.broadcast %eq3A : i32 to vector<16xi32>
    %eq3A_2 = arith.cmpi eq, %iota3A, %eq3A_1 : vector<16xi32>
    %jit3A = arith.constant 1.000000e+00 : f32
    %jit3A_3 = arith.constant 0.000000e+00 : f32
    %broadcast_in_dim3A = vector.broadcast %jit3A : f32 to vector<16xf32>
    %broadcast_in_dim3A_4 = vector.broadcast %jit3A_3 : f32 to vector<16xf32>
    %select_n3A = arith.select %eq3A_2, %broadcast_in_dim3A, %broadcast_in_dim3A_4 : vector<16xi1>, vector<16xf32>
    %scan3A = arith.constant 0 : i32
    %scan3A_5 = arith.constant 0 : i32
    %scan3A_6 = arith.constant 128 : i32
    %scan3A_7 = arith.addi %scan3A_5, %scan3A_6 : i32
    %scan3A_8 = arith.constant 1 : i32
    %scan3A_9 = scf.for %scan3A_62 = %scan3A_5 to %scan3A_7 step %scan3A_8 iter_args(%scan3A_63 = %scan3A) -> (i32)  : i32 {
      %swap3A = arith.index_cast %scan3A_62 : i32 to index
      %swap3A_64 = arith.constant 0 : index
      %swap3A_65 = tpu.vector_load %arg7[%swap3A, %swap3A_64] {strides = array<i32>} : memref<128x16xf32, #tpu.memory_space<vmem>>, vector<1x16xf32>,
      %swap3A_66 = vector.shape_cast %swap3A_65 : vector<1x16xf32> to vector<16xf32>
      %swap3A_67 = vector.shape_cast %select_n3A : vector<16xf32> to vector<1x16xf32>
      tpu.vector_store %arg7[%swap3A, %swap3A_64], %swap3A_67 {strides = array<i32>} : memref<128x16xf32, #tpu.memory_space<vmem>>, vector<1x16xf32>,
      %scan3A_68 = arith.constant 0 : i32
      scf.yield %scan3A_68 : i32
    }
    %scan3A_10 = arith.constant 128 : i32
    %broadcast_in_dim3A_11 = arith.constant 0.000000e+00 : f32
    %broadcast_in_dim3A_12 = vector.broadcast %broadcast_in_dim3A_11 : f32 to vector<16xf32>
    %scan3A_13 = arith.constant 0 : i32
    %scan3A_14 = arith.constant 0 : i32
    %scan3A_15 = arith.constant 640 : i32
    %scan3A_16 = arith.addi %scan3A_14, %scan3A_15 : i32
    %scan3A_17 = arith.constant 1 : i32
    %scan3A_18 = scf.for %scan3A_62 = %scan3A_14 to %scan3A_16 step %scan3A_17 iter_args(%scan3A_63 = %scan3A_13) -> (i32)  : i32 {
      %swap3A = arith.index_cast %scan3A_62 : i32 to index
      %swap3A_64 = arith.constant 0 : index
      %swap3A_65 = tpu.vector_load %arg8[%swap3A, %swap3A_64] {strides = array<i32>} : memref<640x16xf32, #tpu.memory_space<vmem>>, vector<1x16xf32>,
      %swap3A_66 = vector.shape_cast %swap3A_65 : vector<1x16xf32> to vector<16xf32>
      %swap3A_67 = vector.shape_cast %broadcast_in_dim3A_12 : vector<16xf32> to vector<1x16xf32>
      tpu.vector_store %arg8[%swap3A, %swap3A_64], %swap3A_67 {strides = array<i32>} : memref<640x16xf32, #tpu.memory_space<vmem>>, vector<1x16xf32>,
      %scan3A_68 = arith.constant 0 : i32
      scf.yield %scan3A_68 : i32
    }
    %scan3A_19 = arith.constant 640 : i32
    %mul3A_20 = arith.constant 640 : i32
    %mul3A_21 = arith.muli %arg1, %mul3A_20 : i32
    %run_scoped3A = arith.constant 0 : i32
    "tpu.region"() ({
      %run_scoped3A_62 = tpu.sem_alloc : memref<!tpu.dma_semaphore, #tpu.memory_space<semaphore_mem>>
      %dma_start3A = arith.constant 0 : i32
      %dma_start3A_63 = tpu.memref_slice %arg9[%run_scoped3A, %mul3A_21, %dma_start3A] : memref<2x10240x16xf32, #tpu.memory_space<vmem_shared>> -> memref<1x640x16xf32, #tpu.memory_space<vmem_shared>>
      %dma_start3A_64 = tpu.memref_squeeze %dma_start3A_63 : memref<1x640x16xf32, #tpu.memory_space<vmem_shared>> -> memref<640x16xf32, #tpu.memory_space<vmem_shared>>
      %dma_start3A_65 = arith.constant 0 : i32
      %dma_start3A_66 = tpu.memref_slice %arg9[%run_scoped3A, %mul3A_21, %dma_start3A_65] : memref<2x10240x16xf32, #tpu.memory_space<vmem_shared>> -> memref<1x640x16xf32, #tpu.memory_space<vmem_shared>>
      %dma_start3A_67 = tpu.memref_squeeze %dma_start3A_66 : memref<1x640x16xf32, #tpu.memory_space<vmem_shared>> -> memref<640x16xf32, #tpu.memory_space<vmem_shared>>
      tpu.enqueue_dma source(%arg8 : memref<640x16xf32, #tpu.memory_space<vmem>>) target(%dma_start3A_67 : memref<640x16xf32, #tpu.memory_space<vmem_shared>>) target_semaphore(%run_scoped3A_62 : memref<!tpu.dma_semaphore, #tpu.memory_space<semaphore_mem>>)
      %dma_wait3A_68 = arith.constant 0 : i32
      %dma_wait3A_69 = tpu.memref_slice %arg9[%run_scoped3A, %mul3A_21, %dma_wait3A_68] : memref<2x10240x16xf32, #tpu.memory_space<vmem_shared>> -> memref<1x640x16xf32, #tpu.memory_space<vmem_shared>>
      %dma_wait3A_70 = tpu.memref_squeeze %dma_wait3A_69 : memref<1x640x16xf32, #tpu.memory_space<vmem_shared>> -> memref<640x16xf32, #tpu.memory_space<vmem_shared>>
      %dma_wait3A_71 = arith.constant 0 : i32
      %dma_wait3A_72 = tpu.memref_slice %arg9[%run_scoped3A, %mul3A_21, %dma_wait3A_71] : memref<2x10240x16xf32, #tpu.memory_space<vmem_shared>> -> memref<1x640x16xf32, #tpu.memory_space<vmem_shared>>
      %dma_wait3A_73 = tpu.memref_squeeze %dma_wait3A_72 : memref<1x640x16xf32, #tpu.memory_space<vmem_shared>> -> memref<640x16xf32, #tpu.memory_space<vmem_shared>>
      tpu.wait_dma2 semaphore(%run_scoped3A_62 : memref<!tpu.dma_semaphore, #tpu.memory_space<semaphore_mem>>) src(%arg8 : memref<640x16xf32, #tpu.memory_space<vmem>>) dst(%dma_wait3A_73 : memref<640x16xf32, #tpu.memory_space<vmem_shared>>)
      tpu.yield
    }) : () -> ()
    %run_scoped3A_22 = arith.constant 1 : i32
    "tpu.region"() ({
      %run_scoped3A_62 = tpu.sem_alloc : memref<!tpu.dma_semaphore, #tpu.memory_space<semaphore_mem>>
      %dma_start3A = arith.constant 0 : i32
      %dma_start3A_63 = tpu.memref_slice %arg9[%run_scoped3A_22, %mul3A_21, %dma_start3A] : memref<2x10240x16xf32, #tpu.memory_space<vmem_shared>> -> memref<1x640x16xf32, #tpu.memory_space<vmem_shared>>
      %dma_start3A_64 = tpu.memref_squeeze %dma_start3A_63 : memref<1x640x16xf32, #tpu.memory_space<vmem_shared>> -> memref<640x16xf32, #tpu.memory_space<vmem_shared>>
      %dma_start3A_65 = arith.constant 0 : i32
      %dma_start3A_66 = tpu.memref_slice %arg9[%run_scoped3A_22, %mul3A_21, %dma_start3A_65] : memref<2x10240x16xf32, #tpu.memory_space<vmem_shared>> -> memref<1x640x16xf32, #tpu.memory_space<vmem_shared>>
      %dma_start3A_67 = tpu.memref_squeeze %dma_start3A_66 : memref<1x640x16xf32, #tpu.memory_space<vmem_shared>> -> memref<640x16xf32, #tpu.memory_space<vmem_shared>>
      tpu.enqueue_dma source(%arg8 : memref<640x16xf32, #tpu.memory_space<vmem>>) target(%dma_start3A_67 : memref<640x16xf32, #tpu.memory_space<vmem_shared>>) target_semaphore(%run_scoped3A_62 : memref<!tpu.dma_semaphore, #tpu.memory_space<semaphore_mem>>)
      %dma_wait3A_68 = arith.constant 0 : i32
      %dma_wait3A_69 = tpu.memref_slice %arg9[%run_scoped3A_22, %mul3A_21, %dma_wait3A_68] : memref<2x10240x16xf32, #tpu.memory_space<vmem_shared>> -> memref<1x640x16xf32, #tpu.memory_space<vmem_shared>>
      %dma_wait3A_70 = tpu.memref_squeeze %dma_wait3A_69 : memref<1x640x16xf32, #tpu.memory_space<vmem_shared>> -> memref<640x16xf32, #tpu.memory_space<vmem_shared>>
      %dma_wait3A_71 = arith.constant 0 : i32
      %dma_wait3A_72 = tpu.memref_slice %arg9[%run_scoped3A_22, %mul3A_21, %dma_wait3A_71] : memref<2x10240x16xf32, #tpu.memory_space<vmem_shared>> -> memref<1x640x16xf32, #tpu.memory_space<vmem_shared>>
      %dma_wait3A_73 = tpu.memref_squeeze %dma_wait3A_72 : memref<1x640x16xf32, #tpu.memory_space<vmem_shared>> -> memref<640x16xf32, #tpu.memory_space<vmem_shared>>
      tpu.wait_dma2 semaphore(%run_scoped3A_62 : memref<!tpu.dma_semaphore, #tpu.memory_space<semaphore_mem>>) src(%arg8 : memref<640x16xf32, #tpu.memory_space<vmem>>) dst(%dma_wait3A_73 : memref<640x16xf32, #tpu.memory_space<vmem_shared>>)
      tpu.yield
    }) : () -> ()
    %mul3A_23 = arith.constant 80 : i32
    %mul3A_24 = arith.muli %add3A, %mul3A_23 : i32
    "tpu.region"() ({
      %run_scoped3A_62 = tpu.sem_alloc : memref<!tpu.dma_semaphore, #tpu.memory_space<semaphore_mem>>
      %dma_start3A = arith.constant 0 : i32
      %dma_start3A_63 = tpu.memref_slice %arg2[%mul3A_24, %dma_start3A] : memref<2560x128xi32, #tpu.memory_space<hbm>> -> memref<80x128xi32, #tpu.memory_space<hbm>>
      %dma_start3A_64 = arith.constant 0 : i32
      %dma_start3A_65 = tpu.memref_slice %arg2[%mul3A_24, %dma_start3A_64] : memref<2560x128xi32, #tpu.memory_space<hbm>> -> memref<80x128xi32, #tpu.memory_space<hbm>>
      tpu.enqueue_dma source(%dma_start3A_65 : memref<80x128xi32, #tpu.memory_space<hbm>>) target(%arg5 : memref<80x128xi32, #tpu.memory_space<vmem>>) target_semaphore(%run_scoped3A_62 : memref<!tpu.dma_semaphore, #tpu.memory_space<semaphore_mem>>)
      %dma_wait3A_66 = arith.constant 0 : i32
      %dma_wait3A_67 = tpu.memref_slice %arg2[%mul3A_24, %dma_wait3A_66] : memref<2560x128xi32, #tpu.memory_space<hbm>> -> memref<80x128xi32, #tpu.memory_space<hbm>>
      %dma_wait3A_68 = arith.constant 0 : i32
      %dma_wait3A_69 = tpu.memref_slice %arg2[%mul3A_24, %dma_wait3A_68] : memref<2560x128xi32, #tpu.memory_space<hbm>> -> memref<80x128xi32, #tpu.memory_space<hbm>>
      tpu.wait_dma2 semaphore(%run_scoped3A_62 : memref<!tpu.dma_semaphore, #tpu.memory_space<semaphore_mem>>) src(%dma_wait3A_69 : memref<80x128xi32, #tpu.memory_space<hbm>>) dst(%arg5 : memref<80x128xi32, #tpu.memory_space<vmem>>)
      tpu.yield
    }) : () -> ()
    %mul3A_25 = arith.constant 80 : i32
    %mul3A_26 = arith.muli %add3A, %mul3A_25 : i32
    "tpu.region"() ({
      %run_scoped3A_62 = tpu.sem_alloc : memref<!tpu.dma_semaphore, #tpu.memory_space<semaphore_mem>>
      %dma_start3A = arith.constant 0 : i32
      %dma_start3A_63 = tpu.memref_slice %arg3[%mul3A_26, %dma_start3A] : memref<2560x128xi32, #tpu.memory_space<hbm>> -> memref<80x128xi32, #tpu.memory_space<hbm>>
      %dma_start3A_64 = arith.constant 0 : i32
      %dma_start3A_65 = tpu.memref_slice %arg3[%mul3A_26, %dma_start3A_64] : memref<2560x128xi32, #tpu.memory_space<hbm>> -> memref<80x128xi32, #tpu.memory_space<hbm>>
      tpu.enqueue_dma source(%dma_start3A_65 : memref<80x128xi32, #tpu.memory_space<hbm>>) target(%arg6 : memref<80x128xi32, #tpu.memory_space<vmem>>) target_semaphore(%run_scoped3A_62 : memref<!tpu.dma_semaphore, #tpu.memory_space<semaphore_mem>>)
      %dma_wait3A_66 = arith.constant 0 : i32
      %dma_wait3A_67 = tpu.memref_slice %arg3[%mul3A_26, %dma_wait3A_66] : memref<2560x128xi32, #tpu.memory_space<hbm>> -> memref<80x128xi32, #tpu.memory_space<hbm>>
      %dma_wait3A_68 = arith.constant 0 : i32
      %dma_wait3A_69 = tpu.memref_slice %arg3[%mul3A_26, %dma_wait3A_68] : memref<2560x128xi32, #tpu.memory_space<hbm>> -> memref<80x128xi32, #tpu.memory_space<hbm>>
      tpu.wait_dma2 semaphore(%run_scoped3A_62 : memref<!tpu.dma_semaphore, #tpu.memory_space<semaphore_mem>>) src(%dma_wait3A_69 : memref<80x128xi32, #tpu.memory_space<hbm>>) dst(%arg6 : memref<80x128xi32, #tpu.memory_space<vmem>>)
      tpu.yield
    }) : () -> ()
    %barrier3A = arith.constant 0 : index
    tpu.barrier barrier_id(%barrier3A)
    %scan3A_27 = arith.constant 0 : i32
    %scan3A_28 = arith.constant 0 : i32
    %scan3A_29 = arith.constant 80 : i32
    %scan3A_30 = arith.addi %scan3A_28, %scan3A_29 : i32
    %scan3A_31 = arith.constant 1 : i32
    %scan3A_32 = scf.for %scan3A_62 = %scan3A_28 to %scan3A_30 step %scan3A_31 iter_args(%scan3A_63 = %scan3A_27) -> (i32)  : i32 {
      %dma_start3A = arith.constant 0 : i32
      %dma_start3A_64 = arith.constant 0 : i32
      %dma_start3A_65 = tpu.memref_slice %arg5[%scan3A_62, %dma_start3A_64] : memref<80x128xi32, #tpu.memory_space<vmem>> -> memref<1x128xi32, #tpu.memory_space<vmem>>
      %dma_start3A_66 = tpu.memref_squeeze %dma_start3A_65 : memref<1x128xi32, #tpu.memory_space<vmem>> -> memref<128xi32, #tpu.memory_space<vmem>>
      %dma_start3A_67 = arith.constant 0 : i32
      %dma_start3A_68 = arith.constant 0 : i32
      %dma_start3A_69 = tpu.memref_slice %arg9[%dma_start3A, %dma_start3A_67, %dma_start3A_68] : memref<2x10240x16xf32, #tpu.memory_space<vmem_shared>> -> memref<1x10240x16xf32, #tpu.memory_space<vmem_shared>>
      %dma_start3A_70 = tpu.memref_squeeze %dma_start3A_69 : memref<1x10240x16xf32, #tpu.memory_space<vmem_shared>> -> memref<10240x16xf32, #tpu.memory_space<vmem_shared>>
      %dma_start3A_71 = arith.constant 0 : i32
      %dma_start3A_72 = arith.constant 0 : i32
      %dma_start3A_73 = tpu.memref_slice %dma_start3A_70[%dma_start3A_71, %dma_start3A_72] : memref<10240x16xf32, #tpu.memory_space<vmem_shared>> -> memref<10240x16xf32, #tpu.memory_space<vmem_shared>>
      tpu.enqueue_indirect_dma source(%arg7 : memref<128x16xf32, #tpu.memory_space<vmem>>) target(%dma_start3A_73 : memref<10240x16xf32, #tpu.memory_space<vmem_shared>>) offsets(%dma_start3A_66 : memref<128xi32, #tpu.memory_space<vmem>>) semaphore(%arg10 : memref<!tpu.dma_semaphore, #tpu.memory_space<semaphore_mem>>) {add = true}
      %dma_start3A_74 = arith.constant 1 : i32
      %dma_start3A_75 = arith.constant 0 : i32
      %dma_start3A_76 = tpu.memref_slice %arg6[%scan3A_62, %dma_start3A_75] : memref<80x128xi32, #tpu.memory_space<vmem>> -> memref<1x128xi32, #tpu.memory_space<vmem>>
      %dma_start3A_77 = tpu.memref_squeeze %dma_start3A_76 : memref<1x128xi32, #tpu.memory_space<vmem>> -> memref<128xi32, #tpu.memory_space<vmem>>
      %dma_start3A_78 = arith.constant 0 : i32
      %dma_start3A_79 = arith.constant 0 : i32
      %dma_start3A_80 = tpu.memref_slice %arg9[%dma_start3A_74, %dma_start3A_78, %dma_start3A_79] : memref<2x10240x16xf32, #tpu.memory_space<vmem_shared>> -> memref<1x10240x16xf32, #tpu.memory_space<vmem_shared>>
      %dma_start3A_81 = tpu.memref_squeeze %dma_start3A_80 : memref<1x10240x16xf32, #tpu.memory_space<vmem_shared>> -> memref<10240x16xf32, #tpu.memory_space<vmem_shared>>
      %dma_start3A_82 = arith.constant 0 : i32
      %dma_start3A_83 = arith.constant 0 : i32
      %dma_start3A_84 = tpu.memref_slice %dma_start3A_81[%dma_start3A_82, %dma_start3A_83] : memref<10240x16xf32, #tpu.memory_space<vmem_shared>> -> memref<10240x16xf32, #tpu.memory_space<vmem_shared>>
      tpu.enqueue_indirect_dma source(%arg7 : memref<128x16xf32, #tpu.memory_space<vmem>>) target(%dma_start3A_84 : memref<10240x16xf32, #tpu.memory_space<vmem_shared>>) offsets(%dma_start3A_77 : memref<128xi32, #tpu.memory_space<vmem>>) semaphore(%arg11 : memref<!tpu.dma_semaphore, #tpu.memory_space<semaphore_mem>>) {add = true}
      %gt3A = arith.constant 0 : i32
      %gt3A_85 = arith.cmpi sgt, %scan3A_62, %gt3A : i32
      %convert_element_type3A = arith.extui %gt3A_85 : i1 to i32
      %cond3A = arith.constant 0 : i32
      %cond3A_86 = arith.cmpi ne, %convert_element_type3A, %cond3A : i32
      scf.if %cond3A_86 {
        %dma_wait3A_88 = arith.constant 0 : i32
        %dma_wait3A_89 = arith.constant 0 : i32
        %dma_wait3A_90 = tpu.memref_slice %arg5[%scan3A_62, %dma_wait3A_89] : memref<80x128xi32, #tpu.memory_space<vmem>> -> memref<1x128xi32, #tpu.memory_space<vmem>>
        %dma_wait3A_91 = tpu.memref_squeeze %dma_wait3A_90 : memref<1x128xi32, #tpu.memory_space<vmem>> -> memref<128xi32, #tpu.memory_space<vmem>>
        %dma_wait3A_92 = arith.constant 0 : i32
        %dma_wait3A_93 = arith.constant 0 : i32
        %dma_wait3A_94 = tpu.memref_slice %arg9[%dma_wait3A_88, %dma_wait3A_92, %dma_wait3A_93] : memref<2x10240x16xf32, #tpu.memory_space<vmem_shared>> -> memref<1x10240x16xf32, #tpu.memory_space<vmem_shared>>
        %dma_wait3A_95 = tpu.memref_squeeze %dma_wait3A_94 : memref<1x10240x16xf32, #tpu.memory_space<vmem_shared>> -> memref<10240x16xf32, #tpu.memory_space<vmem_shared>>
        %dma_wait3A_96 = arith.constant 0 : i32
        %dma_wait3A_97 = arith.constant 0 : i32
        %dma_wait3A_98 = tpu.memref_slice %dma_wait3A_95[%dma_wait3A_96, %dma_wait3A_97] : memref<10240x16xf32, #tpu.memory_space<vmem_shared>> -> memref<10240x16xf32, #tpu.memory_space<vmem_shared>>
        tpu.wait_indirect_dma semaphore(%arg10 : memref<!tpu.dma_semaphore, #tpu.memory_space<semaphore_mem>>) src(%arg7 : memref<128x16xf32, #tpu.memory_space<vmem>>) dst(%dma_wait3A_98 : memref<10240x16xf32, #tpu.memory_space<vmem_shared>>)
        %dma_wait3A_99 = arith.constant 1 : i32
        %dma_wait3A_100 = arith.constant 0 : i32
        %dma_wait3A_101 = tpu.memref_slice %arg6[%scan3A_62, %dma_wait3A_100] : memref<80x128xi32, #tpu.memory_space<vmem>> -> memref<1x128xi32, #tpu.memory_space<vmem>>
        %dma_wait3A_102 = tpu.memref_squeeze %dma_wait3A_101 : memref<1x128xi32, #tpu.memory_space<vmem>> -> memref<128xi32, #tpu.memory_space<vmem>>
        %dma_wait3A_103 = arith.constant 0 : i32
        %dma_wait3A_104 = arith.constant 0 : i32
        %dma_wait3A_105 = tpu.memref_slice %arg9[%dma_wait3A_99, %dma_wait3A_103, %dma_wait3A_104] : memref<2x10240x16xf32, #tpu.memory_space<vmem_shared>> -> memref<1x10240x16xf32, #tpu.memory_space<vmem_shared>>
        %dma_wait3A_106 = tpu.memref_squeeze %dma_wait3A_105 : memref<1x10240x16xf32, #tpu.memory_space<vmem_shared>> -> memref<10240x16xf32, #tpu.memory_space<vmem_shared>>
        %dma_wait3A_107 = arith.constant 0 : i32
        %dma_wait3A_108 = arith.constant 0 : i32
        %dma_wait3A_109 = tpu.memref_slice %dma_wait3A_106[%dma_wait3A_107, %dma_wait3A_108] : memref<10240x16xf32, #tpu.memory_space<vmem_shared>> -> memref<10240x16xf32, #tpu.memory_space<vmem_shared>>
        tpu.wait_indirect_dma semaphore(%arg11 : memref<!tpu.dma_semaphore, #tpu.memory_space<semaphore_mem>>) src(%arg7 : memref<128x16xf32, #tpu.memory_space<vmem>>) dst(%dma_wait3A_109 : memref<10240x16xf32, #tpu.memory_space<vmem_shared>>)
      } else {
      }
      %scan3A_87 = arith.constant 0 : i32
      scf.yield %scan3A_87 : i32
    }
    %scan3A_33 = arith.constant 80 : i32
    %dma_wait3A = arith.constant 0 : i32
    %dma_wait3A_34 = arith.constant 0 : i32
    %dma_wait3A_35 = arith.constant 0 : i32
    %dma_wait3A_36 = tpu.memref_slice %arg5[%dma_wait3A_34, %dma_wait3A_35] : memref<80x128xi32, #tpu.memory_space<vmem>> -> memref<1x128xi32, #tpu.memory_space<vmem>>
    %dma_wait3A_37 = tpu.memref_squeeze %dma_wait3A_36 : memref<1x128xi32, #tpu.memory_space<vmem>> -> memref<128xi32, #tpu.memory_space<vmem>>
    %dma_wait3A_38 = arith.constant 0 : i32
    %dma_wait3A_39 = arith.constant 0 : i32
    %dma_wait3A_40 = tpu.memref_slice %arg9[%dma_wait3A, %dma_wait3A_38, %dma_wait3A_39] : memref<2x10240x16xf32, #tpu.memory_space<vmem_shared>> -> memref<1x10240x16xf32, #tpu.memory_space<vmem_shared>>
    %dma_wait3A_41 = tpu.memref_squeeze %dma_wait3A_40 : memref<1x10240x16xf32, #tpu.memory_space<vmem_shared>> -> memref<10240x16xf32, #tpu.memory_space<vmem_shared>>
    %dma_wait3A_42 = arith.constant 0 : i32
    %dma_wait3A_43 = arith.constant 0 : i32
    %dma_wait3A_44 = tpu.memref_slice %dma_wait3A_41[%dma_wait3A_42, %dma_wait3A_43] : memref<10240x16xf32, #tpu.memory_space<vmem_shared>> -> memref<10240x16xf32, #tpu.memory_space<vmem_shared>>
    tpu.wait_indirect_dma semaphore(%arg10 : memref<!tpu.dma_semaphore, #tpu.memory_space<semaphore_mem>>) src(%arg7 : memref<128x16xf32, #tpu.memory_space<vmem>>) dst(%dma_wait3A_44 : memref<10240x16xf32, #tpu.memory_space<vmem_shared>>)
    %dma_wait3A_45 = arith.constant 1 : i32
    %dma_wait3A_46 = arith.constant 0 : i32
    %dma_wait3A_47 = arith.constant 0 : i32
    %dma_wait3A_48 = tpu.memref_slice %arg6[%dma_wait3A_46, %dma_wait3A_47] : memref<80x128xi32, #tpu.memory_space<vmem>> -> memref<1x128xi32, #tpu.memory_space<vmem>>
    %dma_wait3A_49 = tpu.memref_squeeze %dma_wait3A_48 : memref<1x128xi32, #tpu.memory_space<vmem>> -> memref<128xi32, #tpu.memory_space<vmem>>
    %dma_wait3A_50 = arith.constant 0 : i32
    %dma_wait3A_51 = arith.constant 0 : i32
    %dma_wait3A_52 = tpu.memref_slice %arg9[%dma_wait3A_45, %dma_wait3A_50, %dma_wait3A_51] : memref<2x10240x16xf32, #tpu.memory_space<vmem_shared>> -> memref<1x10240x16xf32, #tpu.memory_space<vmem_shared>>
    %dma_wait3A_53 = tpu.memref_squeeze %dma_wait3A_52 : memref<1x10240x16xf32, #tpu.memory_space<vmem_shared>> -> memref<10240x16xf32, #tpu.memory_space<vmem_shared>>
    %dma_wait3A_54 = arith.constant 0 : i32
    %dma_wait3A_55 = arith.constant 0 : i32
    %dma_wait3A_56 = tpu.memref_slice %dma_wait3A_53[%dma_wait3A_54, %dma_wait3A_55] : memref<10240x16xf32, #tpu.memory_space<vmem_shared>> -> memref<10240x16xf32, #tpu.memory_space<vmem_shared>>
    tpu.wait_indirect_dma semaphore(%arg11 : memref<!tpu.dma_semaphore, #tpu.memory_space<semaphore_mem>>) src(%arg7 : memref<128x16xf32, #tpu.memory_space<vmem>>) dst(%dma_wait3A_56 : memref<10240x16xf32, #tpu.memory_space<vmem_shared>>)
    %barrier3A_57 = arith.constant 0 : index
    tpu.barrier barrier_id(%barrier3A_57)
    %run_scoped3A_58 = arith.constant 0 : i32
    %run_scoped3A_59 = arith.constant 0 : i32
    "tpu.region"() ({
      %run_scoped3A_62 = tpu.sem_alloc : memref<!tpu.dma_semaphore, #tpu.memory_space<semaphore_mem>>
      %dma_start3A = arith.constant 0 : i32
      %dma_start3A_63 = tpu.memref_slice %arg4[%arg0, %run_scoped3A_59, %mul3A_21, %dma_start3A] : memref<2x2x10240x16xf32, #tpu.memory_space<hbm>> -> memref<1x1x640x16xf32, #tpu.memory_space<hbm>>
      %dma_start3A_64 = tpu.memref_squeeze %dma_start3A_63 : memref<1x1x640x16xf32, #tpu.memory_space<hbm>> -> memref<640x16xf32, #tpu.memory_space<hbm>>
      %dma_start3A_65 = arith.constant 0 : i32
      %dma_start3A_66 = tpu.memref_slice %arg9[%run_scoped3A_58, %mul3A_21, %dma_start3A_65] : memref<2x10240x16xf32, #tpu.memory_space<vmem_shared>> -> memref<1x640x16xf32, #tpu.memory_space<vmem_shared>>
      %dma_start3A_67 = tpu.memref_squeeze %dma_start3A_66 : memref<1x640x16xf32, #tpu.memory_space<vmem_shared>> -> memref<640x16xf32, #tpu.memory_space<vmem_shared>>
      tpu.enqueue_dma source(%dma_start3A_67 : memref<640x16xf32, #tpu.memory_space<vmem_shared>>) target(%dma_start3A_64 : memref<640x16xf32, #tpu.memory_space<hbm>>) target_semaphore(%run_scoped3A_62 : memref<!tpu.dma_semaphore, #tpu.memory_space<semaphore_mem>>)
      %dma_wait3A_68 = arith.constant 0 : i32
      %dma_wait3A_69 = tpu.memref_slice %arg4[%arg0, %run_scoped3A_59, %mul3A_21, %dma_wait3A_68] : memref<2x2x10240x16xf32, #tpu.memory_space<hbm>> -> memref<1x1x640x16xf32, #tpu.memory_space<hbm>>
      %dma_wait3A_70 = tpu.memref_squeeze %dma_wait3A_69 : memref<1x1x640x16xf32, #tpu.memory_space<hbm>> -> memref<640x16xf32, #tpu.memory_space<hbm>>
      %dma_wait3A_71 = arith.constant 0 : i32
      %dma_wait3A_72 = tpu.memref_slice %arg9[%run_scoped3A_58, %mul3A_21, %dma_wait3A_71] : memref<2x10240x16xf32, #tpu.memory_space<vmem_shared>> -> memref<1x640x16xf32, #tpu.memory_space<vmem_shared>>
      %dma_wait3A_73 = tpu.memref_squeeze %dma_wait3A_72 : memref<1x640x16xf32, #tpu.memory_space<vmem_shared>> -> memref<640x16xf32, #tpu.memory_space<vmem_shared>>
      tpu.wait_dma2 semaphore(%run_scoped3A_62 : memref<!tpu.dma_semaphore, #tpu.memory_space<semaphore_mem>>) src(%dma_wait3A_73 : memref<640x16xf32, #tpu.memory_space<vmem_shared>>) dst(%dma_wait3A_70 : memref<640x16xf32, #tpu.memory_space<hbm>>)
      tpu.yield
    }) : () -> ()
    %run_scoped3A_60 = arith.constant 1 : i32
    %run_scoped3A_61 = arith.constant 1 : i32
    "tpu.region"() ({
      %run_scoped3A_62 = tpu.sem_alloc : memref<!tpu.dma_semaphore, #tpu.memory_space<semaphore_mem>>
      %dma_start3A = arith.constant 0 : i32
      %dma_start3A_63 = tpu.memref_slice %arg4[%arg0, %run_scoped3A_61, %mul3A_21, %dma_start3A] : memref<2x2x10240x16xf32, #tpu.memory_space<hbm>> -> memref<1x1x640x16xf32, #tpu.memory_space<hbm>>
      %dma_start3A_64 = tpu.memref_squeeze %dma_start3A_63 : memref<1x1x640x16xf32, #tpu.memory_space<hbm>> -> memref<640x16xf32, #tpu.memory_space<hbm>>
      %dma_start3A_65 = arith.constant 0 : i32
      %dma_start3A_66 = tpu.memref_slice %arg9[%run_scoped3A_60, %mul3A_21, %dma_start3A_65] : memref<2x10240x16xf32, #tpu.memory_space<vmem_shared>> -> memref<1x640x16xf32, #tpu.memory_space<vmem_shared>>
      %dma_start3A_67 = tpu.memref_squeeze %dma_start3A_66 : memref<1x640x16xf32, #tpu.memory_space<vmem_shared>> -> memref<640x16xf32, #tpu.memory_space<vmem_shared>>
      tpu.enqueue_dma source(%dma_start3A_67 : memref<640x16xf32, #tpu.memory_space<vmem_shared>>) target(%dma_start3A_64 : memref<640x16xf32, #tpu.memory_space<hbm>>) target_semaphore(%run_scoped3A_62 : memref<!tpu.dma_semaphore, #tpu.memory_space<semaphore_mem>>)
      %dma_wait3A_68 = arith.constant 0 : i32
      %dma_wait3A_69 = tpu.memref_slice %arg4[%arg0, %run_scoped3A_61, %mul3A_21, %dma_wait3A_68] : memref<2x2x10240x16xf32, #tpu.memory_space<hbm>> -> memref<1x1x640x16xf32, #tpu.memory_space<hbm>>
      %dma_wait3A_70 = tpu.memref_squeeze %dma_wait3A_69 : memref<1x1x640x16xf32, #tpu.memory_space<hbm>> -> memref<640x16xf32, #tpu.memory_space<hbm>>
      %dma_wait3A_71 = arith.constant 0 : i32
      %dma_wait3A_72 = tpu.memref_slice %arg9[%run_scoped3A_60, %mul3A_21, %dma_wait3A_71] : memref<2x10240x16xf32, #tpu.memory_space<vmem_shared>> -> memref<1x640x16xf32, #tpu.memory_space<vmem_shared>>
      %dma_wait3A_73 = tpu.memref_squeeze %dma_wait3A_72 : memref<1x640x16xf32, #tpu.memory_space<vmem_shared>> -> memref<640x16xf32, #tpu.memory_space<vmem_shared>>
      tpu.wait_dma2 semaphore(%run_scoped3A_62 : memref<!tpu.dma_semaphore, #tpu.memory_space<semaphore_mem>>) src(%dma_wait3A_73 : memref<640x16xf32, #tpu.memory_space<vmem_shared>>) dst(%dma_wait3A_70 : memref<640x16xf32, #tpu.memory_space<hbm>>)
      tpu.yield
    }) : () -> ()
    return
  }
}

#map = affine_map<(d0, d1) -> (0, 0, 0)>
#map1 = affine_map<(d0, d1) -> (0, 0)>
module attributes {stable_mosaic.version = 14 : i64} {
  func.func @k(%arg0: i32, %arg1: i32, %arg2: memref<2x10240x64xf32, #tpu.memory_space<hbm>>, %arg3: memref<2560x128xi32, #tpu.memory_space<hbm>>, %arg4: memref<2560x128xi32, #tpu.memory_space<hbm>>, %arg5: memref<2x10240x64xf32, #tpu.memory_space<hbm>>, %arg6: memref<160x128xi32, #tpu.memory_space<vmem>>, %arg7: memref<160x128xi32, #tpu.memory_space<vmem>>, %arg8: memref<128x64xf32, #tpu.memory_space<vmem>>, %arg9: memref<128x64xf32, #tpu.memory_space<vmem>>, %arg10: memref<128x64xf32, #tpu.memory_space<vmem>>, %arg11: memref<128x64xf32, #tpu.memory_space<vmem>>, %arg12: memref<128x64xf32, #tpu.memory_space<vmem>>, %arg13: memref<10240x64xf32, #tpu.memory_space<vmem_shared>>, %arg14: memref<!tpu.dma_semaphore, #tpu.memory_space<semaphore_mem>>, %arg15: memref<!tpu.dma_semaphore, #tpu.memory_space<semaphore_mem>>, %arg16: memref<!tpu.dma_semaphore, #tpu.memory_space<semaphore_mem>>, %arg17: memref<!tpu.dma_semaphore, #tpu.memory_space<semaphore_mem>>, %arg18: memref<!tpu.dma_semaphore, #tpu.memory_space<semaphore_mem>>, %arg19: memref<!tpu.dma_semaphore, #tpu.memory_space<semaphore_mem>>, %arg20: memref<!tpu.dma_semaphore, #tpu.memory_space<semaphore_mem>>, %arg21: memref<!tpu.dma_semaphore, #tpu.memory_space<semaphore_mem>>, %arg22: memref<!tpu.dma_semaphore, #tpu.memory_space<semaphore_mem>>, %arg23: memref<!tpu.dma_semaphore, #tpu.memory_space<semaphore_mem>>) attributes {dimension_semantics = [#tpu.dimension_semantics<core_parallel>, #tpu.dimension_semantics<subcore_parallel>], iteration_bounds = array<i64: 2, 16>, scalar_prefetch = 0 : i64, scratch_operands = 18 : i64, tpu.core_type = #tpu.core_type<sc_vector_subcore>, window_params = [{transform_indices = #map}, {transform_indices = #map1}, {transform_indices = #map1}, {transform_indices = #map}]} {
    %broadcast_in_dim3A = arith.constant 0.000000e+00 : f32
    %broadcast_in_dim3A_0 = vector.broadcast %broadcast_in_dim3A : f32 to vector<16xf32>
    %scan3A = arith.constant 0 : i32
    %scan3A_1 = arith.constant 0 : i32
    %scan3A_2 = arith.constant 128 : i32
    %scan3A_3 = arith.addi %scan3A_1, %scan3A_2 : i32
    %scan3A_4 = arith.constant 1 : i32
    %scan3A_5 = scf.for %scan3A_117 = %scan3A_1 to %scan3A_3 step %scan3A_4 iter_args(%scan3A_118 = %scan3A) -> (i32)  : i32 {
      %swap3A = arith.index_cast %scan3A_117 : i32 to index
      %swap3A_119 = arith.constant 0 : index
      %swap3A_120 = tpu.vector_load %arg8[%swap3A, %swap3A_119] {strides = array<i32>} : memref<128x64xf32, #tpu.memory_space<vmem>>, vector<1x16xf32>,
      %swap3A_121 = vector.shape_cast %swap3A_120 : vector<1x16xf32> to vector<16xf32>
      %swap3A_122 = vector.shape_cast %broadcast_in_dim3A_0 : vector<16xf32> to vector<1x16xf32>
      tpu.vector_store %arg8[%swap3A, %swap3A_119], %swap3A_122 {strides = array<i32>} : memref<128x64xf32, #tpu.memory_space<vmem>>, vector<1x16xf32>,
      %swap3A_123 = arith.index_cast %scan3A_117 : i32 to index
      %swap3A_124 = arith.constant 16 : index
      %swap3A_125 = tpu.vector_load %arg8[%swap3A_123, %swap3A_124] {strides = array<i32>} : memref<128x64xf32, #tpu.memory_space<vmem>>, vector<1x16xf32>,
      %swap3A_126 = vector.shape_cast %swap3A_125 : vector<1x16xf32> to vector<16xf32>
      %swap3A_127 = vector.shape_cast %broadcast_in_dim3A_0 : vector<16xf32> to vector<1x16xf32>
      tpu.vector_store %arg8[%swap3A_123, %swap3A_124], %swap3A_127 {strides = array<i32>} : memref<128x64xf32, #tpu.memory_space<vmem>>, vector<1x16xf32>,
      %swap3A_128 = arith.index_cast %scan3A_117 : i32 to index
      %swap3A_129 = arith.constant 32 : index
      %swap3A_130 = tpu.vector_load %arg8[%swap3A_128, %swap3A_129] {strides = array<i32>} : memref<128x64xf32, #tpu.memory_space<vmem>>, vector<1x16xf32>,
      %swap3A_131 = vector.shape_cast %swap3A_130 : vector<1x16xf32> to vector<16xf32>
      %swap3A_132 = vector.shape_cast %broadcast_in_dim3A_0 : vector<16xf32> to vector<1x16xf32>
      tpu.vector_store %arg8[%swap3A_128, %swap3A_129], %swap3A_132 {strides = array<i32>} : memref<128x64xf32, #tpu.memory_space<vmem>>, vector<1x16xf32>,
      %swap3A_133 = arith.index_cast %scan3A_117 : i32 to index
      %swap3A_134 = arith.constant 48 : index
      %swap3A_135 = tpu.vector_load %arg8[%swap3A_133, %swap3A_134] {strides = array<i32>} : memref<128x64xf32, #tpu.memory_space<vmem>>, vector<1x16xf32>,
      %swap3A_136 = vector.shape_cast %swap3A_135 : vector<1x16xf32> to vector<16xf32>
      %swap3A_137 = vector.shape_cast %broadcast_in_dim3A_0 : vector<16xf32> to vector<1x16xf32>
      tpu.vector_store %arg8[%swap3A_133, %swap3A_134], %swap3A_137 {strides = array<i32>} : memref<128x64xf32, #tpu.memory_space<vmem>>, vector<1x16xf32>,
      %scan3A_138 = arith.constant 0 : i32
      scf.yield %scan3A_138 : i32
    }
    %scan3A_6 = arith.constant 128 : i32
    %mul3A = arith.constant 640 : i32
    %mul3A_7 = arith.muli %arg1, %mul3A : i32
    %add3A = arith.constant 0 : i32
    %add3A_8 = arith.addi %mul3A_7, %add3A : i32
    "tpu.region"() ({
      %run_scoped3A = tpu.sem_alloc : memref<!tpu.dma_semaphore, #tpu.memory_space<semaphore_mem>>
      %dma_start3A_117 = arith.constant 0 : i32
      %dma_start3A_118 = arith.constant 0 : i32
      %dma_start3A_119 = tpu.memref_slice %arg8[%dma_start3A_117, %dma_start3A_118] : memref<128x64xf32, #tpu.memory_space<vmem>> -> memref<128x64xf32, #tpu.memory_space<vmem>>
      %dma_start3A_120 = arith.constant 0 : i32
      %dma_start3A_121 = tpu.memref_slice %arg13[%add3A_8, %dma_start3A_120] : memref<10240x64xf32, #tpu.memory_space<vmem_shared>> -> memref<128x64xf32, #tpu.memory_space<vmem_shared>>
      %dma_start3A_122 = arith.constant 0 : i32
      %dma_start3A_123 = tpu.memref_slice %arg13[%add3A_8, %dma_start3A_122] : memref<10240x64xf32, #tpu.memory_space<vmem_shared>> -> memref<128x64xf32, #tpu.memory_space<vmem_shared>>
      %dma_start3A_124 = arith.constant 0 : i32
      %dma_start3A_125 = arith.constant 0 : i32
      %dma_start3A_126 = tpu.memref_slice %arg8[%dma_start3A_124, %dma_start3A_125] : memref<128x64xf32, #tpu.memory_space<vmem>> -> memref<128x64xf32, #tpu.memory_space<vmem>>
      tpu.enqueue_dma source(%dma_start3A_126 : memref<128x64xf32, #tpu.memory_space<vmem>>) target(%dma_start3A_123 : memref<128x64xf32, #tpu.memory_space<vmem_shared>>) target_semaphore(%run_scoped3A : memref<!tpu.dma_semaphore, #tpu.memory_space<semaphore_mem>>)
      %dma_wait3A_127 = arith.constant 0 : i32
      %dma_wait3A_128 = arith.constant 0 : i32
      %dma_wait3A_129 = tpu.memref_slice %arg8[%dma_wait3A_127, %dma_wait3A_128] : memref<128x64xf32, #tpu.memory_space<vmem>> -> memref<128x64xf32, #tpu.memory_space<vmem>>
      %dma_wait3A_130 = arith.constant 0 : i32
      %dma_wait3A_131 = tpu.memref_slice %arg13[%add3A_8, %dma_wait3A_130] : memref<10240x64xf32, #tpu.memory_space<vmem_shared>> -> memref<128x64xf32, #tpu.memory_space<vmem_shared>>
      %dma_wait3A_132 = arith.constant 0 : i32
      %dma_wait3A_133 = tpu.memref_slice %arg13[%add3A_8, %dma_wait3A_132] : memref<10240x64xf32, #tpu.memory_space<vmem_shared>> -> memref<128x64xf32, #tpu.memory_space<vmem_shared>>
      %dma_wait3A_134 = arith.constant 0 : i32
      %dma_wait3A_135 = arith.constant 0 : i32
      %dma_wait3A_136 = tpu.memref_slice %arg8[%dma_wait3A_134, %dma_wait3A_135] : memref<128x64xf32, #tpu.memory_space<vmem>> -> memref<128x64xf32, #tpu.memory_space<vmem>>
      tpu.wait_dma2 semaphore(%run_scoped3A : memref<!tpu.dma_semaphore, #tpu.memory_space<semaphore_mem>>) src(%dma_wait3A_136 : memref<128x64xf32, #tpu.memory_space<vmem>>) dst(%dma_wait3A_133 : memref<128x64xf32, #tpu.memory_space<vmem_shared>>)
      tpu.yield
    }) : () -> ()
    %add3A_9 = arith.constant 128 : i32
    %add3A_10 = arith.addi %mul3A_7, %add3A_9 : i32
    "tpu.region"() ({
      %run_scoped3A = tpu.sem_alloc : memref<!tpu.dma_semaphore, #tpu.memory_space<semaphore_mem>>
      %dma_start3A_117 = arith.constant 0 : i32
      %dma_start3A_118 = arith.constant 0 : i32
      %dma_start3A_119 = tpu.memref_slice %arg8[%dma_start3A_117, %dma_start3A_118] : memref<128x64xf32, #tpu.memory_space<vmem>> -> memref<128x64xf32, #tpu.memory_space<vmem>>
      %dma_start3A_120 = arith.constant 0 : i32
      %dma_start3A_121 = tpu.memref_slice %arg13[%add3A_10, %dma_start3A_120] : memref<10240x64xf32, #tpu.memory_space<vmem_shared>> -> memref<128x64xf32, #tpu.memory_space<vmem_shared>>
      %dma_start3A_122 = arith.constant 0 : i32
      %dma_start3A_123 = tpu.memref_slice %arg13[%add3A_10, %dma_start3A_122] : memref<10240x64xf32, #tpu.memory_space<vmem_shared>> -> memref<128x64xf32, #tpu.memory_space<vmem_shared>>
      %dma_start3A_124 = arith.constant 0 : i32
      %dma_start3A_125 = arith.constant 0 : i32
      %dma_start3A_126 = tpu.memref_slice %arg8[%dma_start3A_124, %dma_start3A_125] : memref<128x64xf32, #tpu.memory_space<vmem>> -> memref<128x64xf32, #tpu.memory_space<vmem>>
      tpu.enqueue_dma source(%dma_start3A_126 : memref<128x64xf32, #tpu.memory_space<vmem>>) target(%dma_start3A_123 : memref<128x64xf32, #tpu.memory_space<vmem_shared>>) target_semaphore(%run_scoped3A : memref<!tpu.dma_semaphore, #tpu.memory_space<semaphore_mem>>)
      %dma_wait3A_127 = arith.constant 0 : i32
      %dma_wait3A_128 = arith.constant 0 : i32
      %dma_wait3A_129 = tpu.memref_slice %arg8[%dma_wait3A_127, %dma_wait3A_128] : memref<128x64xf32, #tpu.memory_space<vmem>> -> memref<128x64xf32, #tpu.memory_space<vmem>>
      %dma_wait3A_130 = arith.constant 0 : i32
      %dma_wait3A_131 = tpu.memref_slice %arg13[%add3A_10, %dma_wait3A_130] : memref<10240x64xf32, #tpu.memory_space<vmem_shared>> -> memref<128x64xf32, #tpu.memory_space<vmem_shared>>
      %dma_wait3A_132 = arith.constant 0 : i32
      %dma_wait3A_133 = tpu.memref_slice %arg13[%add3A_10, %dma_wait3A_132] : memref<10240x64xf32, #tpu.memory_space<vmem_shared>> -> memref<128x64xf32, #tpu.memory_space<vmem_shared>>
      %dma_wait3A_134 = arith.constant 0 : i32
      %dma_wait3A_135 = arith.constant 0 : i32
      %dma_wait3A_136 = tpu.memref_slice %arg8[%dma_wait3A_134, %dma_wait3A_135] : memref<128x64xf32, #tpu.memory_space<vmem>> -> memref<128x64xf32, #tpu.memory_space<vmem>>
      tpu.wait_dma2 semaphore(%run_scoped3A : memref<!tpu.dma_semaphore, #tpu.memory_space<semaphore_mem>>) src(%dma_wait3A_136 : memref<128x64xf32, #tpu.memory_space<vmem>>) dst(%dma_wait3A_133 : memref<128x64xf32, #tpu.memory_space<vmem_shared>>)
      tpu.yield
    }) : () -> ()
    %add3A_11 = arith.constant 256 : i32
    %add3A_12 = arith.addi %mul3A_7, %add3A_11 : i32
    "tpu.region"() ({
      %run_scoped3A = tpu.sem_alloc : memref<!tpu.dma_semaphore, #tpu.memory_space<semaphore_mem>>
      %dma_start3A_117 = arith.constant 0 : i32
      %dma_start3A_118 = arith.constant 0 : i32
      %dma_start3A_119 = tpu.memref_slice %arg8[%dma_start3A_117, %dma_start3A_118] : memref<128x64xf32, #tpu.memory_space<vmem>> -> memref<128x64xf32, #tpu.memory_space<vmem>>
      %dma_start3A_120 = arith.constant 0 : i32
      %dma_start3A_121 = tpu.memref_slice %arg13[%add3A_12, %dma_start3A_120] : memref<10240x64xf32, #tpu.memory_space<vmem_shared>> -> memref<128x64xf32, #tpu.memory_space<vmem_shared>>
      %dma_start3A_122 = arith.constant 0 : i32
      %dma_start3A_123 = tpu.memref_slice %arg13[%add3A_12, %dma_start3A_122] : memref<10240x64xf32, #tpu.memory_space<vmem_shared>> -> memref<128x64xf32, #tpu.memory_space<vmem_shared>>
      %dma_start3A_124 = arith.constant 0 : i32
      %dma_start3A_125 = arith.constant 0 : i32
      %dma_start3A_126 = tpu.memref_slice %arg8[%dma_start3A_124, %dma_start3A_125] : memref<128x64xf32, #tpu.memory_space<vmem>> -> memref<128x64xf32, #tpu.memory_space<vmem>>
      tpu.enqueue_dma source(%dma_start3A_126 : memref<128x64xf32, #tpu.memory_space<vmem>>) target(%dma_start3A_123 : memref<128x64xf32, #tpu.memory_space<vmem_shared>>) target_semaphore(%run_scoped3A : memref<!tpu.dma_semaphore, #tpu.memory_space<semaphore_mem>>)
      %dma_wait3A_127 = arith.constant 0 : i32
      %dma_wait3A_128 = arith.constant 0 : i32
      %dma_wait3A_129 = tpu.memref_slice %arg8[%dma_wait3A_127, %dma_wait3A_128] : memref<128x64xf32, #tpu.memory_space<vmem>> -> memref<128x64xf32, #tpu.memory_space<vmem>>
      %dma_wait3A_130 = arith.constant 0 : i32
      %dma_wait3A_131 = tpu.memref_slice %arg13[%add3A_12, %dma_wait3A_130] : memref<10240x64xf32, #tpu.memory_space<vmem_shared>> -> memref<128x64xf32, #tpu.memory_space<vmem_shared>>
      %dma_wait3A_132 = arith.constant 0 : i32
      %dma_wait3A_133 = tpu.memref_slice %arg13[%add3A_12, %dma_wait3A_132] : memref<10240x64xf32, #tpu.memory_space<vmem_shared>> -> memref<128x64xf32, #tpu.memory_space<vmem_shared>>
      %dma_wait3A_134 = arith.constant 0 : i32
      %dma_wait3A_135 = arith.constant 0 : i32
      %dma_wait3A_136 = tpu.memref_slice %arg8[%dma_wait3A_134, %dma_wait3A_135] : memref<128x64xf32, #tpu.memory_space<vmem>> -> memref<128x64xf32, #tpu.memory_space<vmem>>
      tpu.wait_dma2 semaphore(%run_scoped3A : memref<!tpu.dma_semaphore, #tpu.memory_space<semaphore_mem>>) src(%dma_wait3A_136 : memref<128x64xf32, #tpu.memory_space<vmem>>) dst(%dma_wait3A_133 : memref<128x64xf32, #tpu.memory_space<vmem_shared>>)
      tpu.yield
    }) : () -> ()
    %add3A_13 = arith.constant 384 : i32
    %add3A_14 = arith.addi %mul3A_7, %add3A_13 : i32
    "tpu.region"() ({
      %run_scoped3A = tpu.sem_alloc : memref<!tpu.dma_semaphore, #tpu.memory_space<semaphore_mem>>
      %dma_start3A_117 = arith.constant 0 : i32
      %dma_start3A_118 = arith.constant 0 : i32
      %dma_start3A_119 = tpu.memref_slice %arg8[%dma_start3A_117, %dma_start3A_118] : memref<128x64xf32, #tpu.memory_space<vmem>> -> memref<128x64xf32, #tpu.memory_space<vmem>>
      %dma_start3A_120 = arith.constant 0 : i32
      %dma_start3A_121 = tpu.memref_slice %arg13[%add3A_14, %dma_start3A_120] : memref<10240x64xf32, #tpu.memory_space<vmem_shared>> -> memref<128x64xf32, #tpu.memory_space<vmem_shared>>
      %dma_start3A_122 = arith.constant 0 : i32
      %dma_start3A_123 = tpu.memref_slice %arg13[%add3A_14, %dma_start3A_122] : memref<10240x64xf32, #tpu.memory_space<vmem_shared>> -> memref<128x64xf32, #tpu.memory_space<vmem_shared>>
      %dma_start3A_124 = arith.constant 0 : i32
      %dma_start3A_125 = arith.constant 0 : i32
      %dma_start3A_126 = tpu.memref_slice %arg8[%dma_start3A_124, %dma_start3A_125] : memref<128x64xf32, #tpu.memory_space<vmem>> -> memref<128x64xf32, #tpu.memory_space<vmem>>
      tpu.enqueue_dma source(%dma_start3A_126 : memref<128x64xf32, #tpu.memory_space<vmem>>) target(%dma_start3A_123 : memref<128x64xf32, #tpu.memory_space<vmem_shared>>) target_semaphore(%run_scoped3A : memref<!tpu.dma_semaphore, #tpu.memory_space<semaphore_mem>>)
      %dma_wait3A_127 = arith.constant 0 : i32
      %dma_wait3A_128 = arith.constant 0 : i32
      %dma_wait3A_129 = tpu.memref_slice %arg8[%dma_wait3A_127, %dma_wait3A_128] : memref<128x64xf32, #tpu.memory_space<vmem>> -> memref<128x64xf32, #tpu.memory_space<vmem>>
      %dma_wait3A_130 = arith.constant 0 : i32
      %dma_wait3A_131 = tpu.memref_slice %arg13[%add3A_14, %dma_wait3A_130] : memref<10240x64xf32, #tpu.memory_space<vmem_shared>> -> memref<128x64xf32, #tpu.memory_space<vmem_shared>>
      %dma_wait3A_132 = arith.constant 0 : i32
      %dma_wait3A_133 = tpu.memref_slice %arg13[%add3A_14, %dma_wait3A_132] : memref<10240x64xf32, #tpu.memory_space<vmem_shared>> -> memref<128x64xf32, #tpu.memory_space<vmem_shared>>
      %dma_wait3A_134 = arith.constant 0 : i32
      %dma_wait3A_135 = arith.constant 0 : i32
      %dma_wait3A_136 = tpu.memref_slice %arg8[%dma_wait3A_134, %dma_wait3A_135] : memref<128x64xf32, #tpu.memory_space<vmem>> -> memref<128x64xf32, #tpu.memory_space<vmem>>
      tpu.wait_dma2 semaphore(%run_scoped3A : memref<!tpu.dma_semaphore, #tpu.memory_space<semaphore_mem>>) src(%dma_wait3A_136 : memref<128x64xf32, #tpu.memory_space<vmem>>) dst(%dma_wait3A_133 : memref<128x64xf32, #tpu.memory_space<vmem_shared>>)
      tpu.yield
    }) : () -> ()
    %add3A_15 = arith.constant 512 : i32
    %add3A_16 = arith.addi %mul3A_7, %add3A_15 : i32
    "tpu.region"() ({
      %run_scoped3A = tpu.sem_alloc : memref<!tpu.dma_semaphore, #tpu.memory_space<semaphore_mem>>
      %dma_start3A_117 = arith.constant 0 : i32
      %dma_start3A_118 = arith.constant 0 : i32
      %dma_start3A_119 = tpu.memref_slice %arg8[%dma_start3A_117, %dma_start3A_118] : memref<128x64xf32, #tpu.memory_space<vmem>> -> memref<128x64xf32, #tpu.memory_space<vmem>>
      %dma_start3A_120 = arith.constant 0 : i32
      %dma_start3A_121 = tpu.memref_slice %arg13[%add3A_16, %dma_start3A_120] : memref<10240x64xf32, #tpu.memory_space<vmem_shared>> -> memref<128x64xf32, #tpu.memory_space<vmem_shared>>
      %dma_start3A_122 = arith.constant 0 : i32
      %dma_start3A_123 = tpu.memref_slice %arg13[%add3A_16, %dma_start3A_122] : memref<10240x64xf32, #tpu.memory_space<vmem_shared>> -> memref<128x64xf32, #tpu.memory_space<vmem_shared>>
      %dma_start3A_124 = arith.constant 0 : i32
      %dma_start3A_125 = arith.constant 0 : i32
      %dma_start3A_126 = tpu.memref_slice %arg8[%dma_start3A_124, %dma_start3A_125] : memref<128x64xf32, #tpu.memory_space<vmem>> -> memref<128x64xf32, #tpu.memory_space<vmem>>
      tpu.enqueue_dma source(%dma_start3A_126 : memref<128x64xf32, #tpu.memory_space<vmem>>) target(%dma_start3A_123 : memref<128x64xf32, #tpu.memory_space<vmem_shared>>) target_semaphore(%run_scoped3A : memref<!tpu.dma_semaphore, #tpu.memory_space<semaphore_mem>>)
      %dma_wait3A_127 = arith.constant 0 : i32
      %dma_wait3A_128 = arith.constant 0 : i32
      %dma_wait3A_129 = tpu.memref_slice %arg8[%dma_wait3A_127, %dma_wait3A_128] : memref<128x64xf32, #tpu.memory_space<vmem>> -> memref<128x64xf32, #tpu.memory_space<vmem>>
      %dma_wait3A_130 = arith.constant 0 : i32
      %dma_wait3A_131 = tpu.memref_slice %arg13[%add3A_16, %dma_wait3A_130] : memref<10240x64xf32, #tpu.memory_space<vmem_shared>> -> memref<128x64xf32, #tpu.memory_space<vmem_shared>>
      %dma_wait3A_132 = arith.constant 0 : i32
      %dma_wait3A_133 = tpu.memref_slice %arg13[%add3A_16, %dma_wait3A_132] : memref<10240x64xf32, #tpu.memory_space<vmem_shared>> -> memref<128x64xf32, #tpu.memory_space<vmem_shared>>
      %dma_wait3A_134 = arith.constant 0 : i32
      %dma_wait3A_135 = arith.constant 0 : i32
      %dma_wait3A_136 = tpu.memref_slice %arg8[%dma_wait3A_134, %dma_wait3A_135] : memref<128x64xf32, #tpu.memory_space<vmem>> -> memref<128x64xf32, #tpu.memory_space<vmem>>
      tpu.wait_dma2 semaphore(%run_scoped3A : memref<!tpu.dma_semaphore, #tpu.memory_space<semaphore_mem>>) src(%dma_wait3A_136 : memref<128x64xf32, #tpu.memory_space<vmem>>) dst(%dma_wait3A_133 : memref<128x64xf32, #tpu.memory_space<vmem_shared>>)
      tpu.yield
    }) : () -> ()
    %mul3A_17 = arith.constant 160 : i32
    %mul3A_18 = arith.muli %arg1, %mul3A_17 : i32
    "tpu.region"() ({
      %run_scoped3A = tpu.sem_alloc : memref<!tpu.dma_semaphore, #tpu.memory_space<semaphore_mem>>
      %dma_start3A_117 = arith.constant 0 : i32
      %dma_start3A_118 = tpu.memref_slice %arg3[%mul3A_18, %dma_start3A_117] : memref<2560x128xi32, #tpu.memory_space<hbm>> -> memref<160x128xi32, #tpu.memory_space<hbm>>
      %dma_start3A_119 = arith.constant 0 : i32
      %dma_start3A_120 = tpu.memref_slice %arg3[%mul3A_18, %dma_start3A_119] : memref<2560x128xi32, #tpu.memory_space<hbm>> -> memref<160x128xi32, #tpu.memory_space<hbm>>
      tpu.enqueue_dma source(%dma_start3A_120 : memref<160x128xi32, #tpu.memory_space<hbm>>) target(%arg6 : memref<160x128xi32, #tpu.memory_space<vmem>>) target_semaphore(%run_scoped3A : memref<!tpu.dma_semaphore, #tpu.memory_space<semaphore_mem>>)
      %dma_wait3A_121 = arith.constant 0 : i32
      %dma_wait3A_122 = tpu.memref_slice %arg3[%mul3A_18, %dma_wait3A_121] : memref<2560x128xi32, #tpu.memory_space<hbm>> -> memref<160x128xi32, #tpu.memory_space<hbm>>
      %dma_wait3A_123 = arith.constant 0 : i32
      %dma_wait3A_124 = tpu.memref_slice %arg3[%mul3A_18, %dma_wait3A_123] : memref<2560x128xi32, #tpu.memory_space<hbm>> -> memref<160x128xi32, #tpu.memory_space<hbm>>
      tpu.wait_dma2 semaphore(%run_scoped3A : memref<!tpu.dma_semaphore, #tpu.memory_space<semaphore_mem>>) src(%dma_wait3A_124 : memref<160x128xi32, #tpu.memory_space<hbm>>) dst(%arg6 : memref<160x128xi32, #tpu.memory_space<vmem>>)
      tpu.yield
    }) : () -> ()
    %mul3A_19 = arith.constant 160 : i32
    %mul3A_20 = arith.muli %arg1, %mul3A_19 : i32
    "tpu.region"() ({
      %run_scoped3A = tpu.sem_alloc : memref<!tpu.dma_semaphore, #tpu.memory_space<semaphore_mem>>
      %dma_start3A_117 = arith.constant 0 : i32
      %dma_start3A_118 = tpu.memref_slice %arg4[%mul3A_20, %dma_start3A_117] : memref<2560x128xi32, #tpu.memory_space<hbm>> -> memref<160x128xi32, #tpu.memory_space<hbm>>
      %dma_start3A_119 = arith.constant 0 : i32
      %dma_start3A_120 = tpu.memref_slice %arg4[%mul3A_20, %dma_start3A_119] : memref<2560x128xi32, #tpu.memory_space<hbm>> -> memref<160x128xi32, #tpu.memory_space<hbm>>
      tpu.enqueue_dma source(%dma_start3A_120 : memref<160x128xi32, #tpu.memory_space<hbm>>) target(%arg7 : memref<160x128xi32, #tpu.memory_space<vmem>>) target_semaphore(%run_scoped3A : memref<!tpu.dma_semaphore, #tpu.memory_space<semaphore_mem>>)
      %dma_wait3A_121 = arith.constant 0 : i32
      %dma_wait3A_122 = tpu.memref_slice %arg4[%mul3A_20, %dma_wait3A_121] : memref<2560x128xi32, #tpu.memory_space<hbm>> -> memref<160x128xi32, #tpu.memory_space<hbm>>
      %dma_wait3A_123 = arith.constant 0 : i32
      %dma_wait3A_124 = tpu.memref_slice %arg4[%mul3A_20, %dma_wait3A_123] : memref<2560x128xi32, #tpu.memory_space<hbm>> -> memref<160x128xi32, #tpu.memory_space<hbm>>
      tpu.wait_dma2 semaphore(%run_scoped3A : memref<!tpu.dma_semaphore, #tpu.memory_space<semaphore_mem>>) src(%dma_wait3A_124 : memref<160x128xi32, #tpu.memory_space<hbm>>) dst(%arg7 : memref<160x128xi32, #tpu.memory_space<vmem>>)
      tpu.yield
    }) : () -> ()
    %barrier3A = arith.constant 0 : index
    tpu.barrier barrier_id(%barrier3A)
    %dma_start3A = arith.constant 0 : i32
    %dma_start3A_21 = arith.constant 0 : i32
    %dma_start3A_22 = tpu.memref_slice %arg6[%dma_start3A, %dma_start3A_21] : memref<160x128xi32, #tpu.memory_space<vmem>> -> memref<1x128xi32, #tpu.memory_space<vmem>>
    %dma_start3A_23 = tpu.memref_squeeze %dma_start3A_22 : memref<1x128xi32, #tpu.memory_space<vmem>> -> memref<128xi32, #tpu.memory_space<vmem>>
    %dma_start3A_24 = arith.constant 0 : i32
    %dma_start3A_25 = arith.constant 0 : i32
    %dma_start3A_26 = tpu.memref_slice %arg2[%arg0, %dma_start3A_24, %dma_start3A_25] : memref<2x10240x64xf32, #tpu.memory_space<hbm>> -> memref<1x10240x64xf32, #tpu.memory_space<hbm>>
    %dma_start3A_27 = tpu.memref_squeeze %dma_start3A_26 : memref<1x10240x64xf32, #tpu.memory_space<hbm>> -> memref<10240x64xf32, #tpu.memory_space<hbm>>
    %dma_start3A_28 = arith.constant 0 : i32
    %dma_start3A_29 = arith.constant 0 : i32
    %dma_start3A_30 = tpu.memref_slice %dma_start3A_27[%dma_start3A_28, %dma_start3A_29] : memref<10240x64xf32, #tpu.memory_space<hbm>> -> memref<10240x64xf32, #tpu.memory_space<hbm>>
    tpu.enqueue_indirect_dma source(%dma_start3A_30 : memref<10240x64xf32, #tpu.memory_space<hbm>>) target(%arg8 : memref<128x64xf32, #tpu.memory_space<vmem>>) offsets(%dma_start3A_23 : memref<128xi32, #tpu.memory_space<vmem>>) semaphore(%arg14 : memref<!tpu.dma_semaphore, #tpu.memory_space<semaphore_mem>>)
    %dma_start3A_31 = arith.constant 1 : i32
    %dma_start3A_32 = arith.constant 0 : i32
    %dma_start3A_33 = tpu.memref_slice %arg6[%dma_start3A_31, %dma_start3A_32] : memref<160x128xi32, #tpu.memory_space<vmem>> -> memref<1x128xi32, #tpu.memory_space<vmem>>
    %dma_start3A_34 = tpu.memref_squeeze %dma_start3A_33 : memref<1x128xi32, #tpu.memory_space<vmem>> -> memref<128xi32, #tpu.memory_space<vmem>>
    %dma_start3A_35 = arith.constant 0 : i32
    %dma_start3A_36 = arith.constant 0 : i32
    %dma_start3A_37 = tpu.memref_slice %arg2[%arg0, %dma_start3A_35, %dma_start3A_36] : memref<2x10240x64xf32, #tpu.memory_space<hbm>> -> memref<1x10240x64xf32, #tpu.memory_space<hbm>>
    %dma_start3A_38 = tpu.memref_squeeze %dma_start3A_37 : memref<1x10240x64xf32, #tpu.memory_space<hbm>> -> memref<10240x64xf32, #tpu.memory_space<hbm>>
    %dma_start3A_39 = arith.constant 0 : i32
    %dma_start3A_40 = arith.constant 0 : i32
    %dma_start3A_41 = tpu.memref_slice %dma_start3A_38[%dma_start3A_39, %dma_start3A_40] : memref<10240x64xf32, #tpu.memory_space<hbm>> -> memref<10240x64xf32, #tpu.memory_space<hbm>>
    tpu.enqueue_indirect_dma source(%dma_start3A_41 : memref<10240x64xf32, #tpu.memory_space<hbm>>) target(%arg9 : memref<128x64xf32, #tpu.memory_space<vmem>>) offsets(%dma_start3A_34 : memref<128xi32, #tpu.memory_space<vmem>>) semaphore(%arg15 : memref<!tpu.dma_semaphore, #tpu.memory_space<semaphore_mem>>)
    %dma_start3A_42 = arith.constant 2 : i32
    %dma_start3A_43 = arith.constant 0 : i32
    %dma_start3A_44 = tpu.memref_slice %arg6[%dma_start3A_42, %dma_start3A_43] : memref<160x128xi32, #tpu.memory_space<vmem>> -> memref<1x128xi32, #tpu.memory_space<vmem>>
    %dma_start3A_45 = tpu.memref_squeeze %dma_start3A_44 : memref<1x128xi32, #tpu.memory_space<vmem>> -> memref<128xi32, #tpu.memory_space<vmem>>
    %dma_start3A_46 = arith.constant 0 : i32
    %dma_start3A_47 = arith.constant 0 : i32
    %dma_start3A_48 = tpu.memref_slice %arg2[%arg0, %dma_start3A_46, %dma_start3A_47] : memref<2x10240x64xf32, #tpu.memory_space<hbm>> -> memref<1x10240x64xf32, #tpu.memory_space<hbm>>
    %dma_start3A_49 = tpu.memref_squeeze %dma_start3A_48 : memref<1x10240x64xf32, #tpu.memory_space<hbm>> -> memref<10240x64xf32, #tpu.memory_space<hbm>>
    %dma_start3A_50 = arith.constant 0 : i32
    %dma_start3A_51 = arith.constant 0 : i32
    %dma_start3A_52 = tpu.memref_slice %dma_start3A_49[%dma_start3A_50, %dma_start3A_51] : memref<10240x64xf32, #tpu.memory_space<hbm>> -> memref<10240x64xf32, #tpu.memory_space<hbm>>
    tpu.enqueue_indirect_dma source(%dma_start3A_52 : memref<10240x64xf32, #tpu.memory_space<hbm>>) target(%arg10 : memref<128x64xf32, #tpu.memory_space<vmem>>) offsets(%dma_start3A_45 : memref<128xi32, #tpu.memory_space<vmem>>) semaphore(%arg16 : memref<!tpu.dma_semaphore, #tpu.memory_space<semaphore_mem>>)
    %dma_start3A_53 = arith.constant 3 : i32
    %dma_start3A_54 = arith.constant 0 : i32
    %dma_start3A_55 = tpu.memref_slice %arg6[%dma_start3A_53, %dma_start3A_54] : memref<160x128xi32, #tpu.memory_space<vmem>> -> memref<1x128xi32, #tpu.memory_space<vmem>>
    %dma_start3A_56 = tpu.memref_squeeze %dma_start3A_55 : memref<1x128xi32, #tpu.memory_space<vmem>> -> memref<128xi32, #tpu.memory_space<vmem>>
    %dma_start3A_57 = arith.constant 0 : i32
    %dma_start3A_58 = arith.constant 0 : i32
    %dma_start3A_59 = tpu.memref_slice %arg2[%arg0, %dma_start3A_57, %dma_start3A_58] : memref<2x10240x64xf32, #tpu.memory_space<hbm>> -> memref<1x10240x64xf32, #tpu.memory_space<hbm>>
    %dma_start3A_60 = tpu.memref_squeeze %dma_start3A_59 : memref<1x10240x64xf32, #tpu.memory_space<hbm>> -> memref<10240x64xf32, #tpu.memory_space<hbm>>
    %dma_start3A_61 = arith.constant 0 : i32
    %dma_start3A_62 = arith.constant 0 : i32
    %dma_start3A_63 = tpu.memref_slice %dma_start3A_60[%dma_start3A_61, %dma_start3A_62] : memref<10240x64xf32, #tpu.memory_space<hbm>> -> memref<10240x64xf32, #tpu.memory_space<hbm>>
    tpu.enqueue_indirect_dma source(%dma_start3A_63 : memref<10240x64xf32, #tpu.memory_space<hbm>>) target(%arg11 : memref<128x64xf32, #tpu.memory_space<vmem>>) offsets(%dma_start3A_56 : memref<128xi32, #tpu.memory_space<vmem>>) semaphore(%arg17 : memref<!tpu.dma_semaphore, #tpu.memory_space<semaphore_mem>>)
    %dma_start3A_64 = arith.constant 4 : i32
    %dma_start3A_65 = arith.constant 0 : i32
    %dma_start3A_66 = tpu.memref_slice %arg6[%dma_start3A_64, %dma_start3A_65] : memref<160x128xi32, #tpu.memory_space<vmem>> -> memref<1x128xi32, #tpu.memory_space<vmem>>
    %dma_start3A_67 = tpu.memref_squeeze %dma_start3A_66 : memref<1x128xi32, #tpu.memory_space<vmem>> -> memref<128xi32, #tpu.memory_space<vmem>>
    %dma_start3A_68 = arith.constant 0 : i32
    %dma_start3A_69 = arith.constant 0 : i32
    %dma_start3A_70 = tpu.memref_slice %arg2[%arg0, %dma_start3A_68, %dma_start3A_69] : memref<2x10240x64xf32, #tpu.memory_space<hbm>> -> memref<1x10240x64xf32, #tpu.memory_space<hbm>>
    %dma_start3A_71 = tpu.memref_squeeze %dma_start3A_70 : memref<1x10240x64xf32, #tpu.memory_space<hbm>> -> memref<10240x64xf32, #tpu.memory_space<hbm>>
    %dma_start3A_72 = arith.constant 0 : i32
    %dma_start3A_73 = arith.constant 0 : i32
    %dma_start3A_74 = tpu.memref_slice %dma_start3A_71[%dma_start3A_72, %dma_start3A_73] : memref<10240x64xf32, #tpu.memory_space<hbm>> -> memref<10240x64xf32, #tpu.memory_space<hbm>>
    tpu.enqueue_indirect_dma source(%dma_start3A_74 : memref<10240x64xf32, #tpu.memory_space<hbm>>) target(%arg12 : memref<128x64xf32, #tpu.memory_space<vmem>>) offsets(%dma_start3A_67 : memref<128xi32, #tpu.memory_space<vmem>>) semaphore(%arg18 : memref<!tpu.dma_semaphore, #tpu.memory_space<semaphore_mem>>)
    %scan3A_75 = arith.constant 0 : i32
    %scan3A_76 = arith.constant 0 : i32
    %scan3A_77 = arith.constant 32 : i32
    %scan3A_78 = arith.addi %scan3A_76, %scan3A_77 : i32
    %scan3A_79 = arith.constant 1 : i32
    %scan3A_80 = scf.for %scan3A_117 = %scan3A_76 to %scan3A_78 step %scan3A_79 iter_args(%scan3A_118 = %scan3A_75) -> (i32)  : i32 {
      %mul3A_119 = arith.constant 5 : i32
      %mul3A_120 = arith.muli %scan3A_117, %mul3A_119 : i32
      %add3A_121 = arith.constant 0 : i32
      %add3A_122 = arith.addi %mul3A_120, %add3A_121 : i32
      %dma_wait3A_123 = arith.constant 0 : i32
      %dma_wait3A_124 = tpu.memref_slice %arg6[%add3A_122, %dma_wait3A_123] : memref<160x128xi32, #tpu.memory_space<vmem>> -> memref<1x128xi32, #tpu.memory_space<vmem>>
      %dma_wait3A_125 = tpu.memref_squeeze %dma_wait3A_124 : memref<1x128xi32, #tpu.memory_space<vmem>> -> memref<128xi32, #tpu.memory_space<vmem>>
      %dma_wait3A_126 = arith.constant 0 : i32
      %dma_wait3A_127 = arith.constant 0 : i32
      %dma_wait3A_128 = tpu.memref_slice %arg2[%arg0, %dma_wait3A_126, %dma_wait3A_127] : memref<2x10240x64xf32, #tpu.memory_space<hbm>> -> memref<1x10240x64xf32, #tpu.memory_space<hbm>>
      %dma_wait3A_129 = tpu.memref_squeeze %dma_wait3A_128 : memref<1x10240x64xf32, #tpu.memory_space<hbm>> -> memref<10240x64xf32, #tpu.memory_space<hbm>>
      %dma_wait3A_130 = arith.constant 0 : i32
      %dma_wait3A_131 = arith.constant 0 : i32
      %dma_wait3A_132 = tpu.memref_slice %dma_wait3A_129[%dma_wait3A_130, %dma_wait3A_131] : memref<10240x64xf32, #tpu.memory_space<hbm>> -> memref<10240x64xf32, #tpu.memory_space<hbm>>
      tpu.wait_indirect_dma semaphore(%arg14 : memref<!tpu.dma_semaphore, #tpu.memory_space<semaphore_mem>>) src(%dma_wait3A_132 : memref<10240x64xf32, #tpu.memory_space<hbm>>) dst(%arg8 : memref<128x64xf32, #tpu.memory_space<vmem>>)
      %dma_start3A_133 = arith.constant 0 : i32
      %dma_start3A_134 = tpu.memref_slice %arg7[%add3A_122, %dma_start3A_133] : memref<160x128xi32, #tpu.memory_space<vmem>> -> memref<1x128xi32, #tpu.memory_space<vmem>>
      %dma_start3A_135 = tpu.memref_squeeze %dma_start3A_134 : memref<1x128xi32, #tpu.memory_space<vmem>> -> memref<128xi32, #tpu.memory_space<vmem>>
      %dma_start3A_136 = arith.constant 0 : i32
      %dma_start3A_137 = arith.constant 0 : i32
      %dma_start3A_138 = tpu.memref_slice %arg13[%dma_start3A_136, %dma_start3A_137] : memref<10240x64xf32, #tpu.memory_space<vmem_shared>> -> memref<10240x64xf32, #tpu.memory_space<vmem_shared>>
      tpu.enqueue_indirect_dma source(%arg8 : memref<128x64xf32, #tpu.memory_space<vmem>>) target(%dma_start3A_138 : memref<10240x64xf32, #tpu.memory_space<vmem_shared>>) offsets(%dma_start3A_135 : memref<128xi32, #tpu.memory_space<vmem>>) semaphore(%arg19 : memref<!tpu.dma_semaphore, #tpu.memory_space<semaphore_mem>>) {add = true}
      %sub3A = arith.constant 1 : i32
      %sub3A_139 = arith.subi %add3A_122, %sub3A : i32
      %ge3A = arith.constant 0 : i32
      %ge3A_140 = arith.cmpi sge, %sub3A_139, %ge3A : i32
      %add3A_141 = arith.constant 5 : i32
      %add3A_142 = arith.addi %sub3A_139, %add3A_141 : i32
      %lt3A = arith.constant 160 : i32
      %lt3A_143 = arith.cmpi slt, %add3A_142, %lt3A : i32
      %and3A = arith.andi %ge3A_140, %lt3A_143 : i1
      %convert_element_type3A = arith.extui %and3A : i1 to i32
      %cond3A = arith.constant 0 : i32
      %cond3A_144 = arith.cmpi ne, %convert_element_type3A, %cond3A : i32
      scf.if %cond3A_144 {
        %dma_wait3A_274 = arith.constant 0 : i32
        %dma_wait3A_275 = tpu.memref_slice %arg7[%sub3A_139, %dma_wait3A_274] : memref<160x128xi32, #tpu.memory_space<vmem>> -> memref<1x128xi32, #tpu.memory_space<vmem>>
        %dma_wait3A_276 = tpu.memref_squeeze %dma_wait3A_275 : memref<1x128xi32, #tpu.memory_space<vmem>> -> memref<128xi32, #tpu.memory_space<vmem>>
        %dma_wait3A_277 = arith.constant 0 : i32
        %dma_wait3A_278 = arith.constant 0 : i32
        %dma_wait3A_279 = tpu.memref_slice %arg13[%dma_wait3A_277, %dma_wait3A_278] : memref<10240x64xf32, #tpu.memory_space<vmem_shared>> -> memref<10240x64xf32, #tpu.memory_space<vmem_shared>>
        tpu.wait_indirect_dma semaphore(%arg23 : memref<!tpu.dma_semaphore, #tpu.memory_space<semaphore_mem>>) src(%arg12 : memref<128x64xf32, #tpu.memory_space<vmem>>) dst(%dma_wait3A_279 : memref<10240x64xf32, #tpu.memory_space<vmem_shared>>)
        %add3A_280 = arith.constant 5 : i32
        %add3A_281 = arith.addi %sub3A_139, %add3A_280 : i32
        %dma_start3A_282 = arith.constant 0 : i32
        %dma_start3A_283 = tpu.memref_slice %arg6[%add3A_281, %dma_start3A_282] : memref<160x128xi32, #tpu.memory_space<vmem>> -> memref<1x128xi32, #tpu.memory_space<vmem>>
        %dma_start3A_284 = tpu.memref_squeeze %dma_start3A_283 : memref<1x128xi32, #tpu.memory_space<vmem>> -> memref<128xi32, #tpu.memory_space<vmem>>
        %dma_start3A_285 = arith.constant 0 : i32
        %dma_start3A_286 = arith.constant 0 : i32
        %dma_start3A_287 = tpu.memref_slice %arg2[%arg0, %dma_start3A_285, %dma_start3A_286] : memref<2x10240x64xf32, #tpu.memory_space<hbm>> -> memref<1x10240x64xf32, #tpu.memory_space<hbm>>
        %dma_start3A_288 = tpu.memref_squeeze %dma_start3A_287 : memref<1x10240x64xf32, #tpu.memory_space<hbm>> -> memref<10240x64xf32, #tpu.memory_space<hbm>>
        %dma_start3A_289 = arith.constant 0 : i32
        %dma_start3A_290 = arith.constant 0 : i32
        %dma_start3A_291 = tpu.memref_slice %dma_start3A_288[%dma_start3A_289, %dma_start3A_290] : memref<10240x64xf32, #tpu.memory_space<hbm>> -> memref<10240x64xf32, #tpu.memory_space<hbm>>
        tpu.enqueue_indirect_dma source(%dma_start3A_291 : memref<10240x64xf32, #tpu.memory_space<hbm>>) target(%arg12 : memref<128x64xf32, #tpu.memory_space<vmem>>) offsets(%dma_start3A_284 : memref<128xi32, #tpu.memory_space<vmem>>) semaphore(%arg18 : memref<!tpu.dma_semaphore, #tpu.memory_space<semaphore_mem>>)
      } else {
      }
      %mul3A_145 = arith.constant 5 : i32
      %mul3A_146 = arith.muli %scan3A_117, %mul3A_145 : i32
      %add3A_147 = arith.constant 1 : i32
      %add3A_148 = arith.addi %mul3A_146, %add3A_147 : i32
      %dma_wait3A_149 = arith.constant 0 : i32
      %dma_wait3A_150 = tpu.memref_slice %arg6[%add3A_148, %dma_wait3A_149] : memref<160x128xi32, #tpu.memory_space<vmem>> -> memref<1x128xi32, #tpu.memory_space<vmem>>
      %dma_wait3A_151 = tpu.memref_squeeze %dma_wait3A_150 : memref<1x128xi32, #tpu.memory_space<vmem>> -> memref<128xi32, #tpu.memory_space<vmem>>
      %dma_wait3A_152 = arith.constant 0 : i32
      %dma_wait3A_153 = arith.constant 0 : i32
      %dma_wait3A_154 = tpu.memref_slice %arg2[%arg0, %dma_wait3A_152, %dma_wait3A_153] : memref<2x10240x64xf32, #tpu.memory_space<hbm>> -> memref<1x10240x64xf32, #tpu.memory_space<hbm>>
      %dma_wait3A_155 = tpu.memref_squeeze %dma_wait3A_154 : memref<1x10240x64xf32, #tpu.memory_space<hbm>> -> memref<10240x64xf32, #tpu.memory_space<hbm>>
      %dma_wait3A_156 = arith.constant 0 : i32
      %dma_wait3A_157 = arith.constant 0 : i32
      %dma_wait3A_158 = tpu.memref_slice %dma_wait3A_155[%dma_wait3A_156, %dma_wait3A_157] : memref<10240x64xf32, #tpu.memory_space<hbm>> -> memref<10240x64xf32, #tpu.memory_space<hbm>>
      tpu.wait_indirect_dma semaphore(%arg15 : memref<!tpu.dma_semaphore, #tpu.memory_space<semaphore_mem>>) src(%dma_wait3A_158 : memref<10240x64xf32, #tpu.memory_space<hbm>>) dst(%arg9 : memref<128x64xf32, #tpu.memory_space<vmem>>)
      %dma_start3A_159 = arith.constant 0 : i32
      %dma_start3A_160 = tpu.memref_slice %arg7[%add3A_148, %dma_start3A_159] : memref<160x128xi32, #tpu.memory_space<vmem>> -> memref<1x128xi32, #tpu.memory_space<vmem>>
      %dma_start3A_161 = tpu.memref_squeeze %dma_start3A_160 : memref<1x128xi32, #tpu.memory_space<vmem>> -> memref<128xi32, #tpu.memory_space<vmem>>
      %dma_start3A_162 = arith.constant 0 : i32
      %dma_start3A_163 = arith.constant 0 : i32
      %dma_start3A_164 = tpu.memref_slice %arg13[%dma_start3A_162, %dma_start3A_163] : memref<10240x64xf32, #tpu.memory_space<vmem_shared>> -> memref<10240x64xf32, #tpu.memory_space<vmem_shared>>
      tpu.enqueue_indirect_dma source(%arg9 : memref<128x64xf32, #tpu.memory_space<vmem>>) target(%dma_start3A_164 : memref<10240x64xf32, #tpu.memory_space<vmem_shared>>) offsets(%dma_start3A_161 : memref<128xi32, #tpu.memory_space<vmem>>) semaphore(%arg20 : memref<!tpu.dma_semaphore, #tpu.memory_space<semaphore_mem>>) {add = true}
      %sub3A_165 = arith.constant 1 : i32
      %sub3A_166 = arith.subi %add3A_148, %sub3A_165 : i32
      %ge3A_167 = arith.constant 0 : i32
      %ge3A_168 = arith.cmpi sge, %sub3A_166, %ge3A_167 : i32
      %add3A_169 = arith.constant 5 : i32
      %add3A_170 = arith.addi %sub3A_166, %add3A_169 : i32
      %lt3A_171 = arith.constant 160 : i32
      %lt3A_172 = arith.cmpi slt, %add3A_170, %lt3A_171 : i32
      %and3A_173 = arith.andi %ge3A_168, %lt3A_172 : i1
      %convert_element_type3A_174 = arith.extui %and3A_173 : i1 to i32
      %cond3A_175 = arith.constant 0 : i32
      %cond3A_176 = arith.cmpi ne, %convert_element_type3A_174, %cond3A_175 : i32
      scf.if %cond3A_176 {
        %dma_wait3A_274 = arith.constant 0 : i32
        %dma_wait3A_275 = tpu.memref_slice %arg7[%sub3A_166, %dma_wait3A_274] : memref<160x128xi32, #tpu.memory_space<vmem>> -> memref<1x128xi32, #tpu.memory_space<vmem>>
        %dma_wait3A_276 = tpu.memref_squeeze %dma_wait3A_275 : memref<1x128xi32, #tpu.memory_space<vmem>> -> memref<128xi32, #tpu.memory_space<vmem>>
        %dma_wait3A_277 = arith.constant 0 : i32
        %dma_wait3A_278 = arith.constant 0 : i32
        %dma_wait3A_279 = tpu.memref_slice %arg13[%dma_wait3A_277, %dma_wait3A_278] : memref<10240x64xf32, #tpu.memory_space<vmem_shared>> -> memref<10240x64xf32, #tpu.memory_space<vmem_shared>>
        tpu.wait_indirect_dma semaphore(%arg19 : memref<!tpu.dma_semaphore, #tpu.memory_space<semaphore_mem>>) src(%arg8 : memref<128x64xf32, #tpu.memory_space<vmem>>) dst(%dma_wait3A_279 : memref<10240x64xf32, #tpu.memory_space<vmem_shared>>)
        %add3A_280 = arith.constant 5 : i32
        %add3A_281 = arith.addi %sub3A_166, %add3A_280 : i32
        %dma_start3A_282 = arith.constant 0 : i32
        %dma_start3A_283 = tpu.memref_slice %arg6[%add3A_281, %dma_start3A_282] : memref<160x128xi32, #tpu.memory_space<vmem>> -> memref<1x128xi32, #tpu.memory_space<vmem>>
        %dma_start3A_284 = tpu.memref_squeeze %dma_start3A_283 : memref<1x128xi32, #tpu.memory_space<vmem>> -> memref<128xi32, #tpu.memory_space<vmem>>
        %dma_start3A_285 = arith.constant 0 : i32
        %dma_start3A_286 = arith.constant 0 : i32
        %dma_start3A_287 = tpu.memref_slice %arg2[%arg0, %dma_start3A_285, %dma_start3A_286] : memref<2x10240x64xf32, #tpu.memory_space<hbm>> -> memref<1x10240x64xf32, #tpu.memory_space<hbm>>
        %dma_start3A_288 = tpu.memref_squeeze %dma_start3A_287 : memref<1x10240x64xf32, #tpu.memory_space<hbm>> -> memref<10240x64xf32, #tpu.memory_space<hbm>>
        %dma_start3A_289 = arith.constant 0 : i32
        %dma_start3A_290 = arith.constant 0 : i32
        %dma_start3A_291 = tpu.memref_slice %dma_start3A_288[%dma_start3A_289, %dma_start3A_290] : memref<10240x64xf32, #tpu.memory_space<hbm>> -> memref<10240x64xf32, #tpu.memory_space<hbm>>
        tpu.enqueue_indirect_dma source(%dma_start3A_291 : memref<10240x64xf32, #tpu.memory_space<hbm>>) target(%arg8 : memref<128x64xf32, #tpu.memory_space<vmem>>) offsets(%dma_start3A_284 : memref<128xi32, #tpu.memory_space<vmem>>) semaphore(%arg14 : memref<!tpu.dma_semaphore, #tpu.memory_space<semaphore_mem>>)
      } else {
      }
      %mul3A_177 = arith.constant 5 : i32
      %mul3A_178 = arith.muli %scan3A_117, %mul3A_177 : i32
      %add3A_179 = arith.constant 2 : i32
      %add3A_180 = arith.addi %mul3A_178, %add3A_179 : i32
      %dma_wait3A_181 = arith.constant 0 : i32
      %dma_wait3A_182 = tpu.memref_slice %arg6[%add3A_180, %dma_wait3A_181] : memref<160x128xi32, #tpu.memory_space<vmem>> -> memref<1x128xi32, #tpu.memory_space<vmem>>
      %dma_wait3A_183 = tpu.memref_squeeze %dma_wait3A_182 : memref<1x128xi32, #tpu.memory_space<vmem>> -> memref<128xi32, #tpu.memory_space<vmem>>
      %dma_wait3A_184 = arith.constant 0 : i32
      %dma_wait3A_185 = arith.constant 0 : i32
      %dma_wait3A_186 = tpu.memref_slice %arg2[%arg0, %dma_wait3A_184, %dma_wait3A_185] : memref<2x10240x64xf32, #tpu.memory_space<hbm>> -> memref<1x10240x64xf32, #tpu.memory_space<hbm>>
      %dma_wait3A_187 = tpu.memref_squeeze %dma_wait3A_186 : memref<1x10240x64xf32, #tpu.memory_space<hbm>> -> memref<10240x64xf32, #tpu.memory_space<hbm>>
      %dma_wait3A_188 = arith.constant 0 : i32
      %dma_wait3A_189 = arith.constant 0 : i32
      %dma_wait3A_190 = tpu.memref_slice %dma_wait3A_187[%dma_wait3A_188, %dma_wait3A_189] : memref<10240x64xf32, #tpu.memory_space<hbm>> -> memref<10240x64xf32, #tpu.memory_space<hbm>>
      tpu.wait_indirect_dma semaphore(%arg16 : memref<!tpu.dma_semaphore, #tpu.memory_space<semaphore_mem>>) src(%dma_wait3A_190 : memref<10240x64xf32, #tpu.memory_space<hbm>>) dst(%arg10 : memref<128x64xf32, #tpu.memory_space<vmem>>)
      %dma_start3A_191 = arith.constant 0 : i32
      %dma_start3A_192 = tpu.memref_slice %arg7[%add3A_180, %dma_start3A_191] : memref<160x128xi32, #tpu.memory_space<vmem>> -> memref<1x128xi32, #tpu.memory_space<vmem>>
      %dma_start3A_193 = tpu.memref_squeeze %dma_start3A_192 : memref<1x128xi32, #tpu.memory_space<vmem>> -> memref<128xi32, #tpu.memory_space<vmem>>
      %dma_start3A_194 = arith.constant 0 : i32
      %dma_start3A_195 = arith.constant 0 : i32
      %dma_start3A_196 = tpu.memref_slice %arg13[%dma_start3A_194, %dma_start3A_195] : memref<10240x64xf32, #tpu.memory_space<vmem_shared>> -> memref<10240x64xf32, #tpu.memory_space<vmem_shared>>
      tpu.enqueue_indirect_dma source(%arg10 : memref<128x64xf32, #tpu.memory_space<vmem>>) target(%dma_start3A_196 : memref<10240x64xf32, #tpu.memory_space<vmem_shared>>) offsets(%dma_start3A_193 : memref<128xi32, #tpu.memory_space<vmem>>) semaphore(%arg21 : memref<!tpu.dma_semaphore, #tpu.memory_space<semaphore_mem>>) {add = true}
      %sub3A_197 = arith.constant 1 : i32
      %sub3A_198 = arith.subi %add3A_180, %sub3A_197 : i32
      %ge3A_199 = arith.constant 0 : i32
      %ge3A_200 = arith.cmpi sge, %sub3A_198, %ge3A_199 : i32
      %add3A_201 = arith.constant 5 : i32
      %add3A_202 = arith.addi %sub3A_198, %add3A_201 : i32
      %lt3A_203 = arith.constant 160 : i32
      %lt3A_204 = arith.cmpi slt, %add3A_202, %lt3A_203 : i32
      %and3A_205 = arith.andi %ge3A_200, %lt3A_204 : i1
      %convert_element_type3A_206 = arith.extui %and3A_205 : i1 to i32
      %cond3A_207 = arith.constant 0 : i32
      %cond3A_208 = arith.cmpi ne, %convert_element_type3A_206, %cond3A_207 : i32
      scf.if %cond3A_208 {
        %dma_wait3A_274 = arith.constant 0 : i32
        %dma_wait3A_275 = tpu.memref_slice %arg7[%sub3A_198, %dma_wait3A_274] : memref<160x128xi32, #tpu.memory_space<vmem>> -> memref<1x128xi32, #tpu.memory_space<vmem>>
        %dma_wait3A_276 = tpu.memref_squeeze %dma_wait3A_275 : memref<1x128xi32, #tpu.memory_space<vmem>> -> memref<128xi32, #tpu.memory_space<vmem>>
        %dma_wait3A_277 = arith.constant 0 : i32
        %dma_wait3A_278 = arith.constant 0 : i32
        %dma_wait3A_279 = tpu.memref_slice %arg13[%dma_wait3A_277, %dma_wait3A_278] : memref<10240x64xf32, #tpu.memory_space<vmem_shared>> -> memref<10240x64xf32, #tpu.memory_space<vmem_shared>>
        tpu.wait_indirect_dma semaphore(%arg20 : memref<!tpu.dma_semaphore, #tpu.memory_space<semaphore_mem>>) src(%arg9 : memref<128x64xf32, #tpu.memory_space<vmem>>) dst(%dma_wait3A_279 : memref<10240x64xf32, #tpu.memory_space<vmem_shared>>)
        %add3A_280 = arith.constant 5 : i32
        %add3A_281 = arith.addi %sub3A_198, %add3A_280 : i32
        %dma_start3A_282 = arith.constant 0 : i32
        %dma_start3A_283 = tpu.memref_slice %arg6[%add3A_281, %dma_start3A_282] : memref<160x128xi32, #tpu.memory_space<vmem>> -> memref<1x128xi32, #tpu.memory_space<vmem>>
        %dma_start3A_284 = tpu.memref_squeeze %dma_start3A_283 : memref<1x128xi32, #tpu.memory_space<vmem>> -> memref<128xi32, #tpu.memory_space<vmem>>
        %dma_start3A_285 = arith.constant 0 : i32
        %dma_start3A_286 = arith.constant 0 : i32
        %dma_start3A_287 = tpu.memref_slice %arg2[%arg0, %dma_start3A_285, %dma_start3A_286] : memref<2x10240x64xf32, #tpu.memory_space<hbm>> -> memref<1x10240x64xf32, #tpu.memory_space<hbm>>
        %dma_start3A_288 = tpu.memref_squeeze %dma_start3A_287 : memref<1x10240x64xf32, #tpu.memory_space<hbm>> -> memref<10240x64xf32, #tpu.memory_space<hbm>>
        %dma_start3A_289 = arith.constant 0 : i32
        %dma_start3A_290 = arith.constant 0 : i32
        %dma_start3A_291 = tpu.memref_slice %dma_start3A_288[%dma_start3A_289, %dma_start3A_290] : memref<10240x64xf32, #tpu.memory_space<hbm>> -> memref<10240x64xf32, #tpu.memory_space<hbm>>
        tpu.enqueue_indirect_dma source(%dma_start3A_291 : memref<10240x64xf32, #tpu.memory_space<hbm>>) target(%arg9 : memref<128x64xf32, #tpu.memory_space<vmem>>) offsets(%dma_start3A_284 : memref<128xi32, #tpu.memory_space<vmem>>) semaphore(%arg15 : memref<!tpu.dma_semaphore, #tpu.memory_space<semaphore_mem>>)
      } else {
      }
      %mul3A_209 = arith.constant 5 : i32
      %mul3A_210 = arith.muli %scan3A_117, %mul3A_209 : i32
      %add3A_211 = arith.constant 3 : i32
      %add3A_212 = arith.addi %mul3A_210, %add3A_211 : i32
      %dma_wait3A_213 = arith.constant 0 : i32
      %dma_wait3A_214 = tpu.memref_slice %arg6[%add3A_212, %dma_wait3A_213] : memref<160x128xi32, #tpu.memory_space<vmem>> -> memref<1x128xi32, #tpu.memory_space<vmem>>
      %dma_wait3A_215 = tpu.memref_squeeze %dma_wait3A_214 : memref<1x128xi32, #tpu.memory_space<vmem>> -> memref<128xi32, #tpu.memory_space<vmem>>
      %dma_wait3A_216 = arith.constant 0 : i32
      %dma_wait3A_217 = arith.constant 0 : i32
      %dma_wait3A_218 = tpu.memref_slice %arg2[%arg0, %dma_wait3A_216, %dma_wait3A_217] : memref<2x10240x64xf32, #tpu.memory_space<hbm>> -> memref<1x10240x64xf32, #tpu.memory_space<hbm>>
      %dma_wait3A_219 = tpu.memref_squeeze %dma_wait3A_218 : memref<1x10240x64xf32, #tpu.memory_space<hbm>> -> memref<10240x64xf32, #tpu.memory_space<hbm>>
      %dma_wait3A_220 = arith.constant 0 : i32
      %dma_wait3A_221 = arith.constant 0 : i32
      %dma_wait3A_222 = tpu.memref_slice %dma_wait3A_219[%dma_wait3A_220, %dma_wait3A_221] : memref<10240x64xf32, #tpu.memory_space<hbm>> -> memref<10240x64xf32, #tpu.memory_space<hbm>>
      tpu.wait_indirect_dma semaphore(%arg17 : memref<!tpu.dma_semaphore, #tpu.memory_space<semaphore_mem>>) src(%dma_wait3A_222 : memref<10240x64xf32, #tpu.memory_space<hbm>>) dst(%arg11 : memref<128x64xf32, #tpu.memory_space<vmem>>)
      %dma_start3A_223 = arith.constant 0 : i32
      %dma_start3A_224 = tpu.memref_slice %arg7[%add3A_212, %dma_start3A_223] : memref<160x128xi32, #tpu.memory_space<vmem>> -> memref<1x128xi32, #tpu.memory_space<vmem>>
      %dma_start3A_225 = tpu.memref_squeeze %dma_start3A_224 : memref<1x128xi32, #tpu.memory_space<vmem>> -> memref<128xi32, #tpu.memory_space<vmem>>
      %dma_start3A_226 = arith.constant 0 : i32
      %dma_start3A_227 = arith.constant 0 : i32
      %dma_start3A_228 = tpu.memref_slice %arg13[%dma_start3A_226, %dma_start3A_227] : memref<10240x64xf32, #tpu.memory_space<vmem_shared>> -> memref<10240x64xf32, #tpu.memory_space<vmem_shared>>
      tpu.enqueue_indirect_dma source(%arg11 : memref<128x64xf32, #tpu.memory_space<vmem>>) target(%dma_start3A_228 : memref<10240x64xf32, #tpu.memory_space<vmem_shared>>) offsets(%dma_start3A_225 : memref<128xi32, #tpu.memory_space<vmem>>) semaphore(%arg22 : memref<!tpu.dma_semaphore, #tpu.memory_space<semaphore_mem>>) {add = true}
      %sub3A_229 = arith.constant 1 : i32
      %sub3A_230 = arith.subi %add3A_212, %sub3A_229 : i32
      %ge3A_231 = arith.constant 0 : i32
      %ge3A_232 = arith.cmpi sge, %sub3A_230, %ge3A_231 : i32
      %add3A_233 = arith.constant 5 : i32
      %add3A_234 = arith.addi %sub3A_230, %add3A_233 : i32
      %lt3A_235 = arith.constant 160 : i32
      %lt3A_236 = arith.cmpi slt, %add3A_234, %lt3A_235 : i32
      %and3A_237 = arith.andi %ge3A_232, %lt3A_236 : i1
      %convert_element_type3A_238 = arith.extui %and3A_237 : i1 to i32
      %cond3A_239 = arith.constant 0 : i32
      %cond3A_240 = arith.cmpi ne, %convert_element_type3A_238, %cond3A_239 : i32
      scf.if %cond3A_240 {
        %dma_wait3A_274 = arith.constant 0 : i32
        %dma_wait3A_275 = tpu.memref_slice %arg7[%sub3A_230, %dma_wait3A_274] : memref<160x128xi32, #tpu.memory_space<vmem>> -> memref<1x128xi32, #tpu.memory_space<vmem>>
        %dma_wait3A_276 = tpu.memref_squeeze %dma_wait3A_275 : memref<1x128xi32, #tpu.memory_space<vmem>> -> memref<128xi32, #tpu.memory_space<vmem>>
        %dma_wait3A_277 = arith.constant 0 : i32
        %dma_wait3A_278 = arith.constant 0 : i32
        %dma_wait3A_279 = tpu.memref_slice %arg13[%dma_wait3A_277, %dma_wait3A_278] : memref<10240x64xf32, #tpu.memory_space<vmem_shared>> -> memref<10240x64xf32, #tpu.memory_space<vmem_shared>>
        tpu.wait_indirect_dma semaphore(%arg21 : memref<!tpu.dma_semaphore, #tpu.memory_space<semaphore_mem>>) src(%arg10 : memref<128x64xf32, #tpu.memory_space<vmem>>) dst(%dma_wait3A_279 : memref<10240x64xf32, #tpu.memory_space<vmem_shared>>)
        %add3A_280 = arith.constant 5 : i32
        %add3A_281 = arith.addi %sub3A_230, %add3A_280 : i32
        %dma_start3A_282 = arith.constant 0 : i32
        %dma_start3A_283 = tpu.memref_slice %arg6[%add3A_281, %dma_start3A_282] : memref<160x128xi32, #tpu.memory_space<vmem>> -> memref<1x128xi32, #tpu.memory_space<vmem>>
        %dma_start3A_284 = tpu.memref_squeeze %dma_start3A_283 : memref<1x128xi32, #tpu.memory_space<vmem>> -> memref<128xi32, #tpu.memory_space<vmem>>
        %dma_start3A_285 = arith.constant 0 : i32
        %dma_start3A_286 = arith.constant 0 : i32
        %dma_start3A_287 = tpu.memref_slice %arg2[%arg0, %dma_start3A_285, %dma_start3A_286] : memref<2x10240x64xf32, #tpu.memory_space<hbm>> -> memref<1x10240x64xf32, #tpu.memory_space<hbm>>
        %dma_start3A_288 = tpu.memref_squeeze %dma_start3A_287 : memref<1x10240x64xf32, #tpu.memory_space<hbm>> -> memref<10240x64xf32, #tpu.memory_space<hbm>>
        %dma_start3A_289 = arith.constant 0 : i32
        %dma_start3A_290 = arith.constant 0 : i32
        %dma_start3A_291 = tpu.memref_slice %dma_start3A_288[%dma_start3A_289, %dma_start3A_290] : memref<10240x64xf32, #tpu.memory_space<hbm>> -> memref<10240x64xf32, #tpu.memory_space<hbm>>
        tpu.enqueue_indirect_dma source(%dma_start3A_291 : memref<10240x64xf32, #tpu.memory_space<hbm>>) target(%arg10 : memref<128x64xf32, #tpu.memory_space<vmem>>) offsets(%dma_start3A_284 : memref<128xi32, #tpu.memory_space<vmem>>) semaphore(%arg16 : memref<!tpu.dma_semaphore, #tpu.memory_space<semaphore_mem>>)
      } else {
      }
      %mul3A_241 = arith.constant 5 : i32
      %mul3A_242 = arith.muli %scan3A_117, %mul3A_241 : i32
      %add3A_243 = arith.constant 4 : i32
      %add3A_244 = arith.addi %mul3A_242, %add3A_243 : i32
      %dma_wait3A_245 = arith.constant 0 : i32
      %dma_wait3A_246 = tpu.memref_slice %arg6[%add3A_244, %dma_wait3A_245] : memref<160x128xi32, #tpu.memory_space<vmem>> -> memref<1x128xi32, #tpu.memory_space<vmem>>
      %dma_wait3A_247 = tpu.memref_squeeze %dma_wait3A_246 : memref<1x128xi32, #tpu.memory_space<vmem>> -> memref<128xi32, #tpu.memory_space<vmem>>
      %dma_wait3A_248 = arith.constant 0 : i32
      %dma_wait3A_249 = arith.constant 0 : i32
      %dma_wait3A_250 = tpu.memref_slice %arg2[%arg0, %dma_wait3A_248, %dma_wait3A_249] : memref<2x10240x64xf32, #tpu.memory_space<hbm>> -> memref<1x10240x64xf32, #tpu.memory_space<hbm>>
      %dma_wait3A_251 = tpu.memref_squeeze %dma_wait3A_250 : memref<1x10240x64xf32, #tpu.memory_space<hbm>> -> memref<10240x64xf32, #tpu.memory_space<hbm>>
      %dma_wait3A_252 = arith.constant 0 : i32
      %dma_wait3A_253 = arith.constant 0 : i32
      %dma_wait3A_254 = tpu.memref_slice %dma_wait3A_251[%dma_wait3A_252, %dma_wait3A_253] : memref<10240x64xf32, #tpu.memory_space<hbm>> -> memref<10240x64xf32, #tpu.memory_space<hbm>>
      tpu.wait_indirect_dma semaphore(%arg18 : memref<!tpu.dma_semaphore, #tpu.memory_space<semaphore_mem>>) src(%dma_wait3A_254 : memref<10240x64xf32, #tpu.memory_space<hbm>>) dst(%arg12 : memref<128x64xf32, #tpu.memory_space<vmem>>)
      %dma_start3A_255 = arith.constant 0 : i32
      %dma_start3A_256 = tpu.memref_slice %arg7[%add3A_244, %dma_start3A_255] : memref<160x128xi32, #tpu.memory_space<vmem>> -> memref<1x128xi32, #tpu.memory_space<vmem>>
      %dma_start3A_257 = tpu.memref_squeeze %dma_start3A_256 : memref<1x128xi32, #tpu.memory_space<vmem>> -> memref<128xi32, #tpu.memory_space<vmem>>
      %dma_start3A_258 = arith.constant 0 : i32
      %dma_start3A_259 = arith.constant 0 : i32
      %dma_start3A_260 = tpu.memref_slice %arg13[%dma_start3A_258, %dma_start3A_259] : memref<10240x64xf32, #tpu.memory_space<vmem_shared>> -> memref<10240x64xf32, #tpu.memory_space<vmem_shared>>
      tpu.enqueue_indirect_dma source(%arg12 : memref<128x64xf32, #tpu.memory_space<vmem>>) target(%dma_start3A_260 : memref<10240x64xf32, #tpu.memory_space<vmem_shared>>) offsets(%dma_start3A_257 : memref<128xi32, #tpu.memory_space<vmem>>) semaphore(%arg23 : memref<!tpu.dma_semaphore, #tpu.memory_space<semaphore_mem>>) {add = true}
      %sub3A_261 = arith.constant 1 : i32
      %sub3A_262 = arith.subi %add3A_244, %sub3A_261 : i32
      %ge3A_263 = arith.constant 0 : i32
      %ge3A_264 = arith.cmpi sge, %sub3A_262, %ge3A_263 : i32
      %add3A_265 = arith.constant 5 : i32
      %add3A_266 = arith.addi %sub3A_262, %add3A_265 : i32
      %lt3A_267 = arith.constant 160 : i32
      %lt3A_268 = arith.cmpi slt, %add3A_266, %lt3A_267 : i32
      %and3A_269 = arith.andi %ge3A_264, %lt3A_268 : i1
      %convert_element_type3A_270 = arith.extui %and3A_269 : i1 to i32
      %cond3A_271 = arith.constant 0 : i32
      %cond3A_272 = arith.cmpi ne, %convert_element_type3A_270, %cond3A_271 : i32
      scf.if %cond3A_272 {
        %dma_wait3A_274 = arith.constant 0 : i32
        %dma_wait3A_275 = tpu.memref_slice %arg7[%sub3A_262, %dma_wait3A_274] : memref<160x128xi32, #tpu.memory_space<vmem>> -> memref<1x128xi32, #tpu.memory_space<vmem>>
        %dma_wait3A_276 = tpu.memref_squeeze %dma_wait3A_275 : memref<1x128xi32, #tpu.memory_space<vmem>> -> memref<128xi32, #tpu.memory_space<vmem>>
        %dma_wait3A_277 = arith.constant 0 : i32
        %dma_wait3A_278 = arith.constant 0 : i32
        %dma_wait3A_279 = tpu.memref_slice %arg13[%dma_wait3A_277, %dma_wait3A_278] : memref<10240x64xf32, #tpu.memory_space<vmem_shared>> -> memref<10240x64xf32, #tpu.memory_space<vmem_shared>>
        tpu.wait_indirect_dma semaphore(%arg22 : memref<!tpu.dma_semaphore, #tpu.memory_space<semaphore_mem>>) src(%arg11 : memref<128x64xf32, #tpu.memory_space<vmem>>) dst(%dma_wait3A_279 : memref<10240x64xf32, #tpu.memory_space<vmem_shared>>)
        %add3A_280 = arith.constant 5 : i32
        %add3A_281 = arith.addi %sub3A_262, %add3A_280 : i32
        %dma_start3A_282 = arith.constant 0 : i32
        %dma_start3A_283 = tpu.memref_slice %arg6[%add3A_281, %dma_start3A_282] : memref<160x128xi32, #tpu.memory_space<vmem>> -> memref<1x128xi32, #tpu.memory_space<vmem>>
        %dma_start3A_284 = tpu.memref_squeeze %dma_start3A_283 : memref<1x128xi32, #tpu.memory_space<vmem>> -> memref<128xi32, #tpu.memory_space<vmem>>
        %dma_start3A_285 = arith.constant 0 : i32
        %dma_start3A_286 = arith.constant 0 : i32
        %dma_start3A_287 = tpu.memref_slice %arg2[%arg0, %dma_start3A_285, %dma_start3A_286] : memref<2x10240x64xf32, #tpu.memory_space<hbm>> -> memref<1x10240x64xf32, #tpu.memory_space<hbm>>
        %dma_start3A_288 = tpu.memref_squeeze %dma_start3A_287 : memref<1x10240x64xf32, #tpu.memory_space<hbm>> -> memref<10240x64xf32, #tpu.memory_space<hbm>>
        %dma_start3A_289 = arith.constant 0 : i32
        %dma_start3A_290 = arith.constant 0 : i32
        %dma_start3A_291 = tpu.memref_slice %dma_start3A_288[%dma_start3A_289, %dma_start3A_290] : memref<10240x64xf32, #tpu.memory_space<hbm>> -> memref<10240x64xf32, #tpu.memory_space<hbm>>
        tpu.enqueue_indirect_dma source(%dma_start3A_291 : memref<10240x64xf32, #tpu.memory_space<hbm>>) target(%arg11 : memref<128x64xf32, #tpu.memory_space<vmem>>) offsets(%dma_start3A_284 : memref<128xi32, #tpu.memory_space<vmem>>) semaphore(%arg17 : memref<!tpu.dma_semaphore, #tpu.memory_space<semaphore_mem>>)
      } else {
      }
      %scan3A_273 = arith.constant 0 : i32
      scf.yield %scan3A_273 : i32
    }
    %scan3A_81 = arith.constant 32 : i32
    %dma_wait3A = arith.constant 0 : i32
    %dma_wait3A_82 = arith.constant 0 : i32
    %dma_wait3A_83 = tpu.memref_slice %arg7[%dma_wait3A, %dma_wait3A_82] : memref<160x128xi32, #tpu.memory_space<vmem>> -> memref<1x128xi32, #tpu.memory_space<vmem>>
    %dma_wait3A_84 = tpu.memref_squeeze %dma_wait3A_83 : memref<1x128xi32, #tpu.memory_space<vmem>> -> memref<128xi32, #tpu.memory_space<vmem>>
    %dma_wait3A_85 = arith.constant 0 : i32
    %dma_wait3A_86 = arith.constant 0 : i32
    %dma_wait3A_87 = tpu.memref_slice %arg13[%dma_wait3A_85, %dma_wait3A_86] : memref<10240x64xf32, #tpu.memory_space<vmem_shared>> -> memref<10240x64xf32, #tpu.memory_space<vmem_shared>>
    tpu.wait_indirect_dma semaphore(%arg19 : memref<!tpu.dma_semaphore, #tpu.memory_space<semaphore_mem>>) src(%arg8 : memref<128x64xf32, #tpu.memory_space<vmem>>) dst(%dma_wait3A_87 : memref<10240x64xf32, #tpu.memory_space<vmem_shared>>)
    %dma_wait3A_88 = arith.constant 0 : i32
    %dma_wait3A_89 = arith.constant 0 : i32
    %dma_wait3A_90 = tpu.memref_slice %arg7[%dma_wait3A_88, %dma_wait3A_89] : memref<160x128xi32, #tpu.memory_space<vmem>> -> memref<1x128xi32, #tpu.memory_space<vmem>>
    %dma_wait3A_91 = tpu.memref_squeeze %dma_wait3A_90 : memref<1x128xi32, #tpu.memory_space<vmem>> -> memref<128xi32, #tpu.memory_space<vmem>>
    %dma_wait3A_92 = arith.constant 0 : i32
    %dma_wait3A_93 = arith.constant 0 : i32
    %dma_wait3A_94 = tpu.memref_slice %arg13[%dma_wait3A_92, %dma_wait3A_93] : memref<10240x64xf32, #tpu.memory_space<vmem_shared>> -> memref<10240x64xf32, #tpu.memory_space<vmem_shared>>
    tpu.wait_indirect_dma semaphore(%arg20 : memref<!tpu.dma_semaphore, #tpu.memory_space<semaphore_mem>>) src(%arg9 : memref<128x64xf32, #tpu.memory_space<vmem>>) dst(%dma_wait3A_94 : memref<10240x64xf32, #tpu.memory_space<vmem_shared>>)
    %dma_wait3A_95 = arith.constant 0 : i32
    %dma_wait3A_96 = arith.constant 0 : i32
    %dma_wait3A_97 = tpu.memref_slice %arg7[%dma_wait3A_95, %dma_wait3A_96] : memref<160x128xi32, #tpu.memory_space<vmem>> -> memref<1x128xi32, #tpu.memory_space<vmem>>
    %dma_wait3A_98 = tpu.memref_squeeze %dma_wait3A_97 : memref<1x128xi32, #tpu.memory_space<vmem>> -> memref<128xi32, #tpu.memory_space<vmem>>
    %dma_wait3A_99 = arith.constant 0 : i32
    %dma_wait3A_100 = arith.constant 0 : i32
    %dma_wait3A_101 = tpu.memref_slice %arg13[%dma_wait3A_99, %dma_wait3A_100] : memref<10240x64xf32, #tpu.memory_space<vmem_shared>> -> memref<10240x64xf32, #tpu.memory_space<vmem_shared>>
    tpu.wait_indirect_dma semaphore(%arg21 : memref<!tpu.dma_semaphore, #tpu.memory_space<semaphore_mem>>) src(%arg10 : memref<128x64xf32, #tpu.memory_space<vmem>>) dst(%dma_wait3A_101 : memref<10240x64xf32, #tpu.memory_space<vmem_shared>>)
    %dma_wait3A_102 = arith.constant 0 : i32
    %dma_wait3A_103 = arith.constant 0 : i32
    %dma_wait3A_104 = tpu.memref_slice %arg7[%dma_wait3A_102, %dma_wait3A_103] : memref<160x128xi32, #tpu.memory_space<vmem>> -> memref<1x128xi32, #tpu.memory_space<vmem>>
    %dma_wait3A_105 = tpu.memref_squeeze %dma_wait3A_104 : memref<1x128xi32, #tpu.memory_space<vmem>> -> memref<128xi32, #tpu.memory_space<vmem>>
    %dma_wait3A_106 = arith.constant 0 : i32
    %dma_wait3A_107 = arith.constant 0 : i32
    %dma_wait3A_108 = tpu.memref_slice %arg13[%dma_wait3A_106, %dma_wait3A_107] : memref<10240x64xf32, #tpu.memory_space<vmem_shared>> -> memref<10240x64xf32, #tpu.memory_space<vmem_shared>>
    tpu.wait_indirect_dma semaphore(%arg22 : memref<!tpu.dma_semaphore, #tpu.memory_space<semaphore_mem>>) src(%arg11 : memref<128x64xf32, #tpu.memory_space<vmem>>) dst(%dma_wait3A_108 : memref<10240x64xf32, #tpu.memory_space<vmem_shared>>)
    %dma_wait3A_109 = arith.constant 0 : i32
    %dma_wait3A_110 = arith.constant 0 : i32
    %dma_wait3A_111 = tpu.memref_slice %arg7[%dma_wait3A_109, %dma_wait3A_110] : memref<160x128xi32, #tpu.memory_space<vmem>> -> memref<1x128xi32, #tpu.memory_space<vmem>>
    %dma_wait3A_112 = tpu.memref_squeeze %dma_wait3A_111 : memref<1x128xi32, #tpu.memory_space<vmem>> -> memref<128xi32, #tpu.memory_space<vmem>>
    %dma_wait3A_113 = arith.constant 0 : i32
    %dma_wait3A_114 = arith.constant 0 : i32
    %dma_wait3A_115 = tpu.memref_slice %arg13[%dma_wait3A_113, %dma_wait3A_114] : memref<10240x64xf32, #tpu.memory_space<vmem_shared>> -> memref<10240x64xf32, #tpu.memory_space<vmem_shared>>
    tpu.wait_indirect_dma semaphore(%arg23 : memref<!tpu.dma_semaphore, #tpu.memory_space<semaphore_mem>>) src(%arg12 : memref<128x64xf32, #tpu.memory_space<vmem>>) dst(%dma_wait3A_115 : memref<10240x64xf32, #tpu.memory_space<vmem_shared>>)
    %barrier3A_116 = arith.constant 0 : index
    tpu.barrier barrier_id(%barrier3A_116)
    "tpu.region"() ({
      %run_scoped3A = tpu.sem_alloc : memref<!tpu.dma_semaphore, #tpu.memory_space<semaphore_mem>>
      %dma_start3A_117 = arith.constant 0 : i32
      %dma_start3A_118 = tpu.memref_slice %arg5[%arg0, %mul3A_7, %dma_start3A_117] : memref<2x10240x64xf32, #tpu.memory_space<hbm>> -> memref<1x640x64xf32, #tpu.memory_space<hbm>>
      %dma_start3A_119 = tpu.memref_squeeze %dma_start3A_118 : memref<1x640x64xf32, #tpu.memory_space<hbm>> -> memref<640x64xf32, #tpu.memory_space<hbm>>
      %dma_start3A_120 = arith.constant 0 : i32
      %dma_start3A_121 = tpu.memref_slice %arg13[%mul3A_7, %dma_start3A_120] : memref<10240x64xf32, #tpu.memory_space<vmem_shared>> -> memref<640x64xf32, #tpu.memory_space<vmem_shared>>
      tpu.enqueue_dma source(%dma_start3A_121 : memref<640x64xf32, #tpu.memory_space<vmem_shared>>) target(%dma_start3A_119 : memref<640x64xf32, #tpu.memory_space<hbm>>) target_semaphore(%run_scoped3A : memref<!tpu.dma_semaphore, #tpu.memory_space<semaphore_mem>>)
      %dma_wait3A_122 = arith.constant 0 : i32
      %dma_wait3A_123 = tpu.memref_slice %arg5[%arg0, %mul3A_7, %dma_wait3A_122] : memref<2x10240x64xf32, #tpu.memory_space<hbm>> -> memref<1x640x64xf32, #tpu.memory_space<hbm>>
      %dma_wait3A_124 = tpu.memref_squeeze %dma_wait3A_123 : memref<1x640x64xf32, #tpu.memory_space<hbm>> -> memref<640x64xf32, #tpu.memory_space<hbm>>
      %dma_wait3A_125 = arith.constant 0 : i32
      %dma_wait3A_126 = tpu.memref_slice %arg13[%mul3A_7, %dma_wait3A_125] : memref<10240x64xf32, #tpu.memory_space<vmem_shared>> -> memref<640x64xf32, #tpu.memory_space<vmem_shared>>
      tpu.wait_dma2 semaphore(%run_scoped3A : memref<!tpu.dma_semaphore, #tpu.memory_space<semaphore_mem>>) src(%dma_wait3A_126 : memref<640x64xf32, #tpu.memory_space<vmem_shared>>) dst(%dma_wait3A_124 : memref<640x64xf32, #tpu.memory_space<hbm>>)
      tpu.yield
    }) : () -> ()
    return
  }
}

module attributes {stable_mosaic.version = 14 : i64} {
  func.func @_tc_prep_kernel(%arg0: i32, %arg1: memref<2x2x1024x16xf32, #tpu.memory_space<vmem>>, %arg2: memref<1024x128xf32, #tpu.memory_space<vmem>>, %arg3: memref<128x128xf32, #tpu.memory_space<vmem>>, %arg4: memref<2x1024x64xf32, #tpu.memory_space<vmem>>) attributes {dimension_semantics = [#tpu.dimension_semantics<arbitrary>], iteration_bounds = array<i64: 10>, scalar_prefetch = 0 : i64, scratch_operands = 0 : i64, tpu.core_type = #tpu.core_type<tc>, window_params = [{transform_indices = @transform_0, window_bounds = array<i64: 2, 2, 1024, 16>}, {transform_indices = @transform_1, window_bounds = array<i64: 1024, 128>}, {pipeline_mode = #tpu.pipeline_mode<synchronous>, transform_indices = @transform_2, window_bounds = array<i64: 128, 128>}, {transform_indices = @transform_3, window_bounds = array<i64: 2, 1024, 64>}]} {
    %get3A = arith.constant 0 : index
    %get3A_0 = arith.constant 0 : index
    %get3A_1 = arith.constant 0 : index
    %get3A_2 = arith.constant 0 : index
    %get3A_3 = vector.load %arg1[%get3A, %get3A_0, %get3A_1, %get3A_2] : memref<2x2x1024x16xf32, #tpu.memory_space<vmem>>, vector<1x1x1024x1xf32>
    %get3A_4 = vector.shape_cast %get3A_3 : vector<1x1x1024x1xf32> to vector<1024x1xf32>
    %get3A_5 = arith.constant 1 : index
    %get3A_6 = arith.constant 0 : index
    %get3A_7 = arith.constant 0 : index
    %get3A_8 = arith.constant 0 : index
    %get3A_9 = vector.load %arg1[%get3A_5, %get3A_6, %get3A_7, %get3A_8] : memref<2x2x1024x16xf32, #tpu.memory_space<vmem>>, vector<1x1x1024x1xf32>
    %get3A_10 = vector.shape_cast %get3A_9 : vector<1x1x1024x1xf32> to vector<1024x1xf32>
    %add3A = arith.addf %get3A_4, %get3A_10 : vector<1024x1xf32>
    %gt3A = arith.constant 0.000000e+00 : f32
    %gt3A_11 = vector.broadcast %gt3A : f32 to vector<1024x1xf32>
    %gt3A_12 = arith.cmpf ogt, %add3A, %gt3A_11 : vector<1024x1xf32>
    %max3A = arith.constant 1.000000e+00 : f32
    %max3A_13 = vector.broadcast %max3A : f32 to vector<1024x1xf32>
    %max3A_14 = arith.maximumf %add3A, %max3A_13 : vector<1024x1xf32>
    %rsqrt3A = math.rsqrt %max3A_14 : vector<1024x1xf32>
    %jit3A = arith.constant 0.000000e+00 : f32
    %broadcast_in_dim3A = vector.broadcast %jit3A : f32 to vector<1024x1xf32>
    %select_n3A = arith.select %gt3A_12, %rsqrt3A, %broadcast_in_dim3A : vector<1024x1xi1>, vector<1024x1xf32>
    %get3A_15 = arith.constant 0 : index
    %get3A_16 = arith.constant 0 : index
    %get3A_17 = vector.load %arg2[%get3A_15, %get3A_16] : memref<1024x128xf32, #tpu.memory_space<vmem>>, vector<1024x128xf32>
    %mul3A = vector.broadcast %select_n3A : vector<1024x1xf32> to vector<1024x128xf32>
    %mul3A_18 = arith.mulf %get3A_17, %mul3A : vector<1024x128xf32>
    %get3A_19 = arith.constant 0 : index
    %get3A_20 = arith.constant 0 : index
    %get3A_21 = vector.load %arg3[%get3A_19, %get3A_20] : memref<128x128xf32, #tpu.memory_space<vmem>>, vector<128x128xf32>
    %dot_general3A = arith.constant dense<0.000000e+00> : vector<1024x128xf32>
    %dot_general3A_22 = tpu.matmul %mul3A_18, %get3A_21, %dot_general3A {dimension_numbers = #tpu.dot_dimension_numbers<[1], [0], [0], [1], [0, 0, 1, 1], [], []>, transpose_lhs_hint = false} : vector<1024x128xf32>, vector<128x128xf32>, vector<1024x128xf32> -> vector<1024x128xf32>
    %slice3A = vector.extract_strided_slice %dot_general3A_22 {offsets = [0, 0], sizes = [1024, 64], strides = [1, 1]} : vector<1024x128xf32> to vector<1024x64xf32>
    %swap3A = arith.constant 0 : index
    %swap3A_23 = arith.constant 0 : index
    %swap3A_24 = arith.constant 0 : index
    %swap3A_25 = vector.load %arg4[%swap3A, %swap3A_23, %swap3A_24] : memref<2x1024x64xf32, #tpu.memory_space<vmem>>, vector<1x1024x64xf32>
    %swap3A_26 = vector.shape_cast %swap3A_25 : vector<1x1024x64xf32> to vector<1024x64xf32>
    %swap3A_27 = vector.shape_cast %slice3A : vector<1024x64xf32> to vector<1x1024x64xf32>
    tpu.vector_store %arg4[%swap3A, %swap3A_23, %swap3A_24], %swap3A_27 {strides = array<i32>} : memref<2x1024x64xf32, #tpu.memory_space<vmem>>, vector<1x1024x64xf32>,
    %slice3A_28 = vector.extract_strided_slice %dot_general3A_22 {offsets = [0, 64], sizes = [1024, 64], strides = [1, 1]} : vector<1024x128xf32> to vector<1024x64xf32>
    %swap3A_29 = arith.constant 1 : index
    %swap3A_30 = arith.constant 0 : index
    %swap3A_31 = arith.constant 0 : index
    %swap3A_32 = vector.load %arg4[%swap3A_29, %swap3A_30, %swap3A_31] : memref<2x1024x64xf32, #tpu.memory_space<vmem>>, vector<1x1024x64xf32>
    %swap3A_33 = vector.shape_cast %swap3A_32 : vector<1x1024x64xf32> to vector<1024x64xf32>
    %swap3A_34 = vector.shape_cast %slice3A_28 : vector<1024x64xf32> to vector<1x1024x64xf32>
    tpu.vector_store %arg4[%swap3A_29, %swap3A_30, %swap3A_31], %swap3A_34 {strides = array<i32>} : memref<2x1024x64xf32, #tpu.memory_space<vmem>>, vector<1x1024x64xf32>,
    return
  }
  func.func @transform_0(%arg0: i32) -> (i32, i32, i32, i32) {
    %c0_i32 = arith.constant 0 : i32
    %c0_i32_0 = arith.constant 0 : i32
    %c0_i32_1 = arith.constant 0 : i32
    %c0_i32_2 = arith.constant 0 : i32
    return %c0_i32, %c0_i32_0, %arg0, %c0_i32_1 : i32, i32, i32, i32
  }
  func.func @transform_1(%arg0: i32) -> (i32, i32) {
    %c0_i32 = arith.constant 0 : i32
    %c0_i32_0 = arith.constant 0 : i32
    return %arg0, %c0_i32 : i32, i32
  }
  func.func @transform_2(%arg0: i32) -> (i32, i32) {
    %c0_i32 = arith.constant 0 : i32
    %c0_i32_0 = arith.constant 0 : i32
    %c0_i32_1 = arith.constant 0 : i32
    return %c0_i32, %c0_i32_0 : i32, i32
  }
  func.func @transform_3(%arg0: i32) -> (i32, i32, i32) {
    %c0_i32 = arith.constant 0 : i32
    %c0_i32_0 = arith.constant 0 : i32
    %c0_i32_1 = arith.constant 0 : i32
    return %c0_i32, %arg0, %c0_i32_0 : i32, i32, i32
  }
}

module attributes {stable_mosaic.version = 14 : i64} {
  func.func @_tc_mid_kernel(%arg0: i32, %arg1: memref<2x2x1024x16xf32, #tpu.memory_space<vmem>>, %arg2: memref<1x1024x64xf32, #tpu.memory_space<vmem>>, %arg3: memref<1x1024x64xf32, #tpu.memory_space<vmem>>, %arg4: memref<1x128xf32, #tpu.memory_space<vmem>>, %arg5: memref<128x32xf32, #tpu.memory_space<vmem>>, %arg6: memref<1024x32xf32, #tpu.memory_space<vmem>>) attributes {dimension_semantics = [#tpu.dimension_semantics<arbitrary>], iteration_bounds = array<i64: 10>, scalar_prefetch = 0 : i64, scratch_operands = 0 : i64, tpu.core_type = #tpu.core_type<tc>, window_params = [{transform_indices = @transform_0, window_bounds = array<i64: 2, 2, 1024, 16>}, {transform_indices = @transform_1, window_bounds = array<i64: 1, 1024, 64>}, {transform_indices = @transform_2, window_bounds = array<i64: 1, 1024, 64>}, {pipeline_mode = #tpu.pipeline_mode<synchronous>, transform_indices = @transform_3, window_bounds = array<i64: 1, 128>}, {pipeline_mode = #tpu.pipeline_mode<synchronous>, transform_indices = @transform_4, window_bounds = array<i64: 128, 32>}, {transform_indices = @transform_5, window_bounds = array<i64: 1024, 32>}]} {
    %get3A = arith.constant 0 : index
    %get3A_0 = arith.constant 1 : index
    %get3A_1 = arith.constant 0 : index
    %get3A_2 = arith.constant 0 : index
    %get3A_3 = vector.load %arg1[%get3A, %get3A_0, %get3A_1, %get3A_2] : memref<2x2x1024x16xf32, #tpu.memory_space<vmem>>, vector<1x1x1024x1xf32>
    %get3A_4 = vector.shape_cast %get3A_3 : vector<1x1x1024x1xf32> to vector<1024x1xf32>
    %get3A_5 = arith.constant 1 : index
    %get3A_6 = arith.constant 1 : index
    %get3A_7 = arith.constant 0 : index
    %get3A_8 = arith.constant 0 : index
    %get3A_9 = vector.load %arg1[%get3A_5, %get3A_6, %get3A_7, %get3A_8] : memref<2x2x1024x16xf32, #tpu.memory_space<vmem>>, vector<1x1x1024x1xf32>
    %get3A_10 = vector.shape_cast %get3A_9 : vector<1x1x1024x1xf32> to vector<1024x1xf32>
    %add3A = arith.addf %get3A_4, %get3A_10 : vector<1024x1xf32>
    %gt3A = arith.constant 0.000000e+00 : f32
    %gt3A_11 = vector.broadcast %gt3A : f32 to vector<1024x1xf32>
    %gt3A_12 = arith.cmpf ogt, %add3A, %gt3A_11 : vector<1024x1xf32>
    %max3A = arith.constant 1.000000e+00 : f32
    %max3A_13 = vector.broadcast %max3A : f32 to vector<1024x1xf32>
    %max3A_14 = arith.maximumf %add3A, %max3A_13 : vector<1024x1xf32>
    %rsqrt3A = math.rsqrt %max3A_14 : vector<1024x1xf32>
    %jit3A = arith.constant 0.000000e+00 : f32
    %broadcast_in_dim3A = vector.broadcast %jit3A : f32 to vector<1024x1xf32>
    %select_n3A = arith.select %gt3A_12, %rsqrt3A, %broadcast_in_dim3A : vector<1024x1xi1>, vector<1024x1xf32>
    %get3A_15 = arith.constant 0 : index
    %get3A_16 = arith.constant 0 : index
    %get3A_17 = arith.constant 0 : index
    %get3A_18 = arith.constant 0 : index
    %get3A_19 = vector.load %arg1[%get3A_15, %get3A_16, %get3A_17, %get3A_18] : memref<2x2x1024x16xf32, #tpu.memory_space<vmem>>, vector<1x1x1024x1xf32>
    %get3A_20 = vector.shape_cast %get3A_19 : vector<1x1x1024x1xf32> to vector<1024x1xf32>
    %get3A_21 = arith.constant 1 : index
    %get3A_22 = arith.constant 0 : index
    %get3A_23 = arith.constant 0 : index
    %get3A_24 = arith.constant 0 : index
    %get3A_25 = vector.load %arg1[%get3A_21, %get3A_22, %get3A_23, %get3A_24] : memref<2x2x1024x16xf32, #tpu.memory_space<vmem>>, vector<1x1x1024x1xf32>
    %get3A_26 = vector.shape_cast %get3A_25 : vector<1x1x1024x1xf32> to vector<1024x1xf32>
    %add3A_27 = arith.addf %get3A_20, %get3A_26 : vector<1024x1xf32>
    %gt3A_28 = arith.constant 0.000000e+00 : f32
    %gt3A_29 = vector.broadcast %gt3A_28 : f32 to vector<1024x1xf32>
    %gt3A_30 = arith.cmpf ogt, %add3A_27, %gt3A_29 : vector<1024x1xf32>
    %max3A_31 = arith.constant 1.000000e+00 : f32
    %max3A_32 = vector.broadcast %max3A_31 : f32 to vector<1024x1xf32>
    %max3A_33 = arith.maximumf %add3A_27, %max3A_32 : vector<1024x1xf32>
    %rsqrt3A_34 = math.rsqrt %max3A_33 : vector<1024x1xf32>
    %jit3A_35 = arith.constant 0.000000e+00 : f32
    %broadcast_in_dim3A_36 = vector.broadcast %jit3A_35 : f32 to vector<1024x1xf32>
    %select_n3A_37 = arith.select %gt3A_30, %rsqrt3A_34, %broadcast_in_dim3A_36 : vector<1024x1xi1>, vector<1024x1xf32>
    %get3A_38 = arith.constant 0 : index
    %get3A_39 = arith.constant 0 : index
    %get3A_40 = arith.constant 0 : index
    %get3A_41 = vector.load %arg2[%get3A_38, %get3A_39, %get3A_40] : memref<1x1024x64xf32, #tpu.memory_space<vmem>>, vector<1x1024x64xf32>
    %get3A_42 = vector.shape_cast %get3A_41 : vector<1x1024x64xf32> to vector<1024x64xf32>
    %get3A_43 = arith.constant 0 : index
    %get3A_44 = arith.constant 0 : index
    %get3A_45 = arith.constant 0 : index
    %get3A_46 = vector.load %arg3[%get3A_43, %get3A_44, %get3A_45] : memref<1x1024x64xf32, #tpu.memory_space<vmem>>, vector<1x1024x64xf32>
    %get3A_47 = vector.shape_cast %get3A_46 : vector<1x1024x64xf32> to vector<1024x64xf32>
    %concatenate3A = tpu.concatenate %get3A_42, %get3A_47 in 1 : vector<1024x64xf32>, vector<1024x64xf32> -> vector<1024x128xf32>
    %mul3A = vector.broadcast %select_n3A : vector<1024x1xf32> to vector<1024x128xf32>
    %mul3A_48 = arith.mulf %concatenate3A, %mul3A : vector<1024x128xf32>
    %get3A_49 = arith.constant 0 : index
    %get3A_50 = arith.constant 0 : index
    %get3A_51 = vector.load %arg4[%get3A_49, %get3A_50] : memref<1x128xf32, #tpu.memory_space<vmem>>, vector<1x128xf32>
    %add3A_52 = vector.broadcast %get3A_51 : vector<1x128xf32> to vector<1024x128xf32>
    %add3A_53 = arith.addf %mul3A_48, %add3A_52 : vector<1024x128xf32>
    %max3A_54 = arith.constant 0.000000e+00 : f32
    %max3A_55 = vector.broadcast %max3A_54 : f32 to vector<1024x128xf32>
    %max3A_56 = arith.maximumf %add3A_53, %max3A_55 : vector<1024x128xf32>
    %mul3A_57 = vector.broadcast %select_n3A_37 : vector<1024x1xf32> to vector<1024x128xf32>
    %mul3A_58 = arith.mulf %max3A_56, %mul3A_57 : vector<1024x128xf32>
    %get3A_59 = arith.constant 0 : index
    %get3A_60 = arith.constant 0 : index
    %get3A_61 = vector.load %arg5[%get3A_59, %get3A_60] : memref<128x32xf32, #tpu.memory_space<vmem>>, vector<128x32xf32>
    %dot_general3A = arith.constant dense<0.000000e+00> : vector<1024x32xf32>
    %dot_general3A_62 = tpu.matmul %mul3A_58, %get3A_61, %dot_general3A {dimension_numbers = #tpu.dot_dimension_numbers<[1], [0], [0], [1], [0, 0, 1, 1], [], []>, transpose_lhs_hint = false} : vector<1024x128xf32>, vector<128x32xf32>, vector<1024x32xf32> -> vector<1024x32xf32>
    %swap3A = arith.constant 0 : index
    %swap3A_63 = arith.constant 0 : index
    %swap3A_64 = vector.load %arg6[%swap3A, %swap3A_63] : memref<1024x32xf32, #tpu.memory_space<vmem>>, vector<1024x32xf32>
    tpu.vector_store %arg6[%swap3A, %swap3A_63], %dot_general3A_62 {strides = array<i32>} : memref<1024x32xf32, #tpu.memory_space<vmem>>, vector<1024x32xf32>,
    return
  }
  func.func @transform_0(%arg0: i32) -> (i32, i32, i32, i32) {
    %c0_i32 = arith.constant 0 : i32
    %c0_i32_0 = arith.constant 0 : i32
    %c0_i32_1 = arith.constant 0 : i32
    %c0_i32_2 = arith.constant 0 : i32
    return %c0_i32, %c0_i32_0, %arg0, %c0_i32_1 : i32, i32, i32, i32
  }
  func.func @transform_1(%arg0: i32) -> (i32, i32, i32) {
    %c0_i32 = arith.constant 0 : i32
    %c0_i32_0 = arith.constant 0 : i32
    %c0_i32_1 = arith.constant 0 : i32
    return %c0_i32, %arg0, %c0_i32_0 : i32, i32, i32
  }
  func.func @transform_2(%arg0: i32) -> (i32, i32, i32) {
    %c1_i32 = arith.constant 1 : i32
    %c0_i32 = arith.constant 0 : i32
    %c0_i32_0 = arith.constant 0 : i32
    return %c1_i32, %arg0, %c0_i32 : i32, i32, i32
  }
  func.func @transform_3(%arg0: i32) -> (i32, i32) {
    %c0_i32 = arith.constant 0 : i32
    %c0_i32_0 = arith.constant 0 : i32
    %c0_i32_1 = arith.constant 0 : i32
    return %c0_i32, %c0_i32_0 : i32, i32
  }
  func.func @transform_4(%arg0: i32) -> (i32, i32) {
    %c0_i32 = arith.constant 0 : i32
    %c0_i32_0 = arith.constant 0 : i32
    %c0_i32_1 = arith.constant 0 : i32
    return %c0_i32, %c0_i32_0 : i32, i32
  }
  func.func @transform_5(%arg0: i32) -> (i32, i32) {
    %c0_i32 = arith.constant 0 : i32
    %c0_i32_0 = arith.constant 0 : i32
    return %arg0, %c0_i32 : i32, i32
  }
}

module attributes {stable_mosaic.version = 14 : i64} {
  func.func @_tc_out_kernel(%arg0: i32, %arg1: memref<2x2x1024x16xf32, #tpu.memory_space<vmem>>, %arg2: memref<1x1024x32xf32, #tpu.memory_space<vmem>>, %arg3: memref<1x1024x32xf32, #tpu.memory_space<vmem>>, %arg4: memref<1x32xf32, #tpu.memory_space<vmem>>, %arg5: memref<1024x32xf32, #tpu.memory_space<vmem>>) attributes {dimension_semantics = [#tpu.dimension_semantics<arbitrary>], iteration_bounds = array<i64: 10>, scalar_prefetch = 0 : i64, scratch_operands = 0 : i64, tpu.core_type = #tpu.core_type<tc>, window_params = [{transform_indices = @transform_0, window_bounds = array<i64: 2, 2, 1024, 16>}, {transform_indices = @transform_1, window_bounds = array<i64: 1, 1024, 32>}, {transform_indices = @transform_2, window_bounds = array<i64: 1, 1024, 32>}, {pipeline_mode = #tpu.pipeline_mode<synchronous>, transform_indices = @transform_3, window_bounds = array<i64: 1, 32>}, {transform_indices = @transform_4, window_bounds = array<i64: 1024, 32>}]} {
    %get3A = arith.constant 0 : index
    %get3A_0 = arith.constant 1 : index
    %get3A_1 = arith.constant 0 : index
    %get3A_2 = arith.constant 0 : index
    %get3A_3 = vector.load %arg1[%get3A, %get3A_0, %get3A_1, %get3A_2] : memref<2x2x1024x16xf32, #tpu.memory_space<vmem>>, vector<1x1x1024x1xf32>
    %get3A_4 = vector.shape_cast %get3A_3 : vector<1x1x1024x1xf32> to vector<1024x1xf32>
    %get3A_5 = arith.constant 1 : index
    %get3A_6 = arith.constant 1 : index
    %get3A_7 = arith.constant 0 : index
    %get3A_8 = arith.constant 0 : index
    %get3A_9 = vector.load %arg1[%get3A_5, %get3A_6, %get3A_7, %get3A_8] : memref<2x2x1024x16xf32, #tpu.memory_space<vmem>>, vector<1x1x1024x1xf32>
    %get3A_10 = vector.shape_cast %get3A_9 : vector<1x1x1024x1xf32> to vector<1024x1xf32>
    %add3A = arith.addf %get3A_4, %get3A_10 : vector<1024x1xf32>
    %gt3A = arith.constant 0.000000e+00 : f32
    %gt3A_11 = vector.broadcast %gt3A : f32 to vector<1024x1xf32>
    %gt3A_12 = arith.cmpf ogt, %add3A, %gt3A_11 : vector<1024x1xf32>
    %max3A = arith.constant 1.000000e+00 : f32
    %max3A_13 = vector.broadcast %max3A : f32 to vector<1024x1xf32>
    %max3A_14 = arith.maximumf %add3A, %max3A_13 : vector<1024x1xf32>
    %rsqrt3A = math.rsqrt %max3A_14 : vector<1024x1xf32>
    %jit3A = arith.constant 0.000000e+00 : f32
    %broadcast_in_dim3A = vector.broadcast %jit3A : f32 to vector<1024x1xf32>
    %select_n3A = arith.select %gt3A_12, %rsqrt3A, %broadcast_in_dim3A : vector<1024x1xi1>, vector<1024x1xf32>
    %get3A_15 = arith.constant 0 : index
    %get3A_16 = arith.constant 0 : index
    %get3A_17 = arith.constant 0 : index
    %get3A_18 = vector.load %arg2[%get3A_15, %get3A_16, %get3A_17] : memref<1x1024x32xf32, #tpu.memory_space<vmem>>, vector<1x1024x32xf32>
    %get3A_19 = vector.shape_cast %get3A_18 : vector<1x1024x32xf32> to vector<1024x32xf32>
    %get3A_20 = arith.constant 0 : index
    %get3A_21 = arith.constant 0 : index
    %get3A_22 = arith.constant 0 : index
    %get3A_23 = vector.load %arg3[%get3A_20, %get3A_21, %get3A_22] : memref<1x1024x32xf32, #tpu.memory_space<vmem>>, vector<1x1024x32xf32>
    %get3A_24 = vector.shape_cast %get3A_23 : vector<1x1024x32xf32> to vector<1024x32xf32>
    %add3A_25 = arith.addf %get3A_19, %get3A_24 : vector<1024x32xf32>
    %mul3A = vector.broadcast %select_n3A : vector<1024x1xf32> to vector<1024x32xf32>
    %mul3A_26 = arith.mulf %add3A_25, %mul3A : vector<1024x32xf32>
    %get3A_27 = arith.constant 0 : index
    %get3A_28 = arith.constant 0 : index
    %get3A_29 = vector.load %arg4[%get3A_27, %get3A_28] : memref<1x32xf32, #tpu.memory_space<vmem>>, vector<1x32xf32>
    %add3A_30 = vector.broadcast %get3A_29 : vector<1x32xf32> to vector<1024x32xf32>
    %add3A_31 = arith.addf %mul3A_26, %add3A_30 : vector<1024x32xf32>
    %reduce_max3A = arith.constant dense<0xFF800000> : vector<1024xf32>
    %reduce_max3A_32 = vector.multi_reduction <maximumf>, %add3A_31, %reduce_max3A [1] : vector<1024x32xf32> to vector<1024xf32>
    %broadcast_in_dim3A_33 = vector.shape_cast %reduce_max3A_32 : vector<1024xf32> to vector<1024x1xf32>
    %sub3A = vector.broadcast %broadcast_in_dim3A_33 : vector<1024x1xf32> to vector<1024x32xf32>
    %sub3A_34 = arith.subf %add3A_31, %sub3A : vector<1024x32xf32>
    %exp3A = math.exp %sub3A_34 : vector<1024x32xf32>
    %reduce_sum3A = arith.constant dense<0.000000e+00> : vector<1024xf32>
    %reduce_sum3A_35 = vector.multi_reduction <add>, %exp3A, %reduce_sum3A [1] : vector<1024x32xf32> to vector<1024xf32>
    %broadcast_in_dim3A_36 = vector.shape_cast %reduce_sum3A_35 : vector<1024xf32> to vector<1024x1xf32>
    %div3A = vector.broadcast %broadcast_in_dim3A_36 : vector<1024x1xf32> to vector<1024x32xf32>
    %div3A_37 = arith.divf %exp3A, %div3A : vector<1024x32xf32>
    %swap3A = arith.constant 0 : index
    %swap3A_38 = arith.constant 0 : index
    %swap3A_39 = vector.load %arg5[%swap3A, %swap3A_38] : memref<1024x32xf32, #tpu.memory_space<vmem>>, vector<1024x32xf32>
    tpu.vector_store %arg5[%swap3A, %swap3A_38], %div3A_37 {strides = array<i32>} : memref<1024x32xf32, #tpu.memory_space<vmem>>, vector<1024x32xf32>,
    return
  }
  func.func @transform_0(%arg0: i32) -> (i32, i32, i32, i32) {
    %c0_i32 = arith.constant 0 : i32
    %c0_i32_0 = arith.constant 0 : i32
    %c0_i32_1 = arith.constant 0 : i32
    %c0_i32_2 = arith.constant 0 : i32
    return %c0_i32, %c0_i32_0, %arg0, %c0_i32_1 : i32, i32, i32, i32
  }
  func.func @transform_1(%arg0: i32) -> (i32, i32, i32) {
    %c0_i32 = arith.constant 0 : i32
    %c0_i32_0 = arith.constant 0 : i32
    %c0_i32_1 = arith.constant 0 : i32
    return %c0_i32, %arg0, %c0_i32_0 : i32, i32, i32
  }
  func.func @transform_2(%arg0: i32) -> (i32, i32, i32) {
    %c1_i32 = arith.constant 1 : i32
    %c0_i32 = arith.constant 0 : i32
    %c0_i32_0 = arith.constant 0 : i32
    return %c1_i32, %arg0, %c0_i32 : i32, i32, i32
  }
  func.func @transform_3(%arg0: i32) -> (i32, i32) {
    %c0_i32 = arith.constant 0 : i32
    %c0_i32_0 = arith.constant 0 : i32
    %c0_i32_1 = arith.constant 0 : i32
    return %c0_i32, %c0_i32_0 : i32, i32
  }
  func.func @transform_4(%arg0: i32) -> (i32, i32) {
    %c0_i32 = arith.constant 0 : i32
    %c0_i32_0 = arith.constant 0 : i32
    return %arg0, %c0_i32 : i32, i32
  }
}

</mosaic_0001>

<sc_bundles>
// kernel: kernel.11.cloned.1.call-start
scs
__scs_entry_jumppad:
0x0: {  	(pc) =	sbr.rel $0x88, $3  }
0x1: {  	(tag) =	ssettag $0x0;
	lr =	simm.s32 $0x1  }
0x2: {  	[smem:$0x3F9B] =	sst lr;
	_ =	strace $0xD0000000  }
0x3: {  	_ = 	snop  }
0x4: {  	_ = 	snop  }
0x5: {  	_ = 	snop  }
0x6: {  	_ = 	snop  }
0x7: {  	_ = 	snop  }
__scs_overlays_trampoline_lowered:
0x8: {  	[smem:$0x3FAA] =	sst s0  }
0x9: {  	[smem:$0x3FAB] =	sst s1  }
0xa: {  	[smem:$0x3FAC] =	sst s2  }
0xb: {  	[smem:$0x3FAD] =	sst s3  }
0xc: {  	[smem:$0x3FAE] =	sst s4  }
0xd: {  	[smem:$0x3FAF] =	sst s5  }
0xe: {  	[smem:$0x3FB0] =	sst s6  }
0xf: {  	[smem:$0x3FB1] =	sst s7  }
0x10: {  	[smem:$0x3FB2] =	sst s8  }
0x11: {  	[smem:$0x3FB3] =	sst s9;
	s0 =	simm.s32 @!p0 $0x0  }
0x12: {  	s1 =	sld [smem:$0x3F99];
	s0 =	simm.s32 @p0 $0x1  }
0x13: {  	[smem:$0x3FB4] =	sst s0;
	s0 =	simm.s32 @!p1 $0x0  }
0x14: {  	s2 =	sld [smem:$0x3F98];
	s0 =	simm.s32 @p1 $0x1  }
0x15: {  	[smem:$0x3FB5] =	sst s0;
	s0 =	simm.s32 @!p2 $0x0  }
0x16: {  	s3 =	sld [smem:$0x3FDB];
	s0 =	simm.s32 @p2 $0x1  }
0x17: {  	s4 =	simm.s32 $0x1BF5;
	[smem:$0x3FB7] =	sst s0  }
0x18: {  	s0 =	sld [smem:$0x3F9A];
	_ =	swait.ge [sflag:s4], $0x0  }
0x19: {  	s7 =	sld [smem:$0x3F9B]  }
0x1a: {  	s8 =	sadd.s32 $0xFFFFE003, lr  }
0x1b: {  	s9 =	sadd.s32 $0xFFFFFEF7, lr;
	s5 =	simm.s32 $0xFFFFFFFF;
	p2 =	slt.u32 s8, $0xFFFFF086  }
0x1c: {  	p1 =	slt.u32 s9, $0xF7A;
	s5 =	simm.s32 @!p2 $0x0  }
0x1d: {  	s5 =	simm.s32 @p1 $0x1;
	p0 =	seq.s32 s7, s2  }
0x1e: {  	s7 =	smul.u32 @!p0 $0xF7A, s2;
	p2 =	seq.s32 @!p0 s5, $0x0  }
0x1f: {  	s9 =	smul.u32 $0xF7A, s1;
	s8 =	simm.s32 @!p0 $0x1BF5;
	p2 =	por !p2, p0  }
0x20: {  	[sflag:s8] =	ssyncset.s32 @!p0 $0xFFFFF086;
	s6 =	sadd.s32 @!p0 s3, s7;
	s7 =	simm.s32 @!p0 $0x108  }
0x21: {  	s3 =	sadd.s32 s3, s9;
	s6 =	sadd.s32 @!p0 $0x88, s6;
	s7 =	simm.s32 @p2 $0x1082  }
0x22: {  	[simem:s7], [sflag:s8] =	dma.local @!p0 [hbm:s6], $0xF7A  }
0x23: {  	s9 =	sor.u32 $0xD0000000, s2;
	s6 =	simm.s32 $0x108;
	_ =	swait.ge @!p0 [sflag:s8], $0x0  }
0x24: {  	s3 =	sadd.s32 $0x88, s3;
	s6 =	simm.s32 @!p1 $0x1082;
	[sflag:s4] =	ssyncset.s32 $0xFFFFF086  }
0x25: {  	[simem:s6], [sflag:s4] =	dma.local [hbm:s3], $0xF7A  }
0x26: {  	[smem:$0x3F9B] =	sst s1;
	(tag) =	ssettag s2;
	_ =	strace s9  }
0x27: {  	s1 =	sld [smem:$0x3FAB]  }
0x28: {  	s2 =	sld [smem:$0x3FAC]  }
0x29: {  	s4 =	sld [smem:$0x3FAE]  }
0x2a: {  	p0 =	seq.s32 s5, $0x0;
	s5 =	sld [smem:$0x3FAF]  }
0x2b: {  	s6 =	sld [smem:$0x3FB0]  }
0x2c: {  	s7 =	sld [smem:$0x3FB1]  }
0x2d: {  	s3 =	simm.s32 $0x108;
	s8 =	sld [smem:$0x3FB2]  }
0x2e: {  	s3 =	simm.s32 @!p0 $0x1082;
	s9 =	sld [smem:$0x3FB3]  }
0x2f: {  	lr =	sadd.s32 s0, s3;
	s0 =	sld [smem:$0x3FAA]  }
0x30: {  	s3 =	sld [smem:$0x3FAD]  }
0x31: {  	[smem:$0x3FB6] =	sst s10  }
0x32: {  	s10 =	sld [smem:$0x3FB4];
	_ =	sdelay $0x3  }
0x33: {  	p0 =	seq.s32 s10, $0x1;
	s10 =	sld [smem:$0x3FB6];
	_ =	sdelay $0x3  }
0x34: {  	[smem:$0x3FB6] =	sst s10  }
0x35: {  	s10 =	sld [smem:$0x3FB5];
	_ =	sdelay $0x3  }
0x36: {  	p1 =	seq.s32 s10, $0x1;
	s10 =	sld [smem:$0x3FB6];
	_ =	sdelay $0x3  }
0x37: {  	[smem:$0x3FB6] =	sst s10  }
0x38: {  	s10 =	sld [smem:$0x3FB7]  }
0x39: {  	_ = 	snop;
	(pc) =	sbr.ind lr, $3  }
0x3a: {  	_ = 	snop  }
0x3b: {  	_ = 	snop  }
0x3c: {  	p2 =	seq.s32 s10, $0x1;
	s10 =	sld [smem:$0x3FB6]  }
0x3d: {  	_ =	shalt  }
0x3e: {  	_ =	shalt  }
0x3f: {  	_ =	shalt  }
0x40: {  	_ =	shalt  }
0x41: {  	_ =	shalt  }
0x42: {  	_ =	shalt  }
0x43: {  	_ =	shalt  }
0x44: {  	_ =	shalt  }
0x45: {  	_ =	shalt  }
0x46: {  	_ =	shalt  }
0x47: {  	_ =	shalt  }
0x48: {  	_ =	shalt  }
0x49: {  	_ =	shalt  }
0x4a: {  	_ =	shalt  }
0x4b: {  	_ =	shalt  }
0x4c: {  	_ =	shalt  }
0x4d: {  	_ =	shalt  }
0x4e: {  	_ =	shalt  }
0x4f: {  	_ =	shalt  }
0x50: {  	_ =	shalt  }
0x51: {  	_ =	shalt  }
0x52: {  	_ =	shalt  }
0x53: {  	_ =	shalt  }
0x54: {  	_ =	shalt  }
0x55: {  	_ =	shalt  }
0x56: {  	_ =	shalt  }
0x57: {  	_ =	shalt  }
0x58: {  	_ =	shalt  }
0x59: {  	_ =	shalt  }
0x5a: {  	_ =	shalt  }
0x5b: {  	_ =	shalt  }
0x5c: {  	_ =	shalt  }
0x5d: {  	_ =	shalt  }
0x5e: {  	_ =	shalt  }
0x5f: {  	_ =	shalt  }
0x60: {  	_ =	shalt  }
0x61: {  	_ =	shalt  }
0x62: {  	_ =	shalt  }
0x63: {  	_ =	shalt  }
0x64: {  	_ =	shalt  }
0x65: {  	_ =	shalt  }
0x66: {  	_ =	shalt  }
0x67: {  	_ =	shalt  }
0x68: {  	_ =	shalt  }
0x69: {  	_ =	shalt  }
0x6a: {  	_ =	shalt  }
0x6b: {  	_ =	shalt  }
0x6c: {  	_ =	shalt  }
0x6d: {  	_ =	shalt  }
0x6e: {  	_ =	shalt  }
0x6f: {  	_ =	shalt  }
0x70: {  	_ =	shalt  }
0x71: {  	_ =	shalt  }
0x72: {  	_ =	shalt  }
0x73: {  	_ =	shalt  }
0x74: {  	_ =	shalt  }
0x75: {  	_ =	shalt  }
0x76: {  	_ =	shalt  }
0x77: {  	_ =	shalt  }
0x78: {  	_ =	shalt  }
0x79: {  	_ =	shalt  }
0x7a: {  	_ =	shalt  }
0x7b: {  	_ =	shalt  }
0x7c: {  	_ =	shalt  }
0x7d: {  	_ =	shalt  }
0x7e: {  	_ =	shalt  }
0x7f: {  	_ =	shalt  }
0x80: {  	_ =	shalt  }
0x81: {  	_ =	shalt  }
0x82: {  	_ =	shalt  }
0x83: {  	_ =	shalt  }
0x84: {  	_ =	shalt  }
0x85: {  	_ =	shalt  }
0x86: {  	_ =	shalt  }
0x87: {  	_ =	shalt  }
.Lfunc_end0:
.L_simem_size_0:
called_computation.1_lowered:
.L_overlay_start_0:
0x88: {  	s2 =	sld [smem:$0x3FD9]  }
0x89: {  	s3 =	sld [smem:$0x3FFE];
	_ =	sdelay $0x1  }
0x8a: {  	s1 =	srdreg.scid  }
0x8b: {  	s0 =	sand.u32 $0x1, s1  }
0x8c: {  	s16 =	sshll.u32 s0, $0xA;
	s2 =	sadd.s32 s3, s2  }
0x8d: {  	s2 =	sadd.s32 s2, s16  }
0x8e: {  	[smem:$0x3FC2] =	sst s2  }
0x8f: {  	_ = 	snop  }
0x90: {  	(tm) =	ssettm $0x1  }
0x91: {  	s17 =	sld [smem:$0x3FFB];
	_ =	sdelay $0x3  }
0x92: {  	_ =	strace s17  }
0x93: {  	s2 =	sld [smem:$0x3FFC];
	_ =	sdelay $0x3  }
0x94: {  	_ =	strace s2  }
0x95: {  	s2 =	sld [smem:$0x3FFD];
	_ =	sdelay $0x3  }
0x96: {  	_ =	strace s2  }
0x97: {  	_ =	strace $0x8FFFFFFF  }
0x98: {  	s18 =	sld [smem:$0x3FDB];
	_ =	sdelay $0x1  }
0x99: {  	s19 =	simm.s32 $_scs_section_size  }
0x9a: {  	s4 =	simm.s32 $_size__tile_overlayer_lowered;
	s5 =	simm.s32 $_tile_overlayer_lowered  }
0x9b: {  	s22 =	simm.s32 $0x1BFF;
	s21 =	sshll.u32 s5, $0x1;
	s2 =	sadd.s32 s19, s18  }
0x9c: {  	s6 =	simm.s32 $0x0;
	s20 =	sshll.u32 s4, $0x1;
	s4 =	sadd.s32 s21, s2  }
0x9d: {  	[timem:s6], [sflag:s22] =	dma.local [hbm:s4], s20  }
0x9e: {  	_ =	swait.ge [sflag:s22], s20  }
0x9f: {  	s3 =	ssub.s32 $0x0, s20;
	[sflag:s22] =	ssyncset.done $0x0  }
0xa0: {  	[sflag:s22] =	ssyncadd.s32 s3;
	_ =	sdelay $0x1  }
0xa1: {  	s23 =	simm.s32 $0x1B8B  }
0xa2: {  	_ =	swait.ge [sflag:s23], $0x1  }
0xa3: {  	[sflag:s23] =	ssyncset.done $0x0  }
0xa4: {  	s25 =	simm.s32 $0x1B8E;
	s24 =	sld [smem:$0x3FFE];
	[sflag:s23] =	ssyncadd.s32 $0xFFFFFFFF  }
0xa5: {  	s26 =	simm.s32 $execute0_lowered;
	[smem:$0x3FD2] =	sst s25  }
0xa6: {  	s4 =	sshll.u32 s26, $0x1;
	_ =	strace $0x80000049;
	[dreg:$0x1] =	wrdreg $0xFFFFFFFF  }
0xa7: {  	s28 =	simm.s32 $_size_execute0_lowered;
	s2 =	sadd.s32 s2, s4;
	[dreg:$0x0] =	wrdreg $0x0  }
0xa8: {  	s4 =	sshll.u32 s28, $0x1;
	[dreg:$0x2] =	wrdreg s2  }
0xa9: {  	[dreg:$0x3] =	wrdreg s4  }
0xaa: {  	[dreg:$0x4] =	wrdreg $0xC0  }
0xab: {  	_ =	task [dreg:s6], $0x5FFFF  }
0xac: {  	[dreg:$0x1] =	wrdreg $0xFFFFFFFF  }
0xad: {  	[dreg:$0x0] =	wrdreg $0x60  }
0xae: {  	[dreg:$0x2] =	wrdreg s24  }
0xaf: {  	[dreg:$0x3] =	wrdreg $0x140000  }
0xb0: {  	[dreg:$0x4] =	wrdreg $0x9  }
0xb1: {  	_ =	task.clear_ibuf [dreg:s6], $0x5FFFF;
	_ =	strace $0x90000049  }
0xb2: {  	s29 =	simm.s32 $0x9;
	_ =	strace $0x8000004B  }
0xb3: {  	_ =	swait.ge [sflag:s29], $0x1  }
0xb4: {  	[sflag:s29] =	ssyncadd.s32 $0xFFFFFFFF  }
0xb5: {  	_ =	strace $0x9000004B  }
0xb6: {  	_ =	sfence  }
0xb7: {  	s30 =	sld [smem:$0x0];
	_ =	sdelay $0x2  }
0xb8: {  	s31 =	sshll.u32 s1, $0xD;
	s1 =	sshrl.u32 s1, $0x2  }
0xb9: {  	s3 =	sand.u32 $0x4000, s31;
	s1 =	sadd.s32 s1, s30  }
0xba: {  	s0 =	sor.u32 s3, s0;
	s1 =	sshll.u32 s1, $0x11  }
0xbb: {  	s0 =	sor.u32 s1, s0  }
0xbc: {  	s0 =	sadd.s32 $0x8F2B, s0  }
0xbd: {  	[sflag:s0] =	ssyncadd.remote.s32 $0x1  }
0xbe: {  	_ =	sfence.sel $0xFFFF  }
0xbf: {  	[dreg:$0x0] =	wrdreg $0xFFFFFFFF;
	(pc) =	sbr.abs _section_cstart, $3  }
0xc0: {  	[dreg:$0x1] =	wrdreg $0xFFFFFFFF  }
0xc1: {  	_ =	task.clear_ibuf [dreg:s6], $0x2FFFF;
	_ =	strace $0x9FFFFFFF  }
0xc2: {  	(tm) =	ssettm $0x7FFFFFFF  }
0xc3: {  	_ =	shalt  }
tec
execute0_lowered:
.L_overlay_start_1:
0x0: {  	(tag) =	ssettag $0x1  }
0x1: {  	s0 =	rddreg [dreg:$0x0]  }
0x2: {  	s1 =	rddreg [dreg:$0x1];
	s2 =	srdreg.scid  }
0x3: {  	s3 =	simm.s32 $0x0;
	s8 =	stileid.u32;
	s14 =	simm.s32 $0xA000  }
0x4: {  	s15 =	simm.s32 $0xB;
	s16 =	simm.s32 $0x5000;
	s17 =	simm.s32 $0x80  }
0x5: {  	s18 =	simm.s32 $0xC000;
	s20 =	simm.s32 $0xE000;
	s29 =	simm.s32 $0x6  }
0x6: {  	s31 =	simm.s32 $0x3;
	s21 =	simm.s32 $0x4;
	s5 =	smul.u32 $0xA000, s8  }
0x7: {  	s28 =	simm.s32 $0x8;
	s2 =	sand.u32 $0x1, s2;
	s7 =	smul.u32 $0xA00, s8  }
0x8: {  	s19 =	simm.s32 $0xA;
	[smem:$0x7FF] =	sst s3;
	s4 =	smul.u32 $0xA0000, s2  }
0x9: {  	s22 =	smul.u32 $0x28000, s8;
	_ =	strace $0x8000004A;
	s2 =	ssub.s32 $0x2, s2  }
0xa: {  	s10 =	sadd.s32 s7, s0;
	s23 =	sshrl.u32 s2, $0x1;
	s6 =	sshrl.u32 s4, $0x3  }
0xb: {  	s4 =	sadd.s32 s5, s4;
	s2 =	ssub.s32 s2, s23;
	s30 =	sadd.s32 $0xBE00, s10  }
0xc: {  	s10 =	sadd.s32 $0x1E00, s10;
	s23 =	simm.s32 $0x9;
	s11 =	sadd.s32 s6, s0  }
0xd: {  	s4 =	sshrl.u32 s4, $0x3;
	s6 =	sshrl.u32 s22, $0x2;
	[dreg:$0x7] =	wrdreg s30  }
0xe: {  	s13 =	smax.u32 s2, $0x1;
	s22 =	simm.s32 $0x10000;
	s2 =	simm.s32 $0x7  }
0xf: {  	s0 =	sadd.s32 s4, s0;
	s4 =	sadd.s32 s5, s1;
	s24 =	sadd.s32 s6, s1  }
.Ltmp0:
0x10: {  	s11 =	sadd.s32 $0xC9E00, s11;
	s6 =	sadd.s32 $0x2000, s24;
	(pc) =	sbr.rel .LBB2_1-.Ltmp0, $4  }
0x11: {  	s25 =	sadd.s32 $0x4000, s24;
	s26 =	sadd.s32 $0x6000, s24;
	[dreg:$0x3] =	wrdreg s6  }
0x12: {  	s5 =	sadd.s32 $0x8000, s24;
	s12 =	sadd.s32 $0xF1E00, s0;
	[dreg:$0x4] =	wrdreg s25  }
0x13: {  	s24 =	simm.s32 $0x12000;
	s0 =	simm.s32 $0x5;
	[dreg:$0x5] =	wrdreg s26  }
0x14: {  	v0 =	vimm.f32 $0.0e+00;
	[dreg:$0x6] =	wrdreg s5;
	s25 =	simm.s32 $0x1;
	s26 =	simm.s32 $0x2  }
.LBB2_6:
0x15: {  	_ =	swait.ge [sflag:s0], $0x2000  }
0x16: {  	[sflag:s0] =	ssyncset.done $0x0  }
0x17: {  	s5 =	simm.s32 $0x9F80;
	[sflag:s0] =	ssyncadd.s32 $0xFFFFE000  }
0x18: {  	[spmem:s1] =	stream.indirect.scatter.add.f32 [tilespmem:s24], [sflag:$0xA], $0x40, s5, s17, $0xb8;
	[tilespmem:$0x1E000] =	vst v63  }
0x19: {  	_ =	swait.ge [sflag:s29], $0x2000  }
0x1a: {  	[sflag:s29] =	ssyncset.done $0x0  }
0x1b: {  	[sflag:s29] =	ssyncadd.s32 $0xFFFFE000  }
0x1c: {  	_ =	swait.ge [sflag:s2], $0x2000  }
0x1d: {  	[sflag:s2] =	ssyncset.done $0x0  }
0x1e: {  	[sflag:s2] =	ssyncadd.s32 $0xFFFFE000  }
0x1f: {  	_ =	swait.ge [sflag:s28], $0x2000  }
0x20: {  	[sflag:s28] =	ssyncset.done $0x0  }
0x21: {  	[sflag:s28] =	ssyncadd.s32 $0xFFFFE000  }
0x22: {  	_ =	swait.ge [sflag:s23], $0x2000  }
0x23: {  	[sflag:s23] =	ssyncset.done $0x0  }
0x24: {  	[sflag:s23] =	ssyncadd.s32 $0xFFFFE000  }
0x25: {  	s30 =	stileid.u32;
	_ =	swait.ge [sflag:s19], $0x2000  }
0x26: {  	s6 =	sshrl.u32 s4, $0x3;
	s3 =	sadd.s32 $0x1, s3;
	[sflag:s19] =	ssyncset.done $0x0  }
0x27: {  	p0 =	sne.s32 s3, s13;
	s5 =	sshll.u32 s30, $0x6;
	[sflag:s19] =	ssyncadd.s32 $0xFFFFE000  }
.Ltmp1:
0x28: {  	s5 =	sor.u32 $0x1C0B, s5;
	[bflag:$0x0] =	sbarrier.arrive $0xFFFF;
	(pc) =	sbr.rel @!p0 .LBB2_7-.Ltmp1, $4  }
0x29: {  	[hbm:s12], [sflag:s5] =	dma.local [spmem:s6], $0x1400  }
0x2a: {  	_ =	swait.ge [sflag:s15], $0x1400  }
0x2b: {  	[sflag:s15] =	ssyncset.done $0x0  }
0x2c: {  	[sflag:s15] =	ssyncadd.s32 $0xFFFFEC00  }
.LBB2_1:
0x2d: {  	s30 =	simm.s32 $0x100;
	s5 =	simm.s32 $0x0  }
.LBB2_2:
0x2e: {  	p0 =	sne.s32 s30, $0x7F00;
	[tilespmem:s5+$0xA030] =	vst v0;
	s6 =	smov.u32 s30;
	s30 =	sadd.s32 $0x100, s30  }
.Ltmp2:
0x2f: {  	[tilespmem:s5+$0xA020] =	vst v0;
	(pc) =	sbr.rel @p0 .LBB2_2-.Ltmp2, $3  }
0x30: {  	[tilespmem:s5+$0xA000] =	vst v0  }
0x31: {  	[tilespmem:s5+$0xA010] =	vst v0;
	_ =	sdelay $0x1  }
0x32: {  	s5 =	sshra.s32 s6, $0x2  }
0x33: {  	[tilespmem:s5+$0xA030] =	vst v0  }
0x34: {  	[tilespmem:s5+$0xA020] =	vst v0  }
0x35: {  	[tilespmem:s5+$0xA000] =	vst v0  }
0x36: {  	[tilespmem:s5+$0xA010] =	vst v0  }
0x37: {  	[spmem:s4] =	stream.linear.scatter [tilespmem:s14], [sflag:$0xB], $0x2000, $0x38;
	[tilespmem:$0x1E000] =	vst v63  }
0x38: {  	_ =	swait.ge [sflag:s15], $0x2000  }
0x39: {  	[sflag:s15] =	ssyncset.done $0x0  }
0x3a: {  	s6 =	rddreg [dreg:$0x3];
	[sflag:s15] =	ssyncadd.s32 $0xFFFFE000  }
0x3b: {  	[spmem:s6] =	stream.linear.scatter [tilespmem:s14], [sflag:$0xB], $0x2000, $0x38;
	[tilespmem:$0x1E000] =	vst v63  }
0x3c: {  	_ =	swait.ge [sflag:s15], $0x2000  }
0x3d: {  	[sflag:s15] =	ssyncset.done $0x0  }
0x3e: {  	s7 =	rddreg [dreg:$0x4];
	[sflag:s15] =	ssyncadd.s32 $0xFFFFE000  }
0x3f: {  	[spmem:s7] =	stream.linear.scatter [tilespmem:s14], [sflag:$0xB], $0x2000, $0x38;
	[tilespmem:$0x1E000] =	vst v63  }
0x40: {  	_ =	swait.ge [sflag:s15], $0x2000  }
0x41: {  	[sflag:s15] =	ssyncset.done $0x0  }
0x42: {  	s8 =	rddreg [dreg:$0x5];
	[sflag:s15] =	ssyncadd.s32 $0xFFFFE000  }
0x43: {  	[spmem:s8] =	stream.linear.scatter [tilespmem:s14], [sflag:$0xB], $0x2000, $0x38;
	[tilespmem:$0x1E000] =	vst v63  }
0x44: {  	_ =	swait.ge [sflag:s15], $0x2000  }
0x45: {  	[sflag:s15] =	ssyncset.done $0x0  }
0x46: {  	s9 =	rddreg [dreg:$0x6];
	[sflag:s15] =	ssyncadd.s32 $0xFFFFE000  }
0x47: {  	[spmem:s9] =	stream.linear.scatter [tilespmem:s14], [sflag:$0xB], $0x2000, $0x38;
	[tilespmem:$0x1E000] =	vst v63  }
0x48: {  	_ =	swait.ge [sflag:s15], $0x2000  }
0x49: {  	[sflag:s15] =	ssyncset.done $0x0  }
0x4a: {  	s30 =	simm.s32 $0x0;
	s6 =	rddreg [dreg:$0x7];
	[sflag:s15] =	ssyncadd.s32 $0xFFFFE000  }
0x4b: {  	[tilespmem:s30], [sflag:$0xB] =	stream.linear.gather [hbm4b:s6+s30], $0x5000, $0x38;
	[tilespmem:$0x1E000] =	vst v63  }
0x4c: {  	_ =	swait.ge [sflag:s15], $0x5000  }
0x4d: {  	[sflag:s15] =	ssyncset.done $0x0  }
0x4e: {  	[sflag:s15] =	ssyncadd.s32 $0xFFFFB000  }
0x4f: {  	[tilespmem:s16], [sflag:$0xB] =	stream.linear.gather [hbm4b:s10+s30], $0x5000, $0x38;
	[tilespmem:$0x1E000] =	vst v63  }
0x50: {  	_ =	swait.ge [sflag:s15], $0x5000  }
0x51: {  	[sflag:s15] =	ssyncset.done $0x0  }
0x52: {  	[sflag:s15] =	ssyncadd.s32 $0xFFFFB000  }
0x53: {  	[bflag:$0x0] =	sbarrier.arrive $0xFFFF  }
0x54: {  	[tilespmem:s14], [sflag:$0x1] =	stream.indirect.gather [hbm4b:s11+s17], $0x40, s30, s17, $0xb8;
	[tilespmem:$0x1E000] =	vst v63  }
0x55: {  	_ = 	snop  }
0x56: {  	[tilespmem:s18], [sflag:$0x2] =	stream.indirect.gather [hbm4b:s11+s17], $0x40, s17, s17, $0xb8;
	[tilespmem:$0x1E000] =	vst v63  }
0x57: {  	s7 =	simm.s32 $0x100  }
0x58: {  	[tilespmem:s20], [sflag:$0x3] =	stream.indirect.gather [hbm4b:s11+s17], $0x40, s7, s17, $0xb8;
	[tilespmem:$0x1E000] =	vst v63  }
0x59: {  	s8 =	simm.s32 $0x180  }
0x5a: {  	[tilespmem:s22], [sflag:$0x4] =	stream.indirect.gather [hbm4b:s11+s17], $0x40, s8, s17, $0xb8;
	[tilespmem:$0x1E000] =	vst v63  }
0x5b: {  	s9 =	simm.s32 $0x200  }
0x5c: {  	[tilespmem:s24], [sflag:$0x5] =	stream.indirect.gather [hbm4b:s11+s17], $0x40, s9, s17, $0xb8;
	[tilespmem:$0x1E000] =	vst v63  }
0x5d: {  	_ =	swait.ge [sflag:s25], $0x2000  }
0x5e: {  	[sflag:s25] =	ssyncset.done $0x0  }
0x5f: {  	[sflag:s25] =	ssyncadd.s32 $0xFFFFE000  }
0x60: {  	[spmem:s1] =	stream.indirect.scatter.add.f32 [tilespmem:s14], [sflag:$0x6], $0x40, s16, s17, $0xb8;
	[tilespmem:$0x1E000] =	vst v63  }
0x61: {  	_ =	swait.ge [sflag:s26], $0x2000  }
0x62: {  	[sflag:s26] =	ssyncset.done $0x0  }
0x63: {  	s6 =	simm.s32 $0x5080;
	[sflag:s26] =	ssyncadd.s32 $0xFFFFE000  }
0x64: {  	[spmem:s1] =	stream.indirect.scatter.add.f32 [tilespmem:s18], [sflag:$0x7], $0x40, s6, s17, $0xb8;
	[tilespmem:$0x1E000] =	vst v63  }
0x65: {  	_ =	swait.ge [sflag:s29], $0x2000  }
0x66: {  	[sflag:s29] =	ssyncset.done $0x0  }
0x67: {  	s7 =	simm.s32 $0x280;
	[sflag:s29] =	ssyncadd.s32 $0xFFFFE000  }
0x68: {  	[tilespmem:s14], [sflag:$0x1] =	stream.indirect.gather [hbm4b:s11+s17], $0x40, s7, s17, $0xb8;
	[tilespmem:$0x1E000] =	vst v63  }
0x69: {  	_ =	swait.ge [sflag:s31], $0x2000  }
0x6a: {  	[sflag:s31] =	ssyncset.done $0x0  }
0x6b: {  	s8 =	simm.s32 $0x5100;
	[sflag:s31] =	ssyncadd.s32 $0xFFFFE000  }
0x6c: {  	[spmem:s1] =	stream.indirect.scatter.add.f32 [tilespmem:s20], [sflag:$0x8], $0x40, s8, s17, $0xb8;
	[tilespmem:$0x1E000] =	vst v63  }
0x6d: {  	_ =	swait.ge [sflag:s2], $0x2000  }
0x6e: {  	[sflag:s2] =	ssyncset.done $0x0  }
0x6f: {  	s9 =	simm.s32 $0x300;
	[sflag:s2] =	ssyncadd.s32 $0xFFFFE000  }
0x70: {  	[tilespmem:s18], [sflag:$0x2] =	stream.indirect.gather [hbm4b:s11+s17], $0x40, s9, s17, $0xb8;
	[tilespmem:$0x1E000] =	vst v63  }
0x71: {  	_ =	swait.ge [sflag:s21], $0x2000  }
0x72: {  	[sflag:s21] =	ssyncset.done $0x0  }
0x73: {  	s6 =	simm.s32 $0x5180;
	[sflag:s21] =	ssyncadd.s32 $0xFFFFE000  }
0x74: {  	[spmem:s1] =	stream.indirect.scatter.add.f32 [tilespmem:s22], [sflag:$0x9], $0x40, s6, s17, $0xb8;
	[tilespmem:$0x1E000] =	vst v63  }
0x75: {  	_ =	swait.ge [sflag:s28], $0x2000  }
0x76: {  	[sflag:s28] =	ssyncset.done $0x0  }
0x77: {  	s7 =	simm.s32 $0x380;
	[sflag:s28] =	ssyncadd.s32 $0xFFFFE000  }
0x78: {  	[tilespmem:s20], [sflag:$0x3] =	stream.indirect.gather [hbm4b:s11+s17], $0x40, s7, s17, $0xb8;
	[tilespmem:$0x1E000] =	vst v63  }
0x79: {  	_ =	swait.ge [sflag:s0], $0x2000  }
0x7a: {  	[sflag:s0] =	ssyncset.done $0x0  }
0x7b: {  	s8 =	simm.s32 $0x5200;
	[sflag:s0] =	ssyncadd.s32 $0xFFFFE000  }
0x7c: {  	[spmem:s1] =	stream.indirect.scatter.add.f32 [tilespmem:s24], [sflag:$0xA], $0x40, s8, s17, $0xb8;
	[tilespmem:$0x1E000] =	vst v63  }
0x7d: {  	_ =	swait.ge [sflag:s23], $0x2000  }
0x7e: {  	[sflag:s23] =	ssyncset.done $0x0  }
0x7f: {  	s9 =	simm.s32 $0x400;
	[sflag:s23] =	ssyncadd.s32 $0xFFFFE000  }
0x80: {  	[tilespmem:s22], [sflag:$0x4] =	stream.indirect.gather [hbm4b:s11+s17], $0x40, s9, s17, $0xb8;
	[tilespmem:$0x1E000] =	vst v63  }
.LBB2_4:
0x81: {  	_ =	swait.ge [sflag:s25], $0x2000  }
0x82: {  	s5 =	sshra.s32 s30, $0x2;
	[sflag:s25] =	ssyncset.done $0x0  }
0x83: {  	s6 =	sadd.s32 $0x5280, s5;
	[sflag:s25] =	ssyncadd.s32 $0xFFFFE000  }
0x84: {  	[spmem:s1] =	stream.indirect.scatter.add.f32 [tilespmem:s14], [sflag:$0x6], $0x40, s6, s17, $0xb8;
	[tilespmem:$0x1E000] =	vst v63  }
0x85: {  	_ =	swait.ge [sflag:s19], $0x2000  }
0x86: {  	[sflag:s19] =	ssyncset.done $0x0  }
0x87: {  	s7 =	sadd.s32 $0x480, s5;
	[sflag:s19] =	ssyncadd.s32 $0xFFFFE000  }
0x88: {  	[tilespmem:s24], [sflag:$0x5] =	stream.indirect.gather [hbm4b:s11+s17], $0x40, s7, s17, $0xb8;
	[tilespmem:$0x1E000] =	vst v63  }
0x89: {  	_ =	swait.ge [sflag:s26], $0x2000  }
0x8a: {  	p0 =	seq.s32 s30, $0x12C00;
	[sflag:s26] =	ssyncset.done $0x0  }
0x8b: {  	s8 =	sadd.s32 $0x5300, s5;
	s6 =	simm.s32 @p0 $0x3;
	[sflag:s26] =	ssyncadd.s32 $0xFFFFE000  }
0x8c: {  	[spmem:s1] =	stream.indirect.scatter.add.f32 [tilespmem:s18], [sflag:$0x7], $0x40, s8, s17, $0xb8;
	[tilespmem:$0x1E000] =	vst v63  }
0x8d: {  	_ =	swait.ge @p0 [sflag:s6], $0x2000  }
0x8e: {  	[sflag:s6] =	ssyncset.done @p0 $0x0  }
0x8f: {  	[sflag:s6] =	ssyncadd.s32 @p0 $0xFFFFE000;
	s6 =	sshra.s32 @p0 s30, $0x2  }
0x90: {  	s7 =	simm.s32 @p0 $0x80;
	s8 =	simm.s32 @p0 $0xE000;
	s6 =	sadd.s32 @p0 $0x5380, s6  }
0x91: {  	[spmem:s1] =	stream.indirect.scatter.add.f32 @p0 [tilespmem:s8], [sflag:$0x8], $0x40, s6, s7, $0xb8;
	[tilespmem:$0x1E000] =	vst v63  }
0x92: {  	s6 =	simm.s32 @!p0 $0x6  }
0x93: {  	_ =	swait.ge @!p0 [sflag:s6], $0x2000  }
0x94: {  	[sflag:s6] =	ssyncset.done @!p0 $0x0  }
0x95: {  	[sflag:s6] =	ssyncadd.s32 @!p0 $0xFFFFE000;
	s6 =	sshra.s32 @!p0 s30, $0x2  }
0x96: {  	s9 =	simm.s32 @!p0 $0xA000;
	s8 =	simm.s32 @!p0 $0x80;
	s7 =	sadd.s32 @!p0 $0x500, s6  }
0x97: {  	[tilespmem:s9], [sflag:$0x1] =	stream.indirect.gather @!p0 [hbm4b:s11+s8], $0x40, s7, s8, $0xb8;
	[tilespmem:$0x1E000] =	vst v63  }
0x98: {  	s7 =	simm.s32 @!p0 $0x3  }
0x99: {  	_ =	swait.ge @!p0 [sflag:s7], $0x2000  }
0x9a: {  	[sflag:s7] =	ssyncset.done @!p0 $0x0  }
0x9b: {  	s9 =	simm.s32 @!p0 $0xE000;
	[sflag:s7] =	ssyncadd.s32 @!p0 $0xFFFFE000;
	s7 =	sadd.s32 @!p0 $0x5380, s6  }
0x9c: {  	[spmem:s1] =	stream.indirect.scatter.add.f32 @!p0 [tilespmem:s9], [sflag:$0x8], $0x40, s7, s8, $0xb8;
	[tilespmem:$0x1E000] =	vst v63  }
0x9d: {  	s7 =	simm.s32 @!p0 $0x7  }
0x9e: {  	_ =	swait.ge @!p0 [sflag:s7], $0x2000  }
0x9f: {  	[sflag:s7] =	ssyncset.done @!p0 $0x0  }
0xa0: {  	s6 =	sadd.s32 @!p0 $0x580, s6;
	[sflag:s7] =	ssyncadd.s32 @!p0 $0xFFFFE000;
	s7 =	simm.s32 @!p0 $0xC000  }
0xa1: {  	[tilespmem:s7], [sflag:$0x2] =	stream.indirect.gather @!p0 [hbm4b:s11+s8], $0x40, s6, s8, $0xb8;
	[tilespmem:$0x1E000] =	vst v63  }
.Ltmp3:
0xa2: {  	_ = 	snop;
	(pc) =	sbr.rel @p0 .LBB2_6-.Ltmp3, $4  }
0xa3: {  	_ =	swait.ge [sflag:s21], $0x2000  }
0xa4: {  	[sflag:s21] =	ssyncset.done $0x0  }
0xa5: {  	s9 =	sadd.s32 $0x5400, s5;
	[sflag:s21] =	ssyncadd.s32 $0xFFFFE000  }
0xa6: {  	[spmem:s1] =	stream.indirect.scatter.add.f32 [tilespmem:s22], [sflag:$0x9], $0x40, s9, s17, $0xb8;
	[tilespmem:$0x1E000] =	vst v63  }
0xa7: {  	_ =	swait.ge [sflag:s28], $0x2000  }
0xa8: {  	[sflag:s28] =	ssyncset.done $0x0  }
0xa9: {  	s6 =	sadd.s32 $0x600, s5;
	[sflag:s28] =	ssyncadd.s32 $0xFFFFE000  }
0xaa: {  	[tilespmem:s20], [sflag:$0x3] =	stream.indirect.gather [hbm4b:s11+s17], $0x40, s6, s17, $0xb8;
	[tilespmem:$0x1E000] =	vst v63  }
0xab: {  	_ =	swait.ge [sflag:s0], $0x2000  }
0xac: {  	[sflag:s0] =	ssyncset.done $0x0  }
0xad: {  	s8 =	sadd.s32 $0x5480, s5;
	[sflag:s0] =	ssyncadd.s32 $0xFFFFE000  }
0xae: {  	[spmem:s1] =	stream.indirect.scatter.add.f32 [tilespmem:s24], [sflag:$0xA], $0x40, s8, s17, $0xb8;
	[tilespmem:$0x1E000] =	vst v63  }
.Ltmp4:
0xaf: {  	_ = 	snop;
	(pc) =	sbr.rel .LBB2_4-.Ltmp4, $4  }
0xb0: {  	_ =	swait.ge [sflag:s23], $0x2000  }
0xb1: {  	[sflag:s23] =	ssyncset.done $0x0  }
0xb2: {  	s9 =	sadd.s32 $0x680, s5;
	s30 =	sadd.s32 $0xA00, s30;
	[sflag:s23] =	ssyncadd.s32 $0xFFFFE000  }
0xb3: {  	[tilespmem:s22], [sflag:$0x4] =	stream.indirect.gather [hbm4b:s11+s17], $0x40, s9, s17, $0xb8;
	[tilespmem:$0x1E000] =	vst v63  }
.LBB2_7:
0xb4: {  	_ =	sfence.sel $0x180000  }
0xb5: {  	[bflag:$0x0] =	sbarrier.arrive $0xFFFF  }
0xb6: {  	_ =	strace $0x9000004A  }
0xb7: {  	s0 =	stileid.u32;
	[bflag:$0x2] =	sbarrier.arrive $0xFFFF  }
0xb8: {  	p0 =	sne.s32 s0, $0x0;
	s0 =	rddreg [dreg:$0x2]  }
0xb9: {  	s0 =	sadd.s32 @!p0 $0x100000, s0  }
0xba: {  	[sflag:s0] =	ssyncadd.tile.s32 @!p0 $0x1;
	_ =	shalt  }
.Lfunc_end2:
_tile_overlayer_lowered:
.L_overlay_start_2:
0xbb: {  	(tag) =	ssettag $0x2  }
0xbc: {  	s0 =	rddreg [dreg:$0x0];
	s2 =	stileid.u32  }
0xbd: {  	s1 =	rddreg [dreg:$0x1];
	p0 =	sne.s32 s2, $0x0  }
0xbe: {  	s3 =	rddreg [dreg:$0x2];
	[bflag:$0x3] =	sbarrier.arrive $0xFFFF;
	s2 =	simm.s32 @!p0 $0x1C0B  }
0xbf: {  	[timem:s3], [sflag:s2] =	dma.local @!p0 [hbm:s0], s1  }
0xc0: {  	s0 =	simm.s32 @!p0 $0xB  }
0xc1: {  	_ =	swait.ge @!p0 [sflag:s0], s1  }
0xc2: {  	s1 =	ssub.s32 @!p0 $0x0, s1;
	[sflag:s0] =	ssyncset.done @!p0 $0x0  }
0xc3: {  	[sflag:s0] =	ssyncadd.s32 @!p0 s1  }
0xc4: {  	[bflag:$0x3] =	sbarrier.arrive $0xFFFF  }
0xc5: {  	_ =	shalt  }

// kernel: kernel.14.cloned.1.call-start
scs
__scs_entry_jumppad:
0x0: {  	(pc) =	sbr.rel $0x88, $3  }
0x1: {  	(tag) =	ssettag $0x0;
	lr =	simm.s32 $0x1  }
0x2: {  	[smem:$0x3F9B] =	sst lr;
	_ =	strace $0xD0000000  }
0x3: {  	_ = 	snop  }
0x4: {  	_ = 	snop  }
0x5: {  	_ = 	snop  }
0x6: {  	_ = 	snop  }
0x7: {  	_ = 	snop  }
__scs_overlays_trampoline_lowered:
0x8: {  	[smem:$0x3FAA] =	sst s0  }
0x9: {  	[smem:$0x3FAB] =	sst s1  }
0xa: {  	[smem:$0x3FAC] =	sst s2  }
0xb: {  	[smem:$0x3FAD] =	sst s3  }
0xc: {  	[smem:$0x3FAE] =	sst s4  }
0xd: {  	[smem:$0x3FAF] =	sst s5  }
0xe: {  	[smem:$0x3FB0] =	sst s6  }
0xf: {  	[smem:$0x3FB1] =	sst s7  }
0x10: {  	[smem:$0x3FB2] =	sst s8  }
0x11: {  	[smem:$0x3FB3] =	sst s9;
	s0 =	simm.s32 @!p0 $0x0  }
0x12: {  	s1 =	sld [smem:$0x3F99];
	s0 =	simm.s32 @p0 $0x1  }
0x13: {  	[smem:$0x3FB4] =	sst s0;
	s0 =	simm.s32 @!p1 $0x0  }
0x14: {  	s2 =	sld [smem:$0x3F98];
	s0 =	simm.s32 @p1 $0x1  }
0x15: {  	[smem:$0x3FB5] =	sst s0;
	s0 =	simm.s32 @!p2 $0x0  }
0x16: {  	s3 =	sld [smem:$0x3FDB];
	s0 =	simm.s32 @p2 $0x1  }
0x17: {  	s4 =	simm.s32 $0x1BF5;
	[smem:$0x3FB7] =	sst s0  }
0x18: {  	s0 =	sld [smem:$0x3F9A];
	_ =	swait.ge [sflag:s4], $0x0  }
0x19: {  	s7 =	sld [smem:$0x3F9B]  }
0x1a: {  	s8 =	sadd.s32 $0xFFFFE003, lr  }
0x1b: {  	s9 =	sadd.s32 $0xFFFFFEF7, lr;
	s5 =	simm.s32 $0xFFFFFFFF;
	p2 =	slt.u32 s8, $0xFFFFF086  }
0x1c: {  	p1 =	slt.u32 s9, $0xF7A;
	s5 =	simm.s32 @!p2 $0x0  }
0x1d: {  	s5 =	simm.s32 @p1 $0x1;
	p0 =	seq.s32 s7, s2  }
0x1e: {  	s7 =	smul.u32 @!p0 $0xF7A, s2;
	p2 =	seq.s32 @!p0 s5, $0x0  }
0x1f: {  	s9 =	smul.u32 $0xF7A, s1;
	s8 =	simm.s32 @!p0 $0x1BF5;
	p2 =	por !p2, p0  }
0x20: {  	[sflag:s8] =	ssyncset.s32 @!p0 $0xFFFFF086;
	s6 =	sadd.s32 @!p0 s3, s7;
	s7 =	simm.s32 @!p0 $0x108  }
0x21: {  	s3 =	sadd.s32 s3, s9;
	s6 =	sadd.s32 @!p0 $0x88, s6;
	s7 =	simm.s32 @p2 $0x1082  }
0x22: {  	[simem:s7], [sflag:s8] =	dma.local @!p0 [hbm:s6], $0xF7A  }
0x23: {  	s9 =	sor.u32 $0xD0000000, s2;
	s6 =	simm.s32 $0x108;
	_ =	swait.ge @!p0 [sflag:s8], $0x0  }
0x24: {  	s3 =	sadd.s32 $0x88, s3;
	s6 =	simm.s32 @!p1 $0x1082;
	[sflag:s4] =	ssyncset.s32 $0xFFFFF086  }
0x25: {  	[simem:s6], [sflag:s4] =	dma.local [hbm:s3], $0xF7A  }
0x26: {  	[smem:$0x3F9B] =	sst s1;
	(tag) =	ssettag s2;
	_ =	strace s9  }
0x27: {  	s1 =	sld [smem:$0x3FAB]  }
0x28: {  	s2 =	sld [smem:$0x3FAC]  }
0x29: {  	s4 =	sld [smem:$0x3FAE]  }
0x2a: {  	p0 =	seq.s32 s5, $0x0;
	s5 =	sld [smem:$0x3FAF]  }
0x2b: {  	s6 =	sld [smem:$0x3FB0]  }
0x2c: {  	s7 =	sld [smem:$0x3FB1]  }
0x2d: {  	s3 =	simm.s32 $0x108;
	s8 =	sld [smem:$0x3FB2]  }
0x2e: {  	s3 =	simm.s32 @!p0 $0x1082;
	s9 =	sld [smem:$0x3FB3]  }
0x2f: {  	lr =	sadd.s32 s0, s3;
	s0 =	sld [smem:$0x3FAA]  }
0x30: {  	s3 =	sld [smem:$0x3FAD]  }
0x31: {  	[smem:$0x3FB6] =	sst s10  }
0x32: {  	s10 =	sld [smem:$0x3FB4];
	_ =	sdelay $0x3  }
0x33: {  	p0 =	seq.s32 s10, $0x1;
	s10 =	sld [smem:$0x3FB6];
	_ =	sdelay $0x3  }
0x34: {  	[smem:$0x3FB6] =	sst s10  }
0x35: {  	s10 =	sld [smem:$0x3FB5];
	_ =	sdelay $0x3  }
0x36: {  	p1 =	seq.s32 s10, $0x1;
	s10 =	sld [smem:$0x3FB6];
	_ =	sdelay $0x3  }
0x37: {  	[smem:$0x3FB6] =	sst s10  }
0x38: {  	s10 =	sld [smem:$0x3FB7]  }
0x39: {  	_ = 	snop;
	(pc) =	sbr.ind lr, $3  }
0x3a: {  	_ = 	snop  }
0x3b: {  	_ = 	snop  }
0x3c: {  	p2 =	seq.s32 s10, $0x1;
	s10 =	sld [smem:$0x3FB6]  }
0x3d: {  	_ =	shalt  }
0x3e: {  	_ =	shalt  }
0x3f: {  	_ =	shalt  }
0x40: {  	_ =	shalt  }
0x41: {  	_ =	shalt  }
0x42: {  	_ =	shalt  }
0x43: {  	_ =	shalt  }
0x44: {  	_ =	shalt  }
0x45: {  	_ =	shalt  }
0x46: {  	_ =	shalt  }
0x47: {  	_ =	shalt  }
0x48: {  	_ =	shalt  }
0x49: {  	_ =	shalt  }
0x4a: {  	_ =	shalt  }
0x4b: {  	_ =	shalt  }
0x4c: {  	_ =	shalt  }
0x4d: {  	_ =	shalt  }
0x4e: {  	_ =	shalt  }
0x4f: {  	_ =	shalt  }
0x50: {  	_ =	shalt  }
0x51: {  	_ =	shalt  }
0x52: {  	_ =	shalt  }
0x53: {  	_ =	shalt  }
0x54: {  	_ =	shalt  }
0x55: {  	_ =	shalt  }
0x56: {  	_ =	shalt  }
0x57: {  	_ =	shalt  }
0x58: {  	_ =	shalt  }
0x59: {  	_ =	shalt  }
0x5a: {  	_ =	shalt  }
0x5b: {  	_ =	shalt  }
0x5c: {  	_ =	shalt  }
0x5d: {  	_ =	shalt  }
0x5e: {  	_ =	shalt  }
0x5f: {  	_ =	shalt  }
0x60: {  	_ =	shalt  }
0x61: {  	_ =	shalt  }
0x62: {  	_ =	shalt  }
0x63: {  	_ =	shalt  }
0x64: {  	_ =	shalt  }
0x65: {  	_ =	shalt  }
0x66: {  	_ =	shalt  }
0x67: {  	_ =	shalt  }
0x68: {  	_ =	shalt  }
0x69: {  	_ =	shalt  }
0x6a: {  	_ =	shalt  }
0x6b: {  	_ =	shalt  }
0x6c: {  	_ =	shalt  }
0x6d: {  	_ =	shalt  }
0x6e: {  	_ =	shalt  }
0x6f: {  	_ =	shalt  }
0x70: {  	_ =	shalt  }
0x71: {  	_ =	shalt  }
0x72: {  	_ =	shalt  }
0x73: {  	_ =	shalt  }
0x74: {  	_ =	shalt  }
0x75: {  	_ =	shalt  }
0x76: {  	_ =	shalt  }
0x77: {  	_ =	shalt  }
0x78: {  	_ =	shalt  }
0x79: {  	_ =	shalt  }
0x7a: {  	_ =	shalt  }
0x7b: {  	_ =	shalt  }
0x7c: {  	_ =	shalt  }
0x7d: {  	_ =	shalt  }
0x7e: {  	_ =	shalt  }
0x7f: {  	_ =	shalt  }
0x80: {  	_ =	shalt  }
0x81: {  	_ =	shalt  }
0x82: {  	_ =	shalt  }
0x83: {  	_ =	shalt  }
0x84: {  	_ =	shalt  }
0x85: {  	_ =	shalt  }
0x86: {  	_ =	shalt  }
0x87: {  	_ =	shalt  }
.Lfunc_end0:
.L_simem_size_0:
called_computation.2_lowered:
.L_overlay_start_0:
0x88: {  	s2 =	sld [smem:$0x3FD9]  }
0x89: {  	s3 =	sld [smem:$0x3FFE];
	_ =	sdelay $0x1  }
0x8a: {  	s1 =	srdreg.scid  }
0x8b: {  	s0 =	sand.u32 $0x1, s1  }
0x8c: {  	s16 =	sshll.u32 s0, $0xA;
	s2 =	sadd.s32 s3, s2  }
0x8d: {  	s2 =	sadd.s32 s2, s16  }
0x8e: {  	[smem:$0x3FC2] =	sst s2  }
0x8f: {  	_ = 	snop  }
0x90: {  	(tm) =	ssettm $0x1  }
0x91: {  	s17 =	sld [smem:$0x3FFB];
	_ =	sdelay $0x3  }
0x92: {  	_ =	strace s17  }
0x93: {  	s2 =	sld [smem:$0x3FFC];
	_ =	sdelay $0x3  }
0x94: {  	_ =	strace s2  }
0x95: {  	s2 =	sld [smem:$0x3FFD];
	_ =	sdelay $0x3  }
0x96: {  	_ =	strace s2  }
0x97: {  	_ =	strace $0x8FFFFFFF  }
0x98: {  	s18 =	sld [smem:$0x3FDB];
	_ =	sdelay $0x1  }
0x99: {  	s19 =	simm.s32 $_scs_section_size  }
0x9a: {  	s4 =	simm.s32 $_size__tile_overlayer_lowered;
	s5 =	simm.s32 $_tile_overlayer_lowered  }
0x9b: {  	s22 =	simm.s32 $0x1BFF;
	s21 =	sshll.u32 s5, $0x1;
	s2 =	sadd.s32 s19, s18  }
0x9c: {  	s6 =	simm.s32 $0x0;
	s20 =	sshll.u32 s4, $0x1;
	s4 =	sadd.s32 s21, s2  }
0x9d: {  	[timem:s6], [sflag:s22] =	dma.local [hbm:s4], s20  }
0x9e: {  	_ =	swait.ge [sflag:s22], s20  }
0x9f: {  	s3 =	ssub.s32 $0x0, s20;
	[sflag:s22] =	ssyncset.done $0x0  }
0xa0: {  	[sflag:s22] =	ssyncadd.s32 s3;
	_ =	sdelay $0x1  }
0xa1: {  	s23 =	simm.s32 $0x1B8B  }
0xa2: {  	_ =	swait.ge [sflag:s23], $0x1  }
0xa3: {  	[sflag:s23] =	ssyncset.done $0x0  }
0xa4: {  	s25 =	simm.s32 $0x1B8E;
	s24 =	sld [smem:$0x3FFE];
	[sflag:s23] =	ssyncadd.s32 $0xFFFFFFFF  }
0xa5: {  	s26 =	simm.s32 $execute0_lowered;
	[smem:$0x3FD2] =	sst s25  }
0xa6: {  	s4 =	sshll.u32 s26, $0x1;
	_ =	strace $0x8000004C;
	[dreg:$0x1] =	wrdreg $0xFFFFFFFF  }
0xa7: {  	s28 =	simm.s32 $_size_execute0_lowered;
	s2 =	sadd.s32 s2, s4;
	[dreg:$0x0] =	wrdreg $0x0  }
0xa8: {  	s4 =	sshll.u32 s28, $0x1;
	[dreg:$0x2] =	wrdreg s2  }
0xa9: {  	[dreg:$0x3] =	wrdreg s4  }
0xaa: {  	[dreg:$0x4] =	wrdreg $0xC0  }
0xab: {  	_ =	task [dreg:s6], $0x5FFFF  }
0xac: {  	[dreg:$0x1] =	wrdreg $0xFFFFFFFF  }
0xad: {  	[dreg:$0x0] =	wrdreg $0x60  }
0xae: {  	[dreg:$0x2] =	wrdreg s24  }
0xaf: {  	[dreg:$0x3] =	wrdreg $0x90000  }
0xb0: {  	[dreg:$0x4] =	wrdreg $0x9  }
0xb1: {  	_ =	task.clear_ibuf [dreg:s6], $0x5FFFF;
	_ =	strace $0x9000004C  }
0xb2: {  	s29 =	simm.s32 $0x9;
	_ =	strace $0x8000004E  }
0xb3: {  	_ =	swait.ge [sflag:s29], $0x1  }
0xb4: {  	[sflag:s29] =	ssyncadd.s32 $0xFFFFFFFF  }
0xb5: {  	_ =	strace $0x9000004E  }
0xb6: {  	_ =	sfence  }
0xb7: {  	s30 =	sld [smem:$0x0];
	_ =	sdelay $0x2  }
0xb8: {  	s31 =	sshll.u32 s1, $0xD;
	s1 =	sshrl.u32 s1, $0x2  }
0xb9: {  	s3 =	sand.u32 $0x4000, s31;
	s1 =	sadd.s32 s1, s30  }
0xba: {  	s0 =	sor.u32 s3, s0;
	s1 =	sshll.u32 s1, $0x11  }
0xbb: {  	s0 =	sor.u32 s1, s0  }
0xbc: {  	s0 =	sadd.s32 $0x8F2B, s0  }
0xbd: {  	[sflag:s0] =	ssyncadd.remote.s32 $0x1  }
0xbe: {  	_ =	sfence.sel $0xFFFF  }
0xbf: {  	[dreg:$0x0] =	wrdreg $0xFFFFFFFF;
	(pc) =	sbr.abs _section_cstart, $3  }
0xc0: {  	[dreg:$0x1] =	wrdreg $0xFFFFFFFF  }
0xc1: {  	_ =	task.clear_ibuf [dreg:s6], $0x2FFFF;
	_ =	strace $0x9FFFFFFF  }
0xc2: {  	(tm) =	ssettm $0x7FFFFFFF  }
0xc3: {  	_ =	shalt  }
tec
execute0_lowered:
.L_overlay_start_1:
0x0: {  	(tag) =	ssettag $0x1  }
0x1: {  	s0 =	srdreg.scid  }
0x2: {  	s4 =	stileid.u32;
	s5 =	rddreg [dreg:$0x0]  }
0x3: {  	s2 =	rddreg [dreg:$0x1];
	s3 =	simm.s32 $0x0;
	s14 =	simm.s32 $0x5000  }
0x4: {  	s15 =	simm.s32 $0x9;
	s16 =	simm.s32 $0x2800;
	s17 =	simm.s32 $0x80  }
0x5: {  	s18 =	simm.s32 $0x6000;
	s20 =	simm.s32 $0x7000;
	s22 =	simm.s32 $0x8000  }
0x6: {  	s23 =	simm.s32 $0x1;
	s24 =	simm.s32 $0x2;
	s29 =	simm.s32 $0x3  }
0x7: {  	s31 =	simm.s32 $0x6;
	s21 =	simm.s32 $0x7;
	s28 =	simm.s32 $0x8  }
0x8: {  	s0 =	sand.u32 $0x1, s0;
	s1 =	sshll.u32 s4, $0x1;
	s6 =	smul.u32 $0x5000, s4  }
0x9: {  	[smem:$0x7FF] =	sst s3;
	s8 =	smul.u32 $0x14000, s4;
	s4 =	sadd.s32 $0x15E00, s5  }
0xa: {  	s1 =	sor.u32 s0, s1;
	s7 =	smul.u32 $0x50000, s0;
	_ =	strace $0x8000004D  }
0xb: {  	s0 =	ssub.s32 $0x2, s0;
	s1 =	smul.u32 $0x500, s1;
	s8 =	sshrl.u32 s8, $0x2  }
0xc: {  	s25 =	sshrl.u32 s0, $0x1;
	s7 =	sadd.s32 s6, s7;
	s9 =	sadd.s32 s8, s2  }
0xd: {  	s0 =	ssub.s32 s0, s25;
	s1 =	sadd.s32 s1, s5;
	s7 =	sshrl.u32 s7, $0x3  }
.Ltmp0:
0xe: {  	s26 =	sadd.s32 $0x1000, s9;
	s30 =	sadd.s32 $0x2000, s9;
	(pc) =	sbr.rel .LBB2_1-.Ltmp0, $4  }
0xf: {  	s8 =	sadd.s32 $0x3000, s9;
	s9 =	sadd.s32 $0x4000, s9;
	s13 =	smax.u32 s0, $0x1  }
0x10: {  	s0 =	simm.s32 $0x4;
	s12 =	sadd.s32 s7, s5;
	[dreg:$0x3] =	wrdreg s26  }
0x11: {  	s5 =	sadd.s32 s6, s2;
	[dreg:$0x4] =	wrdreg s30;
	s10 =	sadd.s32 $0xBE00, s1  }
0x12: {  	v0 =	vimm.f32 $0.0e+00;
	s11 =	sadd.s32 $0x1E00, s1;
	s26 =	simm.s32 $0x5;
	s12 =	sadd.s32 $0xC9E00, s12  }
.LBB2_6:
0x13: {  	_ =	swait.ge [sflag:s26], $0x1000  }
0x14: {  	[sflag:s26] =	ssyncset.done $0x0  }
0x15: {  	[sflag:s26] =	ssyncadd.s32 $0xFFFFF000  }
0x16: {  	_ =	swait.ge [sflag:s31], $0x1000  }
0x17: {  	[sflag:s31] =	ssyncset.done $0x0  }
0x18: {  	[sflag:s31] =	ssyncadd.s32 $0xFFFFF000  }
0x19: {  	_ =	swait.ge [sflag:s21], $0x1000  }
0x1a: {  	[sflag:s21] =	ssyncset.done $0x0  }
0x1b: {  	[sflag:s21] =	ssyncadd.s32 $0xFFFFF000  }
0x1c: {  	s1 =	stileid.u32;
	_ =	swait.ge [sflag:s28], $0x1000  }
0x1d: {  	s6 =	sshrl.u32 s5, $0x3;
	s3 =	sadd.s32 $0x1, s3;
	[sflag:s28] =	ssyncset.done $0x0  }
0x1e: {  	s1 =	sshll.u32 s1, $0x6;
	p0 =	sne.s32 s3, s13;
	[sflag:s28] =	ssyncadd.s32 $0xFFFFF000  }
.Ltmp1:
0x1f: {  	s1 =	sor.u32 $0x1C09, s1;
	[bflag:$0x0] =	sbarrier.arrive $0xFFFF;
	(pc) =	sbr.rel @!p0 .LBB2_7-.Ltmp1, $4  }
0x20: {  	[hbm:s12], [sflag:s1] =	dma.local [spmem:s6], $0xA00  }
0x21: {  	_ =	swait.ge [sflag:s15], $0xA00  }
0x22: {  	[sflag:s15] =	ssyncset.done $0x0  }
0x23: {  	[sflag:s15] =	ssyncadd.s32 $0xFFFFF600  }
.LBB2_1:
0x24: {  	s1 =	simm.s32 $0x80;
	s30 =	simm.s32 $0x0  }
.LBB2_2:
0x25: {  	p0 =	sne.s32 s1, $0x3F80;
	[tilespmem:s30+$0x5000] =	vst v0;
	s19 =	smov.u32 s1;
	s1 =	sadd.s32 $0x80, s1  }
.Ltmp2:
0x26: {  	[tilespmem:s30+$0x5010] =	vst v0;
	(pc) =	sbr.rel @p0 .LBB2_2-.Ltmp2, $2  }
0x27: {  	_ =	sdelay $0x2  }
0x28: {  	s30 =	sshra.s32 s19, $0x2  }
0x29: {  	[tilespmem:s30+$0x5000] =	vst v0  }
0x2a: {  	[tilespmem:s30+$0x5010] =	vst v0  }
0x2b: {  	[spmem:s5] =	stream.linear.scatter [tilespmem:s14], [sflag:$0x9], $0x1000, $0x38;
	[tilespmem:$0xE000] =	vst v63  }
0x2c: {  	_ =	swait.ge [sflag:s15], $0x1000  }
0x2d: {  	[sflag:s15] =	ssyncset.done $0x0  }
0x2e: {  	s1 =	rddreg [dreg:$0x3];
	[sflag:s15] =	ssyncadd.s32 $0xFFFFF000  }
0x2f: {  	[spmem:s1] =	stream.linear.scatter [tilespmem:s14], [sflag:$0x9], $0x1000, $0x38;
	[tilespmem:$0xE000] =	vst v63  }
0x30: {  	_ =	swait.ge [sflag:s15], $0x1000  }
0x31: {  	[sflag:s15] =	ssyncset.done $0x0  }
0x32: {  	s25 =	rddreg [dreg:$0x4];
	[sflag:s15] =	ssyncadd.s32 $0xFFFFF000  }
0x33: {  	[spmem:s25] =	stream.linear.scatter [tilespmem:s14], [sflag:$0x9], $0x1000, $0x38;
	[tilespmem:$0xE000] =	vst v63  }
0x34: {  	_ =	swait.ge [sflag:s15], $0x1000  }
0x35: {  	[sflag:s15] =	ssyncset.done $0x0  }
0x36: {  	[sflag:s15] =	ssyncadd.s32 $0xFFFFF000  }
0x37: {  	[spmem:s8] =	stream.linear.scatter [tilespmem:s14], [sflag:$0x9], $0x1000, $0x38;
	[tilespmem:$0xE000] =	vst v63  }
0x38: {  	_ =	swait.ge [sflag:s15], $0x1000  }
0x39: {  	[sflag:s15] =	ssyncset.done $0x0  }
0x3a: {  	[sflag:s15] =	ssyncadd.s32 $0xFFFFF000  }
0x3b: {  	[spmem:s9] =	stream.linear.scatter [tilespmem:s14], [sflag:$0x9], $0x1000, $0x38;
	[tilespmem:$0xE000] =	vst v63  }
0x3c: {  	_ =	swait.ge [sflag:s15], $0x1000  }
0x3d: {  	[sflag:s15] =	ssyncset.done $0x0  }
0x3e: {  	s30 =	simm.s32 $0x0;
	[sflag:s15] =	ssyncadd.s32 $0xFFFFF000  }
0x3f: {  	[tilespmem:s30], [sflag:$0x9] =	stream.linear.gather [hbm4b:s10+s30], $0x2800, $0x38;
	[tilespmem:$0xE000] =	vst v63  }
0x40: {  	_ =	swait.ge [sflag:s15], $0x2800  }
0x41: {  	[sflag:s15] =	ssyncset.done $0x0  }
0x42: {  	[sflag:s15] =	ssyncadd.s32 $0xFFFFD800  }
0x43: {  	[tilespmem:s16], [sflag:$0x9] =	stream.linear.gather [hbm4b:s11+s30], $0x2800, $0x38;
	[tilespmem:$0xE000] =	vst v63  }
0x44: {  	_ =	swait.ge [sflag:s15], $0x2800  }
0x45: {  	[sflag:s15] =	ssyncset.done $0x0  }
0x46: {  	[sflag:s15] =	ssyncadd.s32 $0xFFFFD800  }
0x47: {  	[bflag:$0x0] =	sbarrier.arrive $0xFFFF  }
0x48: {  	[tilespmem:s14], [sflag:$0x1] =	stream.indirect.gather [hbm4b:s4+s17], $0x20, s30, s17, $0xb8;
	[tilespmem:$0xE000] =	vst v63  }
0x49: {  	_ = 	snop  }
0x4a: {  	[tilespmem:s18], [sflag:$0x2] =	stream.indirect.gather [hbm4b:s4+s17], $0x20, s17, s17, $0xb8;
	[tilespmem:$0xE000] =	vst v63  }
0x4b: {  	s6 =	simm.s32 $0x100  }
0x4c: {  	[tilespmem:s20], [sflag:$0x3] =	stream.indirect.gather [hbm4b:s4+s17], $0x20, s6, s17, $0xb8;
	[tilespmem:$0xE000] =	vst v63  }
0x4d: {  	s7 =	simm.s32 $0x180  }
0x4e: {  	[tilespmem:s22], [sflag:$0x4] =	stream.indirect.gather [hbm4b:s4+s17], $0x20, s7, s17, $0xb8;
	[tilespmem:$0xE000] =	vst v63  }
0x4f: {  	_ =	swait.ge [sflag:s23], $0x1000  }
0x50: {  	[sflag:s23] =	ssyncset.done $0x0  }
0x51: {  	[sflag:s23] =	ssyncadd.s32 $0xFFFFF000  }
0x52: {  	[spmem:s2] =	stream.indirect.scatter.add.f32 [tilespmem:s14], [sflag:$0x5], $0x20, s16, s17, $0xb8;
	[tilespmem:$0xE000] =	vst v63  }
0x53: {  	_ =	swait.ge [sflag:s24], $0x1000  }
0x54: {  	[sflag:s24] =	ssyncset.done $0x0  }
0x55: {  	s19 =	simm.s32 $0x2880;
	[sflag:s24] =	ssyncadd.s32 $0xFFFFF000  }
0x56: {  	[spmem:s2] =	stream.indirect.scatter.add.f32 [tilespmem:s18], [sflag:$0x6], $0x20, s19, s17, $0xb8;
	[tilespmem:$0xE000] =	vst v63  }
0x57: {  	_ =	swait.ge [sflag:s26], $0x1000  }
0x58: {  	[sflag:s26] =	ssyncset.done $0x0  }
0x59: {  	s25 =	simm.s32 $0x200;
	[sflag:s26] =	ssyncadd.s32 $0xFFFFF000  }
0x5a: {  	[tilespmem:s14], [sflag:$0x1] =	stream.indirect.gather [hbm4b:s4+s17], $0x20, s25, s17, $0xb8;
	[tilespmem:$0xE000] =	vst v63  }
0x5b: {  	_ =	swait.ge [sflag:s29], $0x1000  }
0x5c: {  	[sflag:s29] =	ssyncset.done $0x0  }
0x5d: {  	s6 =	simm.s32 $0x2900;
	[sflag:s29] =	ssyncadd.s32 $0xFFFFF000  }
0x5e: {  	[spmem:s2] =	stream.indirect.scatter.add.f32 [tilespmem:s20], [sflag:$0x7], $0x20, s6, s17, $0xb8;
	[tilespmem:$0xE000] =	vst v63  }
0x5f: {  	_ =	swait.ge [sflag:s31], $0x1000  }
0x60: {  	[sflag:s31] =	ssyncset.done $0x0  }
0x61: {  	s7 =	simm.s32 $0x280;
	[sflag:s31] =	ssyncadd.s32 $0xFFFFF000  }
0x62: {  	[tilespmem:s18], [sflag:$0x2] =	stream.indirect.gather [hbm4b:s4+s17], $0x20, s7, s17, $0xb8;
	[tilespmem:$0xE000] =	vst v63  }
0x63: {  	_ =	swait.ge [sflag:s0], $0x1000  }
0x64: {  	[sflag:s0] =	ssyncset.done $0x0  }
0x65: {  	s19 =	simm.s32 $0x2980;
	[sflag:s0] =	ssyncadd.s32 $0xFFFFF000  }
0x66: {  	[spmem:s2] =	stream.indirect.scatter.add.f32 [tilespmem:s22], [sflag:$0x8], $0x20, s19, s17, $0xb8;
	[tilespmem:$0xE000] =	vst v63  }
0x67: {  	_ =	swait.ge [sflag:s21], $0x1000  }
0x68: {  	[sflag:s21] =	ssyncset.done $0x0  }
0x69: {  	s25 =	simm.s32 $0x300;
	[sflag:s21] =	ssyncadd.s32 $0xFFFFF000  }
0x6a: {  	[tilespmem:s20], [sflag:$0x3] =	stream.indirect.gather [hbm4b:s4+s17], $0x20, s25, s17, $0xb8;
	[tilespmem:$0xE000] =	vst v63  }
.LBB2_4:
0x6b: {  	_ =	swait.ge [sflag:s23], $0x1000  }
0x6c: {  	s1 =	sshra.s32 s30, $0x2;
	[sflag:s23] =	ssyncset.done $0x0  }
0x6d: {  	s19 =	sadd.s32 $0x2A00, s1;
	[sflag:s23] =	ssyncadd.s32 $0xFFFFF000  }
0x6e: {  	[spmem:s2] =	stream.indirect.scatter.add.f32 [tilespmem:s14], [sflag:$0x5], $0x20, s19, s17, $0xb8;
	[tilespmem:$0xE000] =	vst v63  }
0x6f: {  	_ =	swait.ge [sflag:s28], $0x1000  }
0x70: {  	[sflag:s28] =	ssyncset.done $0x0  }
0x71: {  	s6 =	sadd.s32 $0x380, s1;
	[sflag:s28] =	ssyncadd.s32 $0xFFFFF000  }
0x72: {  	[tilespmem:s22], [sflag:$0x4] =	stream.indirect.gather [hbm4b:s4+s17], $0x20, s6, s17, $0xb8;
	[tilespmem:$0xE000] =	vst v63  }
0x73: {  	_ =	swait.ge [sflag:s24], $0x1000  }
0x74: {  	p0 =	seq.s32 s30, $0x9000;
	[sflag:s24] =	ssyncset.done $0x0  }
0x75: {  	s7 =	sadd.s32 $0x2A80, s1;
	s19 =	simm.s32 @p0 $0x3;
	[sflag:s24] =	ssyncadd.s32 $0xFFFFF000  }
0x76: {  	[spmem:s2] =	stream.indirect.scatter.add.f32 [tilespmem:s18], [sflag:$0x6], $0x20, s7, s17, $0xb8;
	[tilespmem:$0xE000] =	vst v63  }
0x77: {  	_ =	swait.ge @p0 [sflag:s19], $0x1000  }
0x78: {  	[sflag:s19] =	ssyncset.done @p0 $0x0  }
0x79: {  	[sflag:s19] =	ssyncadd.s32 @p0 $0xFFFFF000;
	s19 =	sshra.s32 @p0 s30, $0x2  }
0x7a: {  	s25 =	simm.s32 @p0 $0x80;
	s6 =	simm.s32 @p0 $0x7000;
	s19 =	sadd.s32 @p0 $0x2B00, s19  }
0x7b: {  	[spmem:s2] =	stream.indirect.scatter.add.f32 @p0 [tilespmem:s6], [sflag:$0x7], $0x20, s19, s25, $0xb8;
	[tilespmem:$0xE000] =	vst v63  }
0x7c: {  	s6 =	simm.s32 @!p0 $0x5  }
0x7d: {  	_ =	swait.ge @!p0 [sflag:s6], $0x1000  }
0x7e: {  	[sflag:s6] =	ssyncset.done @!p0 $0x0  }
0x7f: {  	[sflag:s6] =	ssyncadd.s32 @!p0 $0xFFFFF000;
	s6 =	sshra.s32 @!p0 s30, $0x2  }
0x80: {  	s7 =	simm.s32 @!p0 $0x5000;
	s25 =	simm.s32 @!p0 $0x80;
	s19 =	sadd.s32 @!p0 $0x400, s6  }
0x81: {  	[tilespmem:s7], [sflag:$0x1] =	stream.indirect.gather @!p0 [hbm4b:s4+s25], $0x20, s19, s25, $0xb8;
	[tilespmem:$0xE000] =	vst v63  }
0x82: {  	s7 =	simm.s32 @!p0 $0x3  }
0x83: {  	_ =	swait.ge @!p0 [sflag:s7], $0x1000  }
0x84: {  	[sflag:s7] =	ssyncset.done @!p0 $0x0  }
0x85: {  	s19 =	simm.s32 @!p0 $0x7000;
	[sflag:s7] =	ssyncadd.s32 @!p0 $0xFFFFF000;
	s7 =	sadd.s32 @!p0 $0x2B00, s6  }
0x86: {  	[spmem:s2] =	stream.indirect.scatter.add.f32 @!p0 [tilespmem:s19], [sflag:$0x7], $0x20, s7, s25, $0xb8;
	[tilespmem:$0xE000] =	vst v63  }
0x87: {  	s7 =	simm.s32 @!p0 $0x6  }
0x88: {  	_ =	swait.ge @!p0 [sflag:s7], $0x1000  }
0x89: {  	[sflag:s7] =	ssyncset.done @!p0 $0x0  }
0x8a: {  	s6 =	sadd.s32 @!p0 $0x480, s6;
	[sflag:s7] =	ssyncadd.s32 @!p0 $0xFFFFF000;
	s7 =	simm.s32 @!p0 $0x6000  }
0x8b: {  	[tilespmem:s7], [sflag:$0x2] =	stream.indirect.gather @!p0 [hbm4b:s4+s25], $0x20, s6, s25, $0xb8;
	[tilespmem:$0xE000] =	vst v63  }
.Ltmp3:
0x8c: {  	_ = 	snop;
	(pc) =	sbr.rel @p0 .LBB2_6-.Ltmp3, $4  }
0x8d: {  	_ =	swait.ge [sflag:s0], $0x1000  }
0x8e: {  	[sflag:s0] =	ssyncset.done $0x0  }
0x8f: {  	s25 =	sadd.s32 $0x2B80, s1;
	[sflag:s0] =	ssyncadd.s32 $0xFFFFF000  }
0x90: {  	[spmem:s2] =	stream.indirect.scatter.add.f32 [tilespmem:s22], [sflag:$0x8], $0x20, s25, s17, $0xb8;
	[tilespmem:$0xE000] =	vst v63  }
.Ltmp4:
0x91: {  	(pc) =	sbr.rel .LBB2_4-.Ltmp4, $4  }
0x92: {  	_ =	swait.ge [sflag:s21], $0x1000  }
0x93: {  	[sflag:s21] =	ssyncset.done $0x0  }
0x94: {  	s1 =	sadd.s32 $0x500, s1;
	s30 =	sadd.s32 $0x800, s30;
	[sflag:s21] =	ssyncadd.s32 $0xFFFFF000  }
0x95: {  	[tilespmem:s20], [sflag:$0x3] =	stream.indirect.gather [hbm4b:s4+s17], $0x20, s1, s17, $0xb8;
	[tilespmem:$0xE000] =	vst v63  }
.LBB2_7:
0x96: {  	_ =	sfence.sel $0x180000  }
0x97: {  	[bflag:$0x0] =	sbarrier.arrive $0xFFFF  }
0x98: {  	_ =	strace $0x9000004D  }
0x99: {  	s0 =	stileid.u32;
	[bflag:$0x2] =	sbarrier.arrive $0xFFFF  }
0x9a: {  	p0 =	sne.s32 s0, $0x0;
	s0 =	rddreg [dreg:$0x2]  }
0x9b: {  	s0 =	sadd.s32 @!p0 $0x100000, s0  }
0x9c: {  	[sflag:s0] =	ssyncadd.tile.s32 @!p0 $0x1;
	_ =	shalt  }
.Lfunc_end2:
_tile_overlayer_lowered:
.L_overlay_start_2:
0x9d: {  	(tag) =	ssettag $0x2  }
0x9e: {  	s0 =	rddreg [dreg:$0x0];
	s2 =	stileid.u32  }
0x9f: {  	s1 =	rddreg [dreg:$0x1];
	p0 =	sne.s32 s2, $0x0  }
0xa0: {  	s3 =	rddreg [dreg:$0x2];
	[bflag:$0x3] =	sbarrier.arrive $0xFFFF;
	s2 =	simm.s32 @!p0 $0x1C09  }
0xa1: {  	[timem:s3], [sflag:s2] =	dma.local @!p0 [hbm:s0], s1  }
0xa2: {  	s0 =	simm.s32 @!p0 $0x9  }
0xa3: {  	_ =	swait.ge @!p0 [sflag:s0], s1  }
0xa4: {  	s1 =	ssub.s32 @!p0 $0x0, s1;
	[sflag:s0] =	ssyncset.done @!p0 $0x0  }
0xa5: {  	[sflag:s0] =	ssyncadd.s32 @!p0 s1  }
0xa6: {  	[bflag:$0x3] =	sbarrier.arrive $0xFFFF  }
0xa7: {  	_ =	shalt  }

// kernel: kernel.8.cloned.1.call-start
scs
__scs_entry_jumppad:
0x0: {  	(pc) =	sbr.rel $0x88, $3  }
0x1: {  	(tag) =	ssettag $0x0;
	lr =	simm.s32 $0x1  }
0x2: {  	[smem:$0x3F9B] =	sst lr;
	_ =	strace $0xD0000000  }
0x3: {  	_ = 	snop  }
0x4: {  	_ = 	snop  }
0x5: {  	_ = 	snop  }
0x6: {  	_ = 	snop  }
0x7: {  	_ = 	snop  }
__scs_overlays_trampoline_lowered:
0x8: {  	[smem:$0x3FAA] =	sst s0  }
0x9: {  	[smem:$0x3FAB] =	sst s1  }
0xa: {  	[smem:$0x3FAC] =	sst s2  }
0xb: {  	[smem:$0x3FAD] =	sst s3  }
0xc: {  	[smem:$0x3FAE] =	sst s4  }
0xd: {  	[smem:$0x3FAF] =	sst s5  }
0xe: {  	[smem:$0x3FB0] =	sst s6  }
0xf: {  	[smem:$0x3FB1] =	sst s7  }
0x10: {  	[smem:$0x3FB2] =	sst s8  }
0x11: {  	[smem:$0x3FB3] =	sst s9;
	s0 =	simm.s32 @!p0 $0x0  }
0x12: {  	s1 =	sld [smem:$0x3F99];
	s0 =	simm.s32 @p0 $0x1  }
0x13: {  	[smem:$0x3FB4] =	sst s0;
	s0 =	simm.s32 @!p1 $0x0  }
0x14: {  	s2 =	sld [smem:$0x3F98];
	s0 =	simm.s32 @p1 $0x1  }
0x15: {  	[smem:$0x3FB5] =	sst s0;
	s0 =	simm.s32 @!p2 $0x0  }
0x16: {  	s3 =	sld [smem:$0x3FDB];
	s0 =	simm.s32 @p2 $0x1  }
0x17: {  	s4 =	simm.s32 $0x1BF5;
	[smem:$0x3FB7] =	sst s0  }
0x18: {  	s0 =	sld [smem:$0x3F9A];
	_ =	swait.ge [sflag:s4], $0x0  }
0x19: {  	s7 =	sld [smem:$0x3F9B]  }
0x1a: {  	s8 =	sadd.s32 $0xFFFFE003, lr  }
0x1b: {  	s9 =	sadd.s32 $0xFFFFFEF7, lr;
	s5 =	simm.s32 $0xFFFFFFFF;
	p2 =	slt.u32 s8, $0xFFFFF086  }
0x1c: {  	p1 =	slt.u32 s9, $0xF7A;
	s5 =	simm.s32 @!p2 $0x0  }
0x1d: {  	s5 =	simm.s32 @p1 $0x1;
	p0 =	seq.s32 s7, s2  }
0x1e: {  	s7 =	smul.u32 @!p0 $0xF7A, s2;
	p2 =	seq.s32 @!p0 s5, $0x0  }
0x1f: {  	s9 =	smul.u32 $0xF7A, s1;
	s8 =	simm.s32 @!p0 $0x1BF5;
	p2 =	por !p2, p0  }
0x20: {  	[sflag:s8] =	ssyncset.s32 @!p0 $0xFFFFF086;
	s6 =	sadd.s32 @!p0 s3, s7;
	s7 =	simm.s32 @!p0 $0x108  }
0x21: {  	s3 =	sadd.s32 s3, s9;
	s6 =	sadd.s32 @!p0 $0x88, s6;
	s7 =	simm.s32 @p2 $0x1082  }
0x22: {  	[simem:s7], [sflag:s8] =	dma.local @!p0 [hbm:s6], $0xF7A  }
0x23: {  	s9 =	sor.u32 $0xD0000000, s2;
	s6 =	simm.s32 $0x108;
	_ =	swait.ge @!p0 [sflag:s8], $0x0  }
0x24: {  	s3 =	sadd.s32 $0x88, s3;
	s6 =	simm.s32 @!p1 $0x1082;
	[sflag:s4] =	ssyncset.s32 $0xFFFFF086  }
0x25: {  	[simem:s6], [sflag:s4] =	dma.local [hbm:s3], $0xF7A  }
0x26: {  	[smem:$0x3F9B] =	sst s1;
	(tag) =	ssettag s2;
	_ =	strace s9  }
0x27: {  	s1 =	sld [smem:$0x3FAB]  }
0x28: {  	s2 =	sld [smem:$0x3FAC]  }
0x29: {  	s4 =	sld [smem:$0x3FAE]  }
0x2a: {  	p0 =	seq.s32 s5, $0x0;
	s5 =	sld [smem:$0x3FAF]  }
0x2b: {  	s6 =	sld [smem:$0x3FB0]  }
0x2c: {  	s7 =	sld [smem:$0x3FB1]  }
0x2d: {  	s3 =	simm.s32 $0x108;
	s8 =	sld [smem:$0x3FB2]  }
0x2e: {  	s3 =	simm.s32 @!p0 $0x1082;
	s9 =	sld [smem:$0x3FB3]  }
0x2f: {  	lr =	sadd.s32 s0, s3;
	s0 =	sld [smem:$0x3FAA]  }
0x30: {  	s3 =	sld [smem:$0x3FAD]  }
0x31: {  	[smem:$0x3FB6] =	sst s10  }
0x32: {  	s10 =	sld [smem:$0x3FB4];
	_ =	sdelay $0x3  }
0x33: {  	p0 =	seq.s32 s10, $0x1;
	s10 =	sld [smem:$0x3FB6];
	_ =	sdelay $0x3  }
0x34: {  	[smem:$0x3FB6] =	sst s10  }
0x35: {  	s10 =	sld [smem:$0x3FB5];
	_ =	sdelay $0x3  }
0x36: {  	p1 =	seq.s32 s10, $0x1;
	s10 =	sld [smem:$0x3FB6];
	_ =	sdelay $0x3  }
0x37: {  	[smem:$0x3FB6] =	sst s10  }
0x38: {  	s10 =	sld [smem:$0x3FB7]  }
0x39: {  	_ = 	snop;
	(pc) =	sbr.ind lr, $3  }
0x3a: {  	_ = 	snop  }
0x3b: {  	_ = 	snop  }
0x3c: {  	p2 =	seq.s32 s10, $0x1;
	s10 =	sld [smem:$0x3FB6]  }
0x3d: {  	_ =	shalt  }
0x3e: {  	_ =	shalt  }
0x3f: {  	_ =	shalt  }
0x40: {  	_ =	shalt  }
0x41: {  	_ =	shalt  }
0x42: {  	_ =	shalt  }
0x43: {  	_ =	shalt  }
0x44: {  	_ =	shalt  }
0x45: {  	_ =	shalt  }
0x46: {  	_ =	shalt  }
0x47: {  	_ =	shalt  }
0x48: {  	_ =	shalt  }
0x49: {  	_ =	shalt  }
0x4a: {  	_ =	shalt  }
0x4b: {  	_ =	shalt  }
0x4c: {  	_ =	shalt  }
0x4d: {  	_ =	shalt  }
0x4e: {  	_ =	shalt  }
0x4f: {  	_ =	shalt  }
0x50: {  	_ =	shalt  }
0x51: {  	_ =	shalt  }
0x52: {  	_ =	shalt  }
0x53: {  	_ =	shalt  }
0x54: {  	_ =	shalt  }
0x55: {  	_ =	shalt  }
0x56: {  	_ =	shalt  }
0x57: {  	_ =	shalt  }
0x58: {  	_ =	shalt  }
0x59: {  	_ =	shalt  }
0x5a: {  	_ =	shalt  }
0x5b: {  	_ =	shalt  }
0x5c: {  	_ =	shalt  }
0x5d: {  	_ =	shalt  }
0x5e: {  	_ =	shalt  }
0x5f: {  	_ =	shalt  }
0x60: {  	_ =	shalt  }
0x61: {  	_ =	shalt  }
0x62: {  	_ =	shalt  }
0x63: {  	_ =	shalt  }
0x64: {  	_ =	shalt  }
0x65: {  	_ =	shalt  }
0x66: {  	_ =	shalt  }
0x67: {  	_ =	shalt  }
0x68: {  	_ =	shalt  }
0x69: {  	_ =	shalt  }
0x6a: {  	_ =	shalt  }
0x6b: {  	_ =	shalt  }
0x6c: {  	_ =	shalt  }
0x6d: {  	_ =	shalt  }
0x6e: {  	_ =	shalt  }
0x6f: {  	_ =	shalt  }
0x70: {  	_ =	shalt  }
0x71: {  	_ =	shalt  }
0x72: {  	_ =	shalt  }
0x73: {  	_ =	shalt  }
0x74: {  	_ =	shalt  }
0x75: {  	_ =	shalt  }
0x76: {  	_ =	shalt  }
0x77: {  	_ =	shalt  }
0x78: {  	_ =	shalt  }
0x79: {  	_ =	shalt  }
0x7a: {  	_ =	shalt  }
0x7b: {  	_ =	shalt  }
0x7c: {  	_ =	shalt  }
0x7d: {  	_ =	shalt  }
0x7e: {  	_ =	shalt  }
0x7f: {  	_ =	shalt  }
0x80: {  	_ =	shalt  }
0x81: {  	_ =	shalt  }
0x82: {  	_ =	shalt  }
0x83: {  	_ =	shalt  }
0x84: {  	_ =	shalt  }
0x85: {  	_ =	shalt  }
0x86: {  	_ =	shalt  }
0x87: {  	_ =	shalt  }
.Lfunc_end0:
.L_simem_size_0:
called_computation_lowered:
.L_overlay_start_0:
0x88: {  	s2 =	sld [smem:$0x3FD9]  }
0x89: {  	s3 =	sld [smem:$0x3FFE];
	_ =	sdelay $0x1  }
0x8a: {  	s1 =	srdreg.scid  }
0x8b: {  	s0 =	sand.u32 $0x1, s1  }
0x8c: {  	s16 =	sshll.u32 s0, $0xA;
	s2 =	sadd.s32 s3, s2  }
0x8d: {  	s2 =	sadd.s32 s2, s16  }
0x8e: {  	[smem:$0x3FC2] =	sst s2  }
0x8f: {  	_ = 	snop  }
0x90: {  	(tm) =	ssettm $0x1  }
0x91: {  	s17 =	sld [smem:$0x3FFB];
	_ =	sdelay $0x3  }
0x92: {  	_ =	strace s17  }
0x93: {  	s2 =	sld [smem:$0x3FFC];
	_ =	sdelay $0x3  }
0x94: {  	_ =	strace s2  }
0x95: {  	s2 =	sld [smem:$0x3FFD];
	_ =	sdelay $0x3  }
0x96: {  	_ =	strace s2  }
0x97: {  	_ =	strace $0x8FFFFFFF  }
0x98: {  	s18 =	sld [smem:$0x3FDB];
	_ =	sdelay $0x1  }
0x99: {  	s19 =	simm.s32 $_scs_section_size  }
0x9a: {  	s4 =	simm.s32 $_size__tile_overlayer_lowered;
	s5 =	simm.s32 $_tile_overlayer_lowered  }
0x9b: {  	s22 =	simm.s32 $0x1BFF;
	s21 =	sshll.u32 s5, $0x1;
	s2 =	sadd.s32 s19, s18  }
0x9c: {  	s6 =	simm.s32 $0x0;
	s20 =	sshll.u32 s4, $0x1;
	s4 =	sadd.s32 s21, s2  }
0x9d: {  	[timem:s6], [sflag:s22] =	dma.local [hbm:s4], s20  }
0x9e: {  	_ =	swait.ge [sflag:s22], s20  }
0x9f: {  	s3 =	ssub.s32 $0x0, s20;
	[sflag:s22] =	ssyncset.done $0x0  }
0xa0: {  	[sflag:s22] =	ssyncadd.s32 s3;
	_ =	sdelay $0x1  }
0xa1: {  	s23 =	simm.s32 $0x1B8B  }
0xa2: {  	_ =	swait.ge [sflag:s23], $0x1  }
0xa3: {  	[sflag:s23] =	ssyncset.done $0x0  }
0xa4: {  	s25 =	simm.s32 $0x1B8E;
	s24 =	sld [smem:$0x3FFE];
	[sflag:s23] =	ssyncadd.s32 $0xFFFFFFFF  }
0xa5: {  	s26 =	simm.s32 $execute0_lowered;
	[smem:$0x3FD2] =	sst s25  }
0xa6: {  	s4 =	sshll.u32 s26, $0x1;
	_ =	strace $0x80000046;
	[dreg:$0x1] =	wrdreg $0xFFFFFFFF  }
0xa7: {  	s28 =	simm.s32 $_size_execute0_lowered;
	s2 =	sadd.s32 s2, s4;
	[dreg:$0x0] =	wrdreg $0x0  }
0xa8: {  	s4 =	sshll.u32 s28, $0x1;
	[dreg:$0x2] =	wrdreg s2  }
0xa9: {  	[dreg:$0x3] =	wrdreg s4  }
0xaa: {  	[dreg:$0x4] =	wrdreg $0xC0  }
0xab: {  	_ =	task [dreg:s6], $0x5FFFF  }
0xac: {  	[dreg:$0x1] =	wrdreg $0xFFFFFFFF  }
0xad: {  	[dreg:$0x0] =	wrdreg $0x60  }
0xae: {  	[dreg:$0x2] =	wrdreg s24  }
0xaf: {  	[dreg:$0x3] =	wrdreg $0x80000  }
0xb0: {  	[dreg:$0x4] =	wrdreg $0x9  }
0xb1: {  	_ =	task.clear_ibuf [dreg:s6], $0x5FFFF;
	_ =	strace $0x90000046  }
0xb2: {  	s29 =	simm.s32 $0x9;
	_ =	strace $0x80000048  }
0xb3: {  	_ =	swait.ge [sflag:s29], $0x1  }
0xb4: {  	[sflag:s29] =	ssyncadd.s32 $0xFFFFFFFF  }
0xb5: {  	_ =	strace $0x90000048  }
0xb6: {  	_ =	sfence  }
0xb7: {  	s30 =	sld [smem:$0x0];
	_ =	sdelay $0x2  }
0xb8: {  	s31 =	sshll.u32 s1, $0xD;
	s1 =	sshrl.u32 s1, $0x2  }
0xb9: {  	s3 =	sand.u32 $0x4000, s31;
	s1 =	sadd.s32 s1, s30  }
0xba: {  	s0 =	sor.u32 s3, s0;
	s1 =	sshll.u32 s1, $0x11  }
0xbb: {  	s0 =	sor.u32 s1, s0  }
0xbc: {  	s0 =	sadd.s32 $0x8F2B, s0  }
0xbd: {  	[sflag:s0] =	ssyncadd.remote.s32 $0x1  }
0xbe: {  	_ =	sfence.sel $0xFFFF  }
0xbf: {  	[dreg:$0x0] =	wrdreg $0xFFFFFFFF;
	(pc) =	sbr.abs _section_cstart, $3  }
0xc0: {  	[dreg:$0x1] =	wrdreg $0xFFFFFFFF  }
0xc1: {  	_ =	task.clear_ibuf [dreg:s6], $0x2FFFF;
	_ =	strace $0x9FFFFFFF  }
0xc2: {  	(tm) =	ssettm $0x7FFFFFFF  }
0xc3: {  	_ =	shalt  }
tec
execute0_lowered:
.L_overlay_start_1:
0x0: {  	(tag) =	ssettag $0x1  }
0x1: {  	s4 =	rddreg [dreg:$0x0]  }
0x2: {  	s2 =	rddreg [dreg:$0x1]  }
0x3: {  	s0 =	rddreg [dreg:$0x2];
	s3 =	srdreg.scid  }
0x4: {  	s1 =	stileid.u32;
	s12 =	simm.s32 $0x5800;
	s13 =	simm.s32 $0x3  }
0x5: {  	s14 =	simm.s32 $0x2800;
	s15 =	simm.s32 $0x80;
	s16 =	simm.s32 $0x5000  }
0x6: {  	s17 =	simm.s32 $0x1;
	s18 =	simm.s32 $0x2;
	s19 =	simm.s32 $0x0  }
0x7: {  	s5 =	sand.u32 $0x1, s3;
	s6 =	sshll.u32 s1, $0x1;
	s7 =	smul.u32 $0x2800, s1  }
0x8: {  	s3 =	simm.s32 $0x0;
	s6 =	sor.u32 s5, s6;
	s8 =	smul.u32 $0x50000, s5  }
0x9: {  	[smem:$0x7FF] =	sst s3;
	s5 =	ssub.s32 $0x2, s5;
	s6 =	smul.u32 $0x500, s6  }
0xa: {  	_ =	strace $0x80000047;
	s31 =	sshrl.u32 s5, $0x1;
	s8 =	sadd.s32 s7, s8  }
0xb: {  	s11 =	ssub.s32 s5, s31;
	s9 =	sadd.s32 s6, s4;
	s30 =	sshrl.u32 s8, $0x3  }
0xc: {  	s8 =	sadd.s32 $0x28000, s2;
	s11 =	smax.u32 s11, $0x1;
	s10 =	sadd.s32 s30, s4  }
0xd: {  	v0 =	vimm.f32 $0.0e+00;
	vm0 =	vcmask $0x300;
	s4 =	sadd.s32 s7, s2;
	s6 =	sadd.s32 $0xBE00, s9;
	s7 =	sadd.s32 $0x1E00, s9  }
0xe: {  	v1 =	vsel vm0, $0x3F800000, v0;
	s5 =	sadd.s32 $0x28000, s4;
	s9 =	sadd.s32 $0x15E00, s10;
	s10 =	sadd.s32 $0x1AE00, s10  }
.LBB2_1:
0xf: {  	s20 =	simm.s32 $0x0  }
.LBB2_2:
0x10: {  	p0 =	sne.s32 s20, $0x1FC0  }
.Ltmp0:
0x11: {  	_ = 	snop;
	(pc) =	sbr.rel @p0 .LBB2_2-.Ltmp0, $3  }
0x12: {  	_ =	sdelay $0x1  }
0x13: {  	s21 =	sshra.s32 s20, $0x2  }
0x14: {  	s20 =	sadd.s32 $0x40, s20;
	[tilespmem:s21+$0x5000] =	vst v1  }
0x15: {  	s20 =	simm.s32 $0x40;
	s21 =	simm.s32 $0x0  }
.LBB2_4:
0x16: {  	p0 =	sne.s32 s20, $0x9FC0;
	[tilespmem:s21+$0x5800] =	vst v0;
	s21 =	smov.u32 s20;
	s20 =	sadd.s32 $0x40, s20  }
.Ltmp1:
0x17: {  	(pc) =	sbr.rel @p0 .LBB2_4-.Ltmp1, $2  }
0x18: {  	_ =	sdelay $0x2  }
0x19: {  	s21 =	sshra.s32 s21, $0x2  }
0x1a: {  	[tilespmem:s21+$0x5800] =	vst v0  }
0x1b: {  	[spmem:s4] =	stream.linear.scatter [tilespmem:s12], [sflag:$0x3], $0x2800, $0x38;
	[tilespmem:$0xD000] =	vst v63  }
0x1c: {  	_ =	swait.ge [sflag:s13], $0x2800  }
0x1d: {  	[sflag:s13] =	ssyncset.done $0x0  }
0x1e: {  	[sflag:s13] =	ssyncadd.s32 $0xFFFFD800  }
0x1f: {  	[spmem:s5] =	stream.linear.scatter [tilespmem:s12], [sflag:$0x3], $0x2800, $0x38;
	[tilespmem:$0xD000] =	vst v63  }
0x20: {  	_ =	swait.ge [sflag:s13], $0x2800  }
0x21: {  	[sflag:s13] =	ssyncset.done $0x0  }
0x22: {  	[sflag:s13] =	ssyncadd.s32 $0xFFFFD800  }
0x23: {  	[tilespmem:s3], [sflag:$0x3] =	stream.linear.gather [hbm4b:s6+s3], $0x2800, $0x38;
	[tilespmem:$0xD000] =	vst v63  }
0x24: {  	_ =	swait.ge [sflag:s13], $0x2800  }
0x25: {  	[sflag:s13] =	ssyncset.done $0x0  }
0x26: {  	[sflag:s13] =	ssyncadd.s32 $0xFFFFD800  }
0x27: {  	[tilespmem:s14], [sflag:$0x3] =	stream.linear.gather [hbm4b:s7+s3], $0x2800, $0x38;
	[tilespmem:$0xD000] =	vst v63  }
0x28: {  	_ =	swait.ge [sflag:s13], $0x2800  }
0x29: {  	[sflag:s13] =	ssyncset.done $0x0  }
0x2a: {  	[sflag:s13] =	ssyncadd.s32 $0xFFFFD800  }
0x2b: {  	[bflag:$0x0] =	sbarrier.arrive $0xFFFF  }
0x2c: {  	[spmem:s2] =	stream.indirect.scatter.add.f32 [tilespmem:s16], [sflag:$0x1], $0x10, s3, s15, $0xb8;
	[tilespmem:$0xD000] =	vst v63  }
0x2d: {  	_ = 	snop  }
0x2e: {  	[spmem:s8] =	stream.indirect.scatter.add.f32 [tilespmem:s16], [sflag:$0x2], $0x10, s14, s15, $0xb8;
	[tilespmem:$0xD000] =	vst v63  }
0x2f: {  	s20 =	simm.s32 $0x80  }
0x30: {  	[spmem:s2] =	stream.indirect.scatter.add.f32 [tilespmem:s16], [sflag:$0x1], $0x10, s20, s15, $0xb8;
	[tilespmem:$0xD000] =	vst v63  }
0x31: {  	s31 =	simm.s32 $0x2880  }
0x32: {  	[spmem:s8] =	stream.indirect.scatter.add.f32 [tilespmem:s16], [sflag:$0x2], $0x10, s31, s15, $0xb8;
	[tilespmem:$0xD000] =	vst v63  }
0x33: {  	_ =	swait.ge [sflag:s17], $0x800  }
0x34: {  	[sflag:s17] =	ssyncset.done $0x0  }
0x35: {  	[sflag:s17] =	ssyncadd.s32 $0xFFFFF800  }
0x36: {  	_ =	swait.ge [sflag:s18], $0x800  }
0x37: {  	s21 =	simm.s32 $0x600;
	s20 =	simm.s32 $0x400;
	[sflag:s18] =	ssyncset.done $0x0  }
.LBB2_6:
0x38: {  	s22 =	sshra.s32 s20, $0x2  }
0x39: {  	[sflag:s18] =	ssyncadd.s32 $0xFFFFF800;
	s20 =	smov.u32 s21;
	s23 =	sadd.s32 $0x200, s21  }
0x3a: {  	[spmem:s2] =	stream.indirect.scatter.add.f32 [tilespmem:s16], [sflag:$0x1], $0x10, s22, s15, $0xb8;
	[tilespmem:$0xD000] =	vst v63  }
0x3b: {  	p0 =	sne.s32 s21, $0x9E00;
	s21 =	sadd.s32 $0x2800, s22  }
0x3c: {  	[spmem:s8] =	stream.indirect.scatter.add.f32 [tilespmem:s16], [sflag:$0x2], $0x10, s21, s15, $0xb8;
	[tilespmem:$0xD000] =	vst v63  }
.Ltmp2:
0x3d: {  	_ =	swait.ge [sflag:s17], $0x800;
	(pc) =	sbr.rel @p0 .LBB2_6-.Ltmp2, $4  }
0x3e: {  	[sflag:s17] =	ssyncset.done $0x0  }
0x3f: {  	[sflag:s17] =	ssyncadd.s32 $0xFFFFF800  }
0x40: {  	_ =	swait.ge [sflag:s18], $0x800  }
0x41: {  	s21 =	smov.u32 s23;
	[sflag:s18] =	ssyncset.done $0x0  }
0x42: {  	s20 =	sshra.s32 s20, $0x2;
	[sflag:s18] =	ssyncadd.s32 $0xFFFFF800  }
0x43: {  	[spmem:s2] =	stream.indirect.scatter.add.f32 [tilespmem:s16], [sflag:$0x1], $0x10, s20, s15, $0xb8;
	[tilespmem:$0xD000] =	vst v63  }
0x44: {  	s20 =	sadd.s32 $0x2800, s20  }
0x45: {  	[spmem:s8] =	stream.indirect.scatter.add.f32 [tilespmem:s16], [sflag:$0x2], $0x10, s20, s15, $0xb8;
	[tilespmem:$0xD000] =	vst v63  }
0x46: {  	_ =	swait.ge [sflag:s17], $0x800  }
0x47: {  	[sflag:s17] =	ssyncset.done $0x0  }
0x48: {  	[sflag:s17] =	ssyncadd.s32 $0xFFFFF800  }
0x49: {  	_ =	swait.ge [sflag:s18], $0x800  }
0x4a: {  	[sflag:s18] =	ssyncset.done $0x0  }
0x4b: {  	[sflag:s18] =	ssyncadd.s32 $0xFFFFF800  }
0x4c: {  	_ =	swait.ge [sflag:s17], $0x800  }
0x4d: {  	[sflag:s17] =	ssyncset.done $0x0  }
0x4e: {  	[sflag:s17] =	ssyncadd.s32 $0xFFFFF800  }
0x4f: {  	_ =	swait.ge [sflag:s18], $0x800  }
0x50: {  	[sflag:s18] =	ssyncset.done $0x0  }
0x51: {  	s30 =	sshll.u32 s1, $0x6;
	[sflag:s18] =	ssyncadd.s32 $0xFFFFF800  }
0x52: {  	s21 =	sshrl.u32 s4, $0x3;
	s20 =	sor.u32 $0x1C03, s30;
	[bflag:$0x0] =	sbarrier.arrive $0xFFFF  }
0x53: {  	[hbm:s9], [sflag:s20] =	dma.local [spmem:s21], $0x500  }
0x54: {  	s19 =	sadd.s32 $0x1, s19;
	_ =	swait.ge [sflag:s13], $0x500  }
0x55: {  	p0 =	sne.s32 s19, s11;
	[sflag:s13] =	ssyncset.done $0x0  }
.Ltmp3:
0x56: {  	s31 =	sshrl.u32 s5, $0x3;
	[sflag:s13] =	ssyncadd.s32 $0xFFFFFB00;
	(pc) =	sbr.rel @p0 .LBB2_1-.Ltmp3, $4  }
0x57: {  	[hbm:s10], [sflag:s20] =	dma.local [spmem:s31], $0x500  }
0x58: {  	_ =	swait.ge [sflag:s13], $0x500  }
0x59: {  	[sflag:s13] =	ssyncset.done $0x0  }
0x5a: {  	[sflag:s13] =	ssyncadd.s32 $0xFFFFFB00  }
0x5b: {  	_ =	sfence.sel $0x180000  }
0x5c: {  	[bflag:$0x0] =	sbarrier.arrive $0xFFFF  }
0x5d: {  	p0 =	sne.s32 s1, $0x0;
	_ =	strace $0x90000047  }
0x5e: {  	s0 =	sadd.s32 @!p0 $0x100000, s0;
	[bflag:$0x2] =	sbarrier.arrive $0xFFFF  }
0x5f: {  	[sflag:s0] =	ssyncadd.tile.s32 @!p0 $0x1;
	_ =	shalt  }
.Lfunc_end2:
_tile_overlayer_lowered:
.L_overlay_start_2:
0x60: {  	(tag) =	ssettag $0x2  }
0x61: {  	s0 =	rddreg [dreg:$0x0];
	s2 =	stileid.u32  }
0x62: {  	s1 =	rddreg [dreg:$0x1];
	p0 =	sne.s32 s2, $0x0  }
0x63: {  	s3 =	rddreg [dreg:$0x2];
	[bflag:$0x3] =	sbarrier.arrive $0xFFFF;
	s2 =	simm.s32 @!p0 $0x1C03  }
0x64: {  	[timem:s3], [sflag:s2] =	dma.local @!p0 [hbm:s0], s1  }
0x65: {  	s0 =	simm.s32 @!p0 $0x3  }
0x66: {  	_ =	swait.ge @!p0 [sflag:s0], s1  }
0x67: {  	s1 =	ssub.s32 @!p0 $0x0, s1;
	[sflag:s0] =	ssyncset.done @!p0 $0x0  }
0x68: {  	[sflag:s0] =	ssyncadd.s32 @!p0 s1  }
0x69: {  	[bflag:$0x3] =	sbarrier.arrive $0xFFFF  }
0x6a: {  	_ =	shalt  }

</sc_bundles>
